<compile_context>
chip_gen: v7x
topology: tpu7x:2x2x1
jax: 0.10.2.dev20260603
libtpu: 0.0.44.dev20260713+nightly
codegen_flags: <defaults>
</compile_context>

<pallas_src>
import functools

import jax
import jax.numpy as jnp
from jax import lax
from jax.experimental import pallas as pl
from jax.experimental.pallas import tpu as pltpu
from jax.experimental.pallas import tpu_sc as plsc

N = 10000
E = 320000
D_FEAT = 128
D_HID = 128
H = 256
N_OBJ = 32
N_CLS = 8

ROW_BLK = 2000

SC_CORES = 2
SC_SUBCORES = 16
NW = SC_CORES * SC_SUBCORES
PER_W = E // NW
CHUNK = 400
GROUPS = CHUNK // 16
NCH = PER_W // CHUNK


def _mean_body(hid_ref, out_ref):
    i = pl.program_id(0)

    @pl.when(i == 0)
    def _init():
        out_ref[...] = jnp.zeros_like(out_ref)

    out_ref[...] += jnp.sum(hid_ref[...], axis=0, keepdims=True)

    @pl.when(i == pl.num_programs(0) - 1)
    def _fin():
        out_ref[...] = out_ref[...] * (1.0 / N)


def _col_mean(node_hidden):
    return pl.pallas_call(
        _mean_body,
        grid=(N // ROW_BLK,),
        in_specs=[pl.BlockSpec((ROW_BLK, D_HID), lambda i: (i, 0))],
        out_specs=pl.BlockSpec((1, D_HID), lambda i: (0, 0)),
        out_shape=jax.ShapeDtypeStruct((1, D_HID), jnp.float32),
    )(node_hidden)


def _mlp_body(last_relu, feat_ref, hid_ref, mean_ref,
              W1, b1, W2, b2, W3, b3, out_ref, *maybe_pack_ref):
    x = jnp.concatenate(
        [feat_ref[...].astype(jnp.bfloat16), hid_ref[...].astype(jnp.bfloat16),
         jnp.broadcast_to(mean_ref[...].astype(jnp.bfloat16),
                          (ROW_BLK, D_HID))], axis=1)
    h = jnp.dot(x, W1[...].astype(jnp.bfloat16),
                preferred_element_type=jnp.float32) + b1[...]
    h = jnp.maximum(
        jnp.dot(h.astype(jnp.bfloat16), W2[...].astype(jnp.bfloat16),
                preferred_element_type=jnp.float32) + b2[...], 0.0)
    o = jnp.dot(h.astype(jnp.bfloat16), W3[...].astype(jnp.bfloat16),
                preferred_element_type=jnp.float32) + b3[...]
    o = jnp.maximum(o, 0.0) if last_relu else o
    out_ref[...] = o
    if maybe_pack_ref:
        ob = o.astype(jnp.bfloat16)
        lo = jax.lax.bitcast_convert_type(
            ob[:, :N_OBJ // 2], jnp.uint16).astype(jnp.uint32)
        hi = jax.lax.bitcast_convert_type(
            ob[:, N_OBJ // 2:], jnp.uint16).astype(jnp.uint32)
        maybe_pack_ref[0][...] = ((hi << 16) | lo).astype(jnp.int32)


def _full(shape):
    return pl.BlockSpec(shape, lambda i: tuple(0 for _ in shape))


def _mlp(last_relu, d_out, packed_copy, node_features, node_hidden, mean_h,
         W1, b1, W2, b2, W3, b3):
    out_specs = [pl.BlockSpec((ROW_BLK, d_out), lambda i: (i, 0))]
    out_shape = [jax.ShapeDtypeStruct((N, d_out), jnp.float32)]
    if packed_copy:
        out_specs.append(pl.BlockSpec((ROW_BLK, d_out // 2), lambda i: (i, 0)))
        out_shape.append(jax.ShapeDtypeStruct((N, d_out // 2), jnp.int32))
    return pl.pallas_call(
        functools.partial(_mlp_body, last_relu),
        grid=(N // ROW_BLK,),
        in_specs=[
            pl.BlockSpec((ROW_BLK, D_FEAT), lambda i: (i, 0)),
            pl.BlockSpec((ROW_BLK, D_HID), lambda i: (i, 0)),
            _full((1, D_HID)),
            _full((D_FEAT + 2 * D_HID, H)), _full((1, H)),
            _full((H, H)), _full((1, H)),
            _full((H, d_out)), _full((1, d_out)),
        ],
        out_specs=out_specs,
        out_shape=out_shape,
    )(node_features, node_hidden, mean_h, W1, b1, W2, b2, W3, b3)


def _edge_body(table_hbm, ei_hbm, out_hbm,
               idx_s, idx_d, rs_a, rd_a, rs_b, rd_b, out_v,
               ss_a, sd_a, ss_b, sd_b):
    wid = lax.axis_index("s") * SC_CORES + lax.axis_index("c")
    base = wid * PER_W
    pltpu.sync_copy(ei_hbm.at[0, pl.ds(base, PER_W)], idx_s)
    pltpu.sync_copy(ei_hbm.at[1, pl.ds(base, PER_W)], idx_d)
    lane = lax.iota(jnp.int32, 16)

    def start(c, rs, rd, ss, sd):
        off = c * CHUNK
        pltpu.make_async_copy(
            table_hbm.at[idx_s.at[pl.ds(off, CHUNK)]], rs, ss).start()
        pltpu.make_async_copy(
            table_hbm.at[idx_d.at[pl.ds(off, CHUNK)]], rd, sd).start()

    def wait(rs, rd, ss, sd):
        pltpu.make_async_copy(
            table_hbm.at[idx_s.at[pl.ds(0, CHUNK)]], rs, ss).wait()
        pltpu.make_async_copy(
            table_hbm.at[idx_d.at[pl.ds(0, CHUNK)]], rd, sd).wait()

    def compute(c, rs, rd):
        @plsc.parallel_loop(0, GROUPS, 1, unroll=5)
        def group_body(g):
            row_ids = g * 16 + lane
            accs = [jnp.zeros((16,), jnp.float32) for _ in range(4)]
            for k in range(N_OBJ // 2):
                col = jnp.bitwise_and(lane + k, N_OBJ // 2 - 1)
                sv = plsc.bitcast(
                    plsc.load_gather(rs, [row_ids, col]), jnp.bfloat16)
                dv = plsc.bitcast(
                    plsc.load_gather(rd, [row_ids, col]), jnp.bfloat16)
                plo, phi = plsc.unpack(
                    sv * dv, format=plsc.PackFormat.INTERLEAVED,
                    preferred_element_type=jnp.float32)
                accs[(2 * k) % 4] = accs[(2 * k) % 4] + plo
                accs[(2 * k + 1) % 4] = accs[(2 * k + 1) % 4] + phi
            out_v[pl.ds(c * CHUNK + g * 16, 16)] = (
                (accs[0] + accs[1]) + (accs[2] + accs[3]))

    start(0, rs_a, rd_a, ss_a, sd_a)

    def pair_body(i, carry):
        c0 = 2 * i

        @pl.when(c0 + 1 < NCH)
        def _():
            start(c0 + 1, rs_b, rd_b, ss_b, sd_b)

        wait(rs_a, rd_a, ss_a, sd_a)
        compute(c0, rs_a, rd_a)

        @pl.when(c0 + 2 < NCH)
        def _():
            start(c0 + 2, rs_a, rd_a, ss_a, sd_a)

        @pl.when(c0 + 1 < NCH)
        def _():
            wait(rs_b, rd_b, ss_b, sd_b)
            compute(c0 + 1, rs_b, rd_b)

        return carry

    lax.fori_loop(0, (NCH + 1) // 2, pair_body, 0)
    pltpu.sync_copy(out_v, out_hbm.at[pl.ds(base, PER_W)])


@functools.cache
def _edge_scores():
    return pl.kernel(
        _edge_body,
        out_type=jax.ShapeDtypeStruct((E,), jnp.float32),
        mesh=plsc.VectorSubcoreMesh(
            core_axis_name="c", subcore_axis_name="s",
            num_cores=SC_CORES, num_subcores=SC_SUBCORES),
        compiler_params=pltpu.CompilerParams(
            needs_layout_passes=False, use_tc_tiling_on_sc=False),
        scratch_types=[
            pltpu.VMEM((PER_W,), jnp.int32),
            pltpu.VMEM((PER_W,), jnp.int32),
            pltpu.VMEM((CHUNK, N_OBJ // 2), jnp.int32),
            pltpu.VMEM((CHUNK, N_OBJ // 2), jnp.int32),
            pltpu.VMEM((CHUNK, N_OBJ // 2), jnp.int32),
            pltpu.VMEM((CHUNK, N_OBJ // 2), jnp.int32),
            pltpu.VMEM((PER_W,), jnp.float32),
            pltpu.SemaphoreType.DMA,
            pltpu.SemaphoreType.DMA,
            pltpu.SemaphoreType.DMA,
            pltpu.SemaphoreType.DMA,
        ],
    )


def kernel(node_features, node_hidden, edge_index,
           obj_W1, obj_b1, obj_W2, obj_b2, obj_W3, obj_b3,
           nc_W1, nc_b1, nc_W2, nc_b2, nc_W3, nc_b3):
    mean_h = _col_mean(node_hidden)
    obj_pred, packed = _mlp(
        True, N_OBJ, True, node_features, node_hidden, mean_h,
        obj_W1, obj_b1.reshape(1, H), obj_W2, obj_b2.reshape(1, H),
        obj_W3, obj_b3.reshape(1, N_OBJ))
    edge_pred = _edge_scores()(packed, edge_index)
    [node_pred] = _mlp(
        False, N_CLS, False, node_features, node_hidden, mean_h,
        nc_W1, nc_b1.reshape(1, H), nc_W2, nc_b2.reshape(1, H),
        nc_W3, nc_b3.reshape(1, N_CLS))
    return obj_pred, edge_pred, node_pred

# --- scband reference (transcript-rebuilt; emitter-appended) ---
"""Pipeline reference for scband-object-assignment-57234734186745 (READ-ONLY COPY).

The authoritative reference and input builder live on the scoring server;
editing this copy changes nothing except your own understanding.
"""

import jax, jax.numpy as jnp
import numpy as np

N = 10000
E = 320000
D_FEAT = 128
D_HID = 128
D_IN = D_FEAT + 2 * D_HID  # node features + node hidden rep + broadcast mean hidden rep
H = 256
N_OBJ = 32
N_CLS = 8


def _linear_init(key, fan_in, fan_out):
    kw, kb = jax.random.split(key)
    s = 1.0 / np.sqrt(fan_in)
    W = jax.random.uniform(kw, (fan_in, fan_out), minval=-s, maxval=s, dtype=jnp.float32)
    b = jax.random.uniform(kb, (fan_out,), minval=-s, maxval=s, dtype=jnp.float32)
    return W, b


def setup_inputs(seed: int = 0):
    key = jax.random.key(seed)
    ks = jax.random.split(key, 9)
    inp = {}
    inp['node_features'] = jax.random.normal(ks[0], (N, D_FEAT), dtype=jnp.float32)
    inp['node_hidden'] = jax.random.normal(ks[1], (N, D_HID), dtype=jnp.float32)
    inp['edge_index'] = jax.random.randint(ks[2], (2, E), 0, N)
    # object_prediction MLP: Linear(384,256), Linear(256,256)+ReLU, Linear(256,32)+ReLU
    inp['obj_W1'], inp['obj_b1'] = _linear_init(ks[3], D_IN, H)
    inp['obj_W2'], inp['obj_b2'] = _linear_init(ks[4], H, H)
    inp['obj_W3'], inp['obj_b3'] = _linear_init(ks[5], H, N_OBJ)
    # node_classifier MLP: Linear(384,256), Linear(256,256)+ReLU, Linear(256,8)
    inp['nc_W1'], inp['nc_b1'] = _linear_init(ks[6], D_IN, H)
    inp['nc_W2'], inp['nc_b2'] = _linear_init(ks[7], H, H)
    inp['nc_W3'], inp['nc_b3'] = _linear_init(ks[8], H, N_CLS)
    return inp


def _object_prediction(x, W1, b1, W2, b2, W3, b3):
    # build_layers: first Linear has NO activation after it; ReLU follows each subsequent
    # hidden Linear; add_activation=ReLU after the output Linear.
    h = x @ W1 + b1
    h = jax.nn.relu(h @ W2 + b2)
    return jax.nn.relu(h @ W3 + b3)


def _node_classifier(x, W1, b1, W2, b2, W3, b3):
    h = x @ W1 + b1
    h = jax.nn.relu(h @ W2 + b2)
    return h @ W3 + b3


def reference(node_features, node_hidden, edge_index,
              obj_W1, obj_b1, obj_W2, obj_b2, obj_W3, obj_b3,
              nc_W1, nc_b1, nc_W2, nc_b2, nc_W3, nc_b3):
    # dgl.mean_nodes + broadcast_nodes over a single graph -> global mean broadcast to all nodes
    mean_h = jnp.mean(node_hidden, axis=0, keepdims=True)
    mean_b = jnp.broadcast_to(mean_h, node_hidden.shape)
    node_data = jnp.concatenate([node_features, node_hidden, mean_b], axis=1)
    obj_pred = _object_prediction(node_data, obj_W1, obj_b1, obj_W2, obj_b2, obj_W3, obj_b3)
    # apply_edges: edge prediction = sum(src_obj * dst_obj) -- gather on both endpoints
    src = edge_index[0]
    dst = edge_index[1]
    edge_pred = jnp.sum(jnp.take(obj_pred, src, axis=0) * jnp.take(obj_pred, dst, axis=0), axis=1)
    node_pred = _node_classifier(node_data, nc_W1, nc_b1, nc_W2, nc_b2, nc_W3, nc_b3)
    return obj_pred, edge_pred, node_pred

if __name__ == "__main__":
    import jax
    _d = setup_inputs()
    print(jax.jit(kernel)(*tuple(_d.values())))

</pallas_src>

<mosaic_0001>
#map = affine_map<(d0, d1) -> (0, 0)>
#map1 = affine_map<(d0, d1) -> (0)>
module attributes {stable_mosaic.version = 14 : i64} {
  func.func @_edge_body(%arg0: i32, %arg1: i32, %arg2: memref<10000x16xi32, #tpu.memory_space<hbm>>, %arg3: memref<2x320000xi32, #tpu.memory_space<hbm>>, %arg4: memref<320000xf32, #tpu.memory_space<hbm>>, %arg5: memref<10000xi32, #tpu.memory_space<vmem>>, %arg6: memref<10000xi32, #tpu.memory_space<vmem>>, %arg7: memref<400x16xi32, #tpu.memory_space<vmem>>, %arg8: memref<400x16xi32, #tpu.memory_space<vmem>>, %arg9: memref<400x16xi32, #tpu.memory_space<vmem>>, %arg10: memref<400x16xi32, #tpu.memory_space<vmem>>, %arg11: memref<10000xf32, #tpu.memory_space<vmem>>, %arg12: memref<!tpu.dma_semaphore, #tpu.memory_space<semaphore_mem>>, %arg13: memref<!tpu.dma_semaphore, #tpu.memory_space<semaphore_mem>>, %arg14: memref<!tpu.dma_semaphore, #tpu.memory_space<semaphore_mem>>, %arg15: memref<!tpu.dma_semaphore, #tpu.memory_space<semaphore_mem>>) attributes {dimension_semantics = [#tpu.dimension_semantics<core_parallel>, #tpu.dimension_semantics<subcore_parallel>], iteration_bounds = array<i64: 2, 16>, scalar_prefetch = 0 : i64, scratch_operands = 11 : i64, tpu.core_type = #tpu.core_type<sc_vector_subcore>, window_params = [{transform_indices = #map}, {transform_indices = #map}, {transform_indices = #map1}]} {
    %mul3A = arith.constant 2 : i32
    %mul3A_0 = arith.muli %arg1, %mul3A : i32
    %add3A = arith.addi %mul3A_0, %arg0 : i32
    %mul3A_1 = arith.constant 10000 : i32
    %mul3A_2 = arith.muli %add3A, %mul3A_1 : i32
    %run_scoped3A = arith.constant 0 : i32
    "tpu.region"() ({
      %run_scoped3A_18 = tpu.sem_alloc : memref<!tpu.dma_semaphore, #tpu.memory_space<semaphore_mem>>
      %dma_start3A_19 = tpu.memref_slice %arg3[%run_scoped3A, %mul3A_2] : memref<2x320000xi32, #tpu.memory_space<hbm>> -> memref<1x10000xi32, #tpu.memory_space<hbm>>
      %dma_start3A_20 = tpu.memref_squeeze %dma_start3A_19 : memref<1x10000xi32, #tpu.memory_space<hbm>> -> memref<10000xi32, #tpu.memory_space<hbm>>
      %dma_start3A_21 = tpu.memref_slice %arg3[%run_scoped3A, %mul3A_2] : memref<2x320000xi32, #tpu.memory_space<hbm>> -> memref<1x10000xi32, #tpu.memory_space<hbm>>
      %dma_start3A_22 = tpu.memref_squeeze %dma_start3A_21 : memref<1x10000xi32, #tpu.memory_space<hbm>> -> memref<10000xi32, #tpu.memory_space<hbm>>
      tpu.enqueue_dma source(%dma_start3A_22 : memref<10000xi32, #tpu.memory_space<hbm>>) target(%arg5 : memref<10000xi32, #tpu.memory_space<vmem>>) target_semaphore(%run_scoped3A_18 : memref<!tpu.dma_semaphore, #tpu.memory_space<semaphore_mem>>)
      %dma_wait3A = tpu.memref_slice %arg3[%run_scoped3A, %mul3A_2] : memref<2x320000xi32, #tpu.memory_space<hbm>> -> memref<1x10000xi32, #tpu.memory_space<hbm>>
      %dma_wait3A_23 = tpu.memref_squeeze %dma_wait3A : memref<1x10000xi32, #tpu.memory_space<hbm>> -> memref<10000xi32, #tpu.memory_space<hbm>>
      %dma_wait3A_24 = tpu.memref_slice %arg3[%run_scoped3A, %mul3A_2] : memref<2x320000xi32, #tpu.memory_space<hbm>> -> memref<1x10000xi32, #tpu.memory_space<hbm>>
      %dma_wait3A_25 = tpu.memref_squeeze %dma_wait3A_24 : memref<1x10000xi32, #tpu.memory_space<hbm>> -> memref<10000xi32, #tpu.memory_space<hbm>>
      tpu.wait_dma2 semaphore(%run_scoped3A_18 : memref<!tpu.dma_semaphore, #tpu.memory_space<semaphore_mem>>) src(%dma_wait3A_25 : memref<10000xi32, #tpu.memory_space<hbm>>) dst(%arg5 : memref<10000xi32, #tpu.memory_space<vmem>>)
      tpu.yield
    }) : () -> ()
    %run_scoped3A_3 = arith.constant 1 : i32
    "tpu.region"() ({
      %run_scoped3A_18 = tpu.sem_alloc : memref<!tpu.dma_semaphore, #tpu.memory_space<semaphore_mem>>
      %dma_start3A_19 = tpu.memref_slice %arg3[%run_scoped3A_3, %mul3A_2] : memref<2x320000xi32, #tpu.memory_space<hbm>> -> memref<1x10000xi32, #tpu.memory_space<hbm>>
      %dma_start3A_20 = tpu.memref_squeeze %dma_start3A_19 : memref<1x10000xi32, #tpu.memory_space<hbm>> -> memref<10000xi32, #tpu.memory_space<hbm>>
      %dma_start3A_21 = tpu.memref_slice %arg3[%run_scoped3A_3, %mul3A_2] : memref<2x320000xi32, #tpu.memory_space<hbm>> -> memref<1x10000xi32, #tpu.memory_space<hbm>>
      %dma_start3A_22 = tpu.memref_squeeze %dma_start3A_21 : memref<1x10000xi32, #tpu.memory_space<hbm>> -> memref<10000xi32, #tpu.memory_space<hbm>>
      tpu.enqueue_dma source(%dma_start3A_22 : memref<10000xi32, #tpu.memory_space<hbm>>) target(%arg6 : memref<10000xi32, #tpu.memory_space<vmem>>) target_semaphore(%run_scoped3A_18 : memref<!tpu.dma_semaphore, #tpu.memory_space<semaphore_mem>>)
      %dma_wait3A = tpu.memref_slice %arg3[%run_scoped3A_3, %mul3A_2] : memref<2x320000xi32, #tpu.memory_space<hbm>> -> memref<1x10000xi32, #tpu.memory_space<hbm>>
      %dma_wait3A_23 = tpu.memref_squeeze %dma_wait3A : memref<1x10000xi32, #tpu.memory_space<hbm>> -> memref<10000xi32, #tpu.memory_space<hbm>>
      %dma_wait3A_24 = tpu.memref_slice %arg3[%run_scoped3A_3, %mul3A_2] : memref<2x320000xi32, #tpu.memory_space<hbm>> -> memref<1x10000xi32, #tpu.memory_space<hbm>>
      %dma_wait3A_25 = tpu.memref_squeeze %dma_wait3A_24 : memref<1x10000xi32, #tpu.memory_space<hbm>> -> memref<10000xi32, #tpu.memory_space<hbm>>
      tpu.wait_dma2 semaphore(%run_scoped3A_18 : memref<!tpu.dma_semaphore, #tpu.memory_space<semaphore_mem>>) src(%dma_wait3A_25 : memref<10000xi32, #tpu.memory_space<hbm>>) dst(%arg6 : memref<10000xi32, #tpu.memory_space<vmem>>)
      tpu.yield
    }) : () -> ()
    %iota3A = tpu.iota {dimensions = array<i32: 0>} : vector<16xi32>
    %dma_start3A = arith.constant 0 : i32
    %dma_start3A_4 = tpu.memref_slice %arg5[%dma_start3A] : memref<10000xi32, #tpu.memory_space<vmem>> -> memref<400xi32, #tpu.memory_space<vmem>>
    %dma_start3A_5 = arith.constant 0 : i32
    %dma_start3A_6 = arith.constant 0 : i32
    %dma_start3A_7 = tpu.memref_slice %arg2[%dma_start3A_5, %dma_start3A_6] : memref<10000x16xi32, #tpu.memory_space<hbm>> -> memref<10000x16xi32, #tpu.memory_space<hbm>>
    tpu.enqueue_indirect_dma source(%dma_start3A_7 : memref<10000x16xi32, #tpu.memory_space<hbm>>) target(%arg7 : memref<400x16xi32, #tpu.memory_space<vmem>>) offsets(%dma_start3A_4 : memref<400xi32, #tpu.memory_space<vmem>>) semaphore(%arg12 : memref<!tpu.dma_semaphore, #tpu.memory_space<semaphore_mem>>)
    %dma_start3A_8 = arith.constant 0 : i32
    %dma_start3A_9 = tpu.memref_slice %arg6[%dma_start3A_8] : memref<10000xi32, #tpu.memory_space<vmem>> -> memref<400xi32, #tpu.memory_space<vmem>>
    %dma_start3A_10 = arith.constant 0 : i32
    %dma_start3A_11 = arith.constant 0 : i32
    %dma_start3A_12 = tpu.memref_slice %arg2[%dma_start3A_10, %dma_start3A_11] : memref<10000x16xi32, #tpu.memory_space<hbm>> -> memref<10000x16xi32, #tpu.memory_space<hbm>>
    tpu.enqueue_indirect_dma source(%dma_start3A_12 : memref<10000x16xi32, #tpu.memory_space<hbm>>) target(%arg8 : memref<400x16xi32, #tpu.memory_space<vmem>>) offsets(%dma_start3A_9 : memref<400xi32, #tpu.memory_space<vmem>>) semaphore(%arg13 : memref<!tpu.dma_semaphore, #tpu.memory_space<semaphore_mem>>)
    %scan3A = arith.constant 0 : i32
    %scan3A_13 = arith.constant 0 : i32
    %scan3A_14 = arith.constant 13 : i32
    %scan3A_15 = arith.addi %scan3A_13, %scan3A_14 : i32
    %scan3A_16 = arith.constant 1 : i32
    scf.for %scan3A_18 = %scan3A_13 to %scan3A_15 step %scan3A_16  : i32 {
      %mul3A_19 = arith.constant 2 : i32
      %mul3A_20 = arith.muli %mul3A_19, %scan3A_18 : i32
      %add3A_21 = arith.constant 1 : i32
      %add3A_22 = arith.addi %mul3A_20, %add3A_21 : i32
      %lt3A = arith.constant 25 : i32
      %lt3A_23 = arith.cmpi slt, %add3A_22, %lt3A : i32
      %convert_element_type3A = arith.extui %lt3A_23 : i1 to i32
      %cond3A = arith.constant 0 : i32
      %cond3A_24 = arith.cmpi ne, %convert_element_type3A, %cond3A : i32
      scf.if %cond3A_24 {
        %add3A_50 = arith.constant 1 : i32
        %add3A_51 = arith.addi %mul3A_20, %add3A_50 : i32
        %mul3A_52 = arith.constant 400 : i32
        %mul3A_53 = arith.muli %add3A_51, %mul3A_52 : i32
        %dma_start3A_54 = tpu.memref_slice %arg5[%mul3A_53] : memref<10000xi32, #tpu.memory_space<vmem>> -> memref<400xi32, #tpu.memory_space<vmem>>
        %dma_start3A_55 = arith.constant 0 : i32
        %dma_start3A_56 = arith.constant 0 : i32
        %dma_start3A_57 = tpu.memref_slice %arg2[%dma_start3A_55, %dma_start3A_56] : memref<10000x16xi32, #tpu.memory_space<hbm>> -> memref<10000x16xi32, #tpu.memory_space<hbm>>
        tpu.enqueue_indirect_dma source(%dma_start3A_57 : memref<10000x16xi32, #tpu.memory_space<hbm>>) target(%arg9 : memref<400x16xi32, #tpu.memory_space<vmem>>) offsets(%dma_start3A_54 : memref<400xi32, #tpu.memory_space<vmem>>) semaphore(%arg14 : memref<!tpu.dma_semaphore, #tpu.memory_space<semaphore_mem>>)
        %dma_start3A_58 = tpu.memref_slice %arg6[%mul3A_53] : memref<10000xi32, #tpu.memory_space<vmem>> -> memref<400xi32, #tpu.memory_space<vmem>>
        %dma_start3A_59 = arith.constant 0 : i32
        %dma_start3A_60 = arith.constant 0 : i32
        %dma_start3A_61 = tpu.memref_slice %arg2[%dma_start3A_59, %dma_start3A_60] : memref<10000x16xi32, #tpu.memory_space<hbm>> -> memref<10000x16xi32, #tpu.memory_space<hbm>>
        tpu.enqueue_indirect_dma source(%dma_start3A_61 : memref<10000x16xi32, #tpu.memory_space<hbm>>) target(%arg10 : memref<400x16xi32, #tpu.memory_space<vmem>>) offsets(%dma_start3A_58 : memref<400xi32, #tpu.memory_space<vmem>>) semaphore(%arg15 : memref<!tpu.dma_semaphore, #tpu.memory_space<semaphore_mem>>)
      } else {
      }
      %dma_wait3A = arith.constant 0 : i32
      %dma_wait3A_25 = tpu.memref_slice %arg5[%dma_wait3A] : memref<10000xi32, #tpu.memory_space<vmem>> -> memref<400xi32, #tpu.memory_space<vmem>>
      %dma_wait3A_26 = arith.constant 0 : i32
      %dma_wait3A_27 = arith.constant 0 : i32
      %dma_wait3A_28 = tpu.memref_slice %arg2[%dma_wait3A_26, %dma_wait3A_27] : memref<10000x16xi32, #tpu.memory_space<hbm>> -> memref<10000x16xi32, #tpu.memory_space<hbm>>
      tpu.wait_indirect_dma semaphore(%arg12 : memref<!tpu.dma_semaphore, #tpu.memory_space<semaphore_mem>>) src(%dma_wait3A_28 : memref<10000x16xi32, #tpu.memory_space<hbm>>) dst(%arg7 : memref<400x16xi32, #tpu.memory_space<vmem>>)
      %dma_wait3A_29 = arith.constant 0 : i32
      %dma_wait3A_30 = tpu.memref_slice %arg6[%dma_wait3A_29] : memref<10000xi32, #tpu.memory_space<vmem>> -> memref<400xi32, #tpu.memory_space<vmem>>
      %dma_wait3A_31 = arith.constant 0 : i32
      %dma_wait3A_32 = arith.constant 0 : i32
      %dma_wait3A_33 = tpu.memref_slice %arg2[%dma_wait3A_31, %dma_wait3A_32] : memref<10000x16xi32, #tpu.memory_space<hbm>> -> memref<10000x16xi32, #tpu.memory_space<hbm>>
      tpu.wait_indirect_dma semaphore(%arg13 : memref<!tpu.dma_semaphore, #tpu.memory_space<semaphore_mem>>) src(%dma_wait3A_33 : memref<10000x16xi32, #tpu.memory_space<hbm>>) dst(%arg8 : memref<400x16xi32, #tpu.memory_space<vmem>>)
      %parallel_loop3A = arith.constant 0 : i32
      %parallel_loop3A_34 = arith.constant 25 : i32
      %parallel_loop3A_35 = arith.constant 1 : i32
      scf.for %parallel_loop3A_50 = %parallel_loop3A to %parallel_loop3A_34 step %parallel_loop3A_35  : i32 {
        %parallel_loop3A_51 = arith.constant 16 : i32
        %parallel_loop3A_52 = arith.muli %parallel_loop3A_50, %parallel_loop3A_51 : i32
        %parallel_loop3A_53 = vector.broadcast %parallel_loop3A_52 : i32 to vector<16xi32>
        %parallel_loop3A_54 = arith.addi %parallel_loop3A_53, %iota3A : vector<16xi32>
        %parallel_loop3A_55 = arith.constant 0.000000e+00 : f32
        %parallel_loop3A_56 = vector.broadcast %parallel_loop3A_55 : f32 to vector<16xf32>
        %parallel_loop3A_57 = arith.constant 0.000000e+00 : f32
        %parallel_loop3A_58 = vector.broadcast %parallel_loop3A_57 : f32 to vector<16xf32>
        %parallel_loop3A_59 = arith.constant 0.000000e+00 : f32
        %parallel_loop3A_60 = vector.broadcast %parallel_loop3A_59 : f32 to vector<16xf32>
        %parallel_loop3A_61 = arith.constant 0.000000e+00 : f32
        %parallel_loop3A_62 = vector.broadcast %parallel_loop3A_61 : f32 to vector<16xf32>
        %parallel_loop3A_63 = arith.constant 0 : i32
        %parallel_loop3A_64 = vector.broadcast %parallel_loop3A_63 : i32 to vector<16xi32>
        %parallel_loop3A_65 = arith.addi %iota3A, %parallel_loop3A_64 : vector<16xi32>
        %parallel_loop3A_66 = arith.constant 15 : i32
        %parallel_loop3A_67 = vector.broadcast %parallel_loop3A_66 : i32 to vector<16xi32>
        %parallel_loop3A_68 = arith.andi %parallel_loop3A_65, %parallel_loop3A_67 : vector<16xi32>
        %parallel_loop3A_69 = tpu.vector_load_idx %arg7[%parallel_loop3A_54, %parallel_loop3A_68] : memref<400x16xi32, #tpu.memory_space<vmem>>[vector<16xi32>, vector<16xi32>], vector<16xi32>,
        %parallel_loop3A_70 = vector.bitcast %parallel_loop3A_69 : vector<16xi32> to vector<32xbf16>
        %parallel_loop3A_71 = tpu.vector_load_idx %arg8[%parallel_loop3A_54, %parallel_loop3A_68] : memref<400x16xi32, #tpu.memory_space<vmem>>[vector<16xi32>, vector<16xi32>], vector<16xi32>,
        %parallel_loop3A_72 = vector.bitcast %parallel_loop3A_71 : vector<16xi32> to vector<32xbf16>
        %parallel_loop3A_73 = arith.mulf %parallel_loop3A_70, %parallel_loop3A_72 : vector<32xbf16>
        %parallel_loop3A_74 = tpu.unpack_subelements %parallel_loop3A_73, 0 {pack_format = #tpu.pack_format<interleaved>} : vector<32xbf16> -> vector<16xf32>
        %parallel_loop3A_75 = tpu.unpack_subelements %parallel_loop3A_73, 1 {pack_format = #tpu.pack_format<interleaved>} : vector<32xbf16> -> vector<16xf32>
        %parallel_loop3A_76 = arith.addf %parallel_loop3A_56, %parallel_loop3A_74 : vector<16xf32>
        %parallel_loop3A_77 = arith.addf %parallel_loop3A_58, %parallel_loop3A_75 : vector<16xf32>
        %parallel_loop3A_78 = arith.constant 1 : i32
        %parallel_loop3A_79 = vector.broadcast %parallel_loop3A_78 : i32 to vector<16xi32>
        %parallel_loop3A_80 = arith.addi %iota3A, %parallel_loop3A_79 : vector<16xi32>
        %parallel_loop3A_81 = arith.constant 15 : i32
        %parallel_loop3A_82 = vector.broadcast %parallel_loop3A_81 : i32 to vector<16xi32>
        %parallel_loop3A_83 = arith.andi %parallel_loop3A_80, %parallel_loop3A_82 : vector<16xi32>
        %parallel_loop3A_84 = tpu.vector_load_idx %arg7[%parallel_loop3A_54, %parallel_loop3A_83] : memref<400x16xi32, #tpu.memory_space<vmem>>[vector<16xi32>, vector<16xi32>], vector<16xi32>,
        %parallel_loop3A_85 = vector.bitcast %parallel_loop3A_84 : vector<16xi32> to vector<32xbf16>
        %parallel_loop3A_86 = tpu.vector_load_idx %arg8[%parallel_loop3A_54, %parallel_loop3A_83] : memref<400x16xi32, #tpu.memory_space<vmem>>[vector<16xi32>, vector<16xi32>], vector<16xi32>,
        %parallel_loop3A_87 = vector.bitcast %parallel_loop3A_86 : vector<16xi32> to vector<32xbf16>
        %parallel_loop3A_88 = arith.mulf %parallel_loop3A_85, %parallel_loop3A_87 : vector<32xbf16>
        %parallel_loop3A_89 = tpu.unpack_subelements %parallel_loop3A_88, 0 {pack_format = #tpu.pack_format<interleaved>} : vector<32xbf16> -> vector<16xf32>
        %parallel_loop3A_90 = tpu.unpack_subelements %parallel_loop3A_88, 1 {pack_format = #tpu.pack_format<interleaved>} : vector<32xbf16> -> vector<16xf32>
        %parallel_loop3A_91 = arith.addf %parallel_loop3A_60, %parallel_loop3A_89 : vector<16xf32>
        %parallel_loop3A_92 = arith.addf %parallel_loop3A_62, %parallel_loop3A_90 : vector<16xf32>
        %parallel_loop3A_93 = arith.constant 2 : i32
        %parallel_loop3A_94 = vector.broadcast %parallel_loop3A_93 : i32 to vector<16xi32>
        %parallel_loop3A_95 = arith.addi %iota3A, %parallel_loop3A_94 : vector<16xi32>
        %parallel_loop3A_96 = arith.constant 15 : i32
        %parallel_loop3A_97 = vector.broadcast %parallel_loop3A_96 : i32 to vector<16xi32>
        %parallel_loop3A_98 = arith.andi %parallel_loop3A_95, %parallel_loop3A_97 : vector<16xi32>
        %parallel_loop3A_99 = tpu.vector_load_idx %arg7[%parallel_loop3A_54, %parallel_loop3A_98] : memref<400x16xi32, #tpu.memory_space<vmem>>[vector<16xi32>, vector<16xi32>], vector<16xi32>,
        %parallel_loop3A_100 = vector.bitcast %parallel_loop3A_99 : vector<16xi32> to vector<32xbf16>
        %parallel_loop3A_101 = tpu.vector_load_idx %arg8[%parallel_loop3A_54, %parallel_loop3A_98] : memref<400x16xi32, #tpu.memory_space<vmem>>[vector<16xi32>, vector<16xi32>], vector<16xi32>,
        %parallel_loop3A_102 = vector.bitcast %parallel_loop3A_101 : vector<16xi32> to vector<32xbf16>
        %parallel_loop3A_103 = arith.mulf %parallel_loop3A_100, %parallel_loop3A_102 : vector<32xbf16>
        %parallel_loop3A_104 = tpu.unpack_subelements %parallel_loop3A_103, 0 {pack_format = #tpu.pack_format<interleaved>} : vector<32xbf16> -> vector<16xf32>
        %parallel_loop3A_105 = tpu.unpack_subelements %parallel_loop3A_103, 1 {pack_format = #tpu.pack_format<interleaved>} : vector<32xbf16> -> vector<16xf32>
        %parallel_loop3A_106 = arith.addf %parallel_loop3A_76, %parallel_loop3A_104 : vector<16xf32>
        %parallel_loop3A_107 = arith.addf %parallel_loop3A_77, %parallel_loop3A_105 : vector<16xf32>
        %parallel_loop3A_108 = arith.constant 3 : i32
        %parallel_loop3A_109 = vector.broadcast %parallel_loop3A_108 : i32 to vector<16xi32>
        %parallel_loop3A_110 = arith.addi %iota3A, %parallel_loop3A_109 : vector<16xi32>
        %parallel_loop3A_111 = arith.constant 15 : i32
        %parallel_loop3A_112 = vector.broadcast %parallel_loop3A_111 : i32 to vector<16xi32>
        %parallel_loop3A_113 = arith.andi %parallel_loop3A_110, %parallel_loop3A_112 : vector<16xi32>
        %parallel_loop3A_114 = tpu.vector_load_idx %arg7[%parallel_loop3A_54, %parallel_loop3A_113] : memref<400x16xi32, #tpu.memory_space<vmem>>[vector<16xi32>, vector<16xi32>], vector<16xi32>,
        %parallel_loop3A_115 = vector.bitcast %parallel_loop3A_114 : vector<16xi32> to vector<32xbf16>
        %parallel_loop3A_116 = tpu.vector_load_idx %arg8[%parallel_loop3A_54, %parallel_loop3A_113] : memref<400x16xi32, #tpu.memory_space<vmem>>[vector<16xi32>, vector<16xi32>], vector<16xi32>,
        %parallel_loop3A_117 = vector.bitcast %parallel_loop3A_116 : vector<16xi32> to vector<32xbf16>
        %parallel_loop3A_118 = arith.mulf %parallel_loop3A_115, %parallel_loop3A_117 : vector<32xbf16>
        %parallel_loop3A_119 = tpu.unpack_subelements %parallel_loop3A_118, 0 {pack_format = #tpu.pack_format<interleaved>} : vector<32xbf16> -> vector<16xf32>
        %parallel_loop3A_120 = tpu.unpack_subelements %parallel_loop3A_118, 1 {pack_format = #tpu.pack_format<interleaved>} : vector<32xbf16> -> vector<16xf32>
        %parallel_loop3A_121 = arith.addf %parallel_loop3A_91, %parallel_loop3A_119 : vector<16xf32>
        %parallel_loop3A_122 = arith.addf %parallel_loop3A_92, %parallel_loop3A_120 : vector<16xf32>
        %parallel_loop3A_123 = arith.constant 4 : i32
        %parallel_loop3A_124 = vector.broadcast %parallel_loop3A_123 : i32 to vector<16xi32>
        %parallel_loop3A_125 = arith.addi %iota3A, %parallel_loop3A_124 : vector<16xi32>
        %parallel_loop3A_126 = arith.constant 15 : i32
        %parallel_loop3A_127 = vector.broadcast %parallel_loop3A_126 : i32 to vector<16xi32>
        %parallel_loop3A_128 = arith.andi %parallel_loop3A_125, %parallel_loop3A_127 : vector<16xi32>
        %parallel_loop3A_129 = tpu.vector_load_idx %arg7[%parallel_loop3A_54, %parallel_loop3A_128] : memref<400x16xi32, #tpu.memory_space<vmem>>[vector<16xi32>, vector<16xi32>], vector<16xi32>,
        %parallel_loop3A_130 = vector.bitcast %parallel_loop3A_129 : vector<16xi32> to vector<32xbf16>
        %parallel_loop3A_131 = tpu.vector_load_idx %arg8[%parallel_loop3A_54, %parallel_loop3A_128] : memref<400x16xi32, #tpu.memory_space<vmem>>[vector<16xi32>, vector<16xi32>], vector<16xi32>,
        %parallel_loop3A_132 = vector.bitcast %parallel_loop3A_131 : vector<16xi32> to vector<32xbf16>
        %parallel_loop3A_133 = arith.mulf %parallel_loop3A_130, %parallel_loop3A_132 : vector<32xbf16>
        %parallel_loop3A_134 = tpu.unpack_subelements %parallel_loop3A_133, 0 {pack_format = #tpu.pack_format<interleaved>} : vector<32xbf16> -> vector<16xf32>
        %parallel_loop3A_135 = tpu.unpack_subelements %parallel_loop3A_133, 1 {pack_format = #tpu.pack_format<interleaved>} : vector<32xbf16> -> vector<16xf32>
        %parallel_loop3A_136 = arith.addf %parallel_loop3A_106, %parallel_loop3A_134 : vector<16xf32>
        %parallel_loop3A_137 = arith.addf %parallel_loop3A_107, %parallel_loop3A_135 : vector<16xf32>
        %parallel_loop3A_138 = arith.constant 5 : i32
        %parallel_loop3A_139 = vector.broadcast %parallel_loop3A_138 : i32 to vector<16xi32>
        %parallel_loop3A_140 = arith.addi %iota3A, %parallel_loop3A_139 : vector<16xi32>
        %parallel_loop3A_141 = arith.constant 15 : i32
        %parallel_loop3A_142 = vector.broadcast %parallel_loop3A_141 : i32 to vector<16xi32>
        %parallel_loop3A_143 = arith.andi %parallel_loop3A_140, %parallel_loop3A_142 : vector<16xi32>
        %parallel_loop3A_144 = tpu.vector_load_idx %arg7[%parallel_loop3A_54, %parallel_loop3A_143] : memref<400x16xi32, #tpu.memory_space<vmem>>[vector<16xi32>, vector<16xi32>], vector<16xi32>,
        %parallel_loop3A_145 = vector.bitcast %parallel_loop3A_144 : vector<16xi32> to vector<32xbf16>
        %parallel_loop3A_146 = tpu.vector_load_idx %arg8[%parallel_loop3A_54, %parallel_loop3A_143] : memref<400x16xi32, #tpu.memory_space<vmem>>[vector<16xi32>, vector<16xi32>], vector<16xi32>,
        %parallel_loop3A_147 = vector.bitcast %parallel_loop3A_146 : vector<16xi32> to vector<32xbf16>
        %parallel_loop3A_148 = arith.mulf %parallel_loop3A_145, %parallel_loop3A_147 : vector<32xbf16>
        %parallel_loop3A_149 = tpu.unpack_subelements %parallel_loop3A_148, 0 {pack_format = #tpu.pack_format<interleaved>} : vector<32xbf16> -> vector<16xf32>
        %parallel_loop3A_150 = tpu.unpack_subelements %parallel_loop3A_148, 1 {pack_format = #tpu.pack_format<interleaved>} : vector<32xbf16> -> vector<16xf32>
        %parallel_loop3A_151 = arith.addf %parallel_loop3A_121, %parallel_loop3A_149 : vector<16xf32>
        %parallel_loop3A_152 = arith.addf %parallel_loop3A_122, %parallel_loop3A_150 : vector<16xf32>
        %parallel_loop3A_153 = arith.constant 6 : i32
        %parallel_loop3A_154 = vector.broadcast %parallel_loop3A_153 : i32 to vector<16xi32>
        %parallel_loop3A_155 = arith.addi %iota3A, %parallel_loop3A_154 : vector<16xi32>
        %parallel_loop3A_156 = arith.constant 15 : i32
        %parallel_loop3A_157 = vector.broadcast %parallel_loop3A_156 : i32 to vector<16xi32>
        %parallel_loop3A_158 = arith.andi %parallel_loop3A_155, %parallel_loop3A_157 : vector<16xi32>
        %parallel_loop3A_159 = tpu.vector_load_idx %arg7[%parallel_loop3A_54, %parallel_loop3A_158] : memref<400x16xi32, #tpu.memory_space<vmem>>[vector<16xi32>, vector<16xi32>], vector<16xi32>,
        %parallel_loop3A_160 = vector.bitcast %parallel_loop3A_159 : vector<16xi32> to vector<32xbf16>
        %parallel_loop3A_161 = tpu.vector_load_idx %arg8[%parallel_loop3A_54, %parallel_loop3A_158] : memref<400x16xi32, #tpu.memory_space<vmem>>[vector<16xi32>, vector<16xi32>], vector<16xi32>,
        %parallel_loop3A_162 = vector.bitcast %parallel_loop3A_161 : vector<16xi32> to vector<32xbf16>
        %parallel_loop3A_163 = arith.mulf %parallel_loop3A_160, %parallel_loop3A_162 : vector<32xbf16>
        %parallel_loop3A_164 = tpu.unpack_subelements %parallel_loop3A_163, 0 {pack_format = #tpu.pack_format<interleaved>} : vector<32xbf16> -> vector<16xf32>
        %parallel_loop3A_165 = tpu.unpack_subelements %parallel_loop3A_163, 1 {pack_format = #tpu.pack_format<interleaved>} : vector<32xbf16> -> vector<16xf32>
        %parallel_loop3A_166 = arith.addf %parallel_loop3A_136, %parallel_loop3A_164 : vector<16xf32>
        %parallel_loop3A_167 = arith.addf %parallel_loop3A_137, %parallel_loop3A_165 : vector<16xf32>
        %parallel_loop3A_168 = arith.constant 7 : i32
        %parallel_loop3A_169 = vector.broadcast %parallel_loop3A_168 : i32 to vector<16xi32>
        %parallel_loop3A_170 = arith.addi %iota3A, %parallel_loop3A_169 : vector<16xi32>
        %parallel_loop3A_171 = arith.constant 15 : i32
        %parallel_loop3A_172 = vector.broadcast %parallel_loop3A_171 : i32 to vector<16xi32>
        %parallel_loop3A_173 = arith.andi %parallel_loop3A_170, %parallel_loop3A_172 : vector<16xi32>
        %parallel_loop3A_174 = tpu.vector_load_idx %arg7[%parallel_loop3A_54, %parallel_loop3A_173] : memref<400x16xi32, #tpu.memory_space<vmem>>[vector<16xi32>, vector<16xi32>], vector<16xi32>,
        %parallel_loop3A_175 = vector.bitcast %parallel_loop3A_174 : vector<16xi32> to vector<32xbf16>
        %parallel_loop3A_176 = tpu.vector_load_idx %arg8[%parallel_loop3A_54, %parallel_loop3A_173] : memref<400x16xi32, #tpu.memory_space<vmem>>[vector<16xi32>, vector<16xi32>], vector<16xi32>,
        %parallel_loop3A_177 = vector.bitcast %parallel_loop3A_176 : vector<16xi32> to vector<32xbf16>
        %parallel_loop3A_178 = arith.mulf %parallel_loop3A_175, %parallel_loop3A_177 : vector<32xbf16>
        %parallel_loop3A_179 = tpu.unpack_subelements %parallel_loop3A_178, 0 {pack_format = #tpu.pack_format<interleaved>} : vector<32xbf16> -> vector<16xf32>
        %parallel_loop3A_180 = tpu.unpack_subelements %parallel_loop3A_178, 1 {pack_format = #tpu.pack_format<interleaved>} : vector<32xbf16> -> vector<16xf32>
        %parallel_loop3A_181 = arith.addf %parallel_loop3A_151, %parallel_loop3A_179 : vector<16xf32>
        %parallel_loop3A_182 = arith.addf %parallel_loop3A_152, %parallel_loop3A_180 : vector<16xf32>
        %parallel_loop3A_183 = arith.constant 8 : i32
        %parallel_loop3A_184 = vector.broadcast %parallel_loop3A_183 : i32 to vector<16xi32>
        %parallel_loop3A_185 = arith.addi %iota3A, %parallel_loop3A_184 : vector<16xi32>
        %parallel_loop3A_186 = arith.constant 15 : i32
        %parallel_loop3A_187 = vector.broadcast %parallel_loop3A_186 : i32 to vector<16xi32>
        %parallel_loop3A_188 = arith.andi %parallel_loop3A_185, %parallel_loop3A_187 : vector<16xi32>
        %parallel_loop3A_189 = tpu.vector_load_idx %arg7[%parallel_loop3A_54, %parallel_loop3A_188] : memref<400x16xi32, #tpu.memory_space<vmem>>[vector<16xi32>, vector<16xi32>], vector<16xi32>,
        %parallel_loop3A_190 = vector.bitcast %parallel_loop3A_189 : vector<16xi32> to vector<32xbf16>
        %parallel_loop3A_191 = tpu.vector_load_idx %arg8[%parallel_loop3A_54, %parallel_loop3A_188] : memref<400x16xi32, #tpu.memory_space<vmem>>[vector<16xi32>, vector<16xi32>], vector<16xi32>,
        %parallel_loop3A_192 = vector.bitcast %parallel_loop3A_191 : vector<16xi32> to vector<32xbf16>
        %parallel_loop3A_193 = arith.mulf %parallel_loop3A_190, %parallel_loop3A_192 : vector<32xbf16>
        %parallel_loop3A_194 = tpu.unpack_subelements %parallel_loop3A_193, 0 {pack_format = #tpu.pack_format<interleaved>} : vector<32xbf16> -> vector<16xf32>
        %parallel_loop3A_195 = tpu.unpack_subelements %parallel_loop3A_193, 1 {pack_format = #tpu.pack_format<interleaved>} : vector<32xbf16> -> vector<16xf32>
        %parallel_loop3A_196 = arith.addf %parallel_loop3A_166, %parallel_loop3A_194 : vector<16xf32>
        %parallel_loop3A_197 = arith.addf %parallel_loop3A_167, %parallel_loop3A_195 : vector<16xf32>
        %parallel_loop3A_198 = arith.constant 9 : i32
        %parallel_loop3A_199 = vector.broadcast %parallel_loop3A_198 : i32 to vector<16xi32>
        %parallel_loop3A_200 = arith.addi %iota3A, %parallel_loop3A_199 : vector<16xi32>
        %parallel_loop3A_201 = arith.constant 15 : i32
        %parallel_loop3A_202 = vector.broadcast %parallel_loop3A_201 : i32 to vector<16xi32>
        %parallel_loop3A_203 = arith.andi %parallel_loop3A_200, %parallel_loop3A_202 : vector<16xi32>
        %parallel_loop3A_204 = tpu.vector_load_idx %arg7[%parallel_loop3A_54, %parallel_loop3A_203] : memref<400x16xi32, #tpu.memory_space<vmem>>[vector<16xi32>, vector<16xi32>], vector<16xi32>,
        %parallel_loop3A_205 = vector.bitcast %parallel_loop3A_204 : vector<16xi32> to vector<32xbf16>
        %parallel_loop3A_206 = tpu.vector_load_idx %arg8[%parallel_loop3A_54, %parallel_loop3A_203] : memref<400x16xi32, #tpu.memory_space<vmem>>[vector<16xi32>, vector<16xi32>], vector<16xi32>,
        %parallel_loop3A_207 = vector.bitcast %parallel_loop3A_206 : vector<16xi32> to vector<32xbf16>
        %parallel_loop3A_208 = arith.mulf %parallel_loop3A_205, %parallel_loop3A_207 : vector<32xbf16>
        %parallel_loop3A_209 = tpu.unpack_subelements %parallel_loop3A_208, 0 {pack_format = #tpu.pack_format<interleaved>} : vector<32xbf16> -> vector<16xf32>
        %parallel_loop3A_210 = tpu.unpack_subelements %parallel_loop3A_208, 1 {pack_format = #tpu.pack_format<interleaved>} : vector<32xbf16> -> vector<16xf32>
        %parallel_loop3A_211 = arith.addf %parallel_loop3A_181, %parallel_loop3A_209 : vector<16xf32>
        %parallel_loop3A_212 = arith.addf %parallel_loop3A_182, %parallel_loop3A_210 : vector<16xf32>
        %parallel_loop3A_213 = arith.constant 10 : i32
        %parallel_loop3A_214 = vector.broadcast %parallel_loop3A_213 : i32 to vector<16xi32>
        %parallel_loop3A_215 = arith.addi %iota3A, %parallel_loop3A_214 : vector<16xi32>
        %parallel_loop3A_216 = arith.constant 15 : i32
        %parallel_loop3A_217 = vector.broadcast %parallel_loop3A_216 : i32 to vector<16xi32>
        %parallel_loop3A_218 = arith.andi %parallel_loop3A_215, %parallel_loop3A_217 : vector<16xi32>
        %parallel_loop3A_219 = tpu.vector_load_idx %arg7[%parallel_loop3A_54, %parallel_loop3A_218] : memref<400x16xi32, #tpu.memory_space<vmem>>[vector<16xi32>, vector<16xi32>], vector<16xi32>,
        %parallel_loop3A_220 = vector.bitcast %parallel_loop3A_219 : vector<16xi32> to vector<32xbf16>
        %parallel_loop3A_221 = tpu.vector_load_idx %arg8[%parallel_loop3A_54, %parallel_loop3A_218] : memref<400x16xi32, #tpu.memory_space<vmem>>[vector<16xi32>, vector<16xi32>], vector<16xi32>,
        %parallel_loop3A_222 = vector.bitcast %parallel_loop3A_221 : vector<16xi32> to vector<32xbf16>
        %parallel_loop3A_223 = arith.mulf %parallel_loop3A_220, %parallel_loop3A_222 : vector<32xbf16>
        %parallel_loop3A_224 = tpu.unpack_subelements %parallel_loop3A_223, 0 {pack_format = #tpu.pack_format<interleaved>} : vector<32xbf16> -> vector<16xf32>
        %parallel_loop3A_225 = tpu.unpack_subelements %parallel_loop3A_223, 1 {pack_format = #tpu.pack_format<interleaved>} : vector<32xbf16> -> vector<16xf32>
        %parallel_loop3A_226 = arith.addf %parallel_loop3A_196, %parallel_loop3A_224 : vector<16xf32>
        %parallel_loop3A_227 = arith.addf %parallel_loop3A_197, %parallel_loop3A_225 : vector<16xf32>
        %parallel_loop3A_228 = arith.constant 11 : i32
        %parallel_loop3A_229 = vector.broadcast %parallel_loop3A_228 : i32 to vector<16xi32>
        %parallel_loop3A_230 = arith.addi %iota3A, %parallel_loop3A_229 : vector<16xi32>
        %parallel_loop3A_231 = arith.constant 15 : i32
        %parallel_loop3A_232 = vector.broadcast %parallel_loop3A_231 : i32 to vector<16xi32>
        %parallel_loop3A_233 = arith.andi %parallel_loop3A_230, %parallel_loop3A_232 : vector<16xi32>
        %parallel_loop3A_234 = tpu.vector_load_idx %arg7[%parallel_loop3A_54, %parallel_loop3A_233] : memref<400x16xi32, #tpu.memory_space<vmem>>[vector<16xi32>, vector<16xi32>], vector<16xi32>,
        %parallel_loop3A_235 = vector.bitcast %parallel_loop3A_234 : vector<16xi32> to vector<32xbf16>
        %parallel_loop3A_236 = tpu.vector_load_idx %arg8[%parallel_loop3A_54, %parallel_loop3A_233] : memref<400x16xi32, #tpu.memory_space<vmem>>[vector<16xi32>, vector<16xi32>], vector<16xi32>,
        %parallel_loop3A_237 = vector.bitcast %parallel_loop3A_236 : vector<16xi32> to vector<32xbf16>
        %parallel_loop3A_238 = arith.mulf %parallel_loop3A_235, %parallel_loop3A_237 : vector<32xbf16>
        %parallel_loop3A_239 = tpu.unpack_subelements %parallel_loop3A_238, 0 {pack_format = #tpu.pack_format<interleaved>} : vector<32xbf16> -> vector<16xf32>
        %parallel_loop3A_240 = tpu.unpack_subelements %parallel_loop3A_238, 1 {pack_format = #tpu.pack_format<interleaved>} : vector<32xbf16> -> vector<16xf32>
        %parallel_loop3A_241 = arith.addf %parallel_loop3A_211, %parallel_loop3A_239 : vector<16xf32>
        %parallel_loop3A_242 = arith.addf %parallel_loop3A_212, %parallel_loop3A_240 : vector<16xf32>
        %parallel_loop3A_243 = arith.constant 12 : i32
        %parallel_loop3A_244 = vector.broadcast %parallel_loop3A_243 : i32 to vector<16xi32>
        %parallel_loop3A_245 = arith.addi %iota3A, %parallel_loop3A_244 : vector<16xi32>
        %parallel_loop3A_246 = arith.constant 15 : i32
        %parallel_loop3A_247 = vector.broadcast %parallel_loop3A_246 : i32 to vector<16xi32>
        %parallel_loop3A_248 = arith.andi %parallel_loop3A_245, %parallel_loop3A_247 : vector<16xi32>
        %parallel_loop3A_249 = tpu.vector_load_idx %arg7[%parallel_loop3A_54, %parallel_loop3A_248] : memref<400x16xi32, #tpu.memory_space<vmem>>[vector<16xi32>, vector<16xi32>], vector<16xi32>,
        %parallel_loop3A_250 = vector.bitcast %parallel_loop3A_249 : vector<16xi32> to vector<32xbf16>
        %parallel_loop3A_251 = tpu.vector_load_idx %arg8[%parallel_loop3A_54, %parallel_loop3A_248] : memref<400x16xi32, #tpu.memory_space<vmem>>[vector<16xi32>, vector<16xi32>], vector<16xi32>,
        %parallel_loop3A_252 = vector.bitcast %parallel_loop3A_251 : vector<16xi32> to vector<32xbf16>
        %parallel_loop3A_253 = arith.mulf %parallel_loop3A_250, %parallel_loop3A_252 : vector<32xbf16>
        %parallel_loop3A_254 = tpu.unpack_subelements %parallel_loop3A_253, 0 {pack_format = #tpu.pack_format<interleaved>} : vector<32xbf16> -> vector<16xf32>
        %parallel_loop3A_255 = tpu.unpack_subelements %parallel_loop3A_253, 1 {pack_format = #tpu.pack_format<interleaved>} : vector<32xbf16> -> vector<16xf32>
        %parallel_loop3A_256 = arith.addf %parallel_loop3A_226, %parallel_loop3A_254 : vector<16xf32>
        %parallel_loop3A_257 = arith.addf %parallel_loop3A_227, %parallel_loop3A_255 : vector<16xf32>
        %parallel_loop3A_258 = arith.constant 13 : i32
        %parallel_loop3A_259 = vector.broadcast %parallel_loop3A_258 : i32 to vector<16xi32>
        %parallel_loop3A_260 = arith.addi %iota3A, %parallel_loop3A_259 : vector<16xi32>
        %parallel_loop3A_261 = arith.constant 15 : i32
        %parallel_loop3A_262 = vector.broadcast %parallel_loop3A_261 : i32 to vector<16xi32>
        %parallel_loop3A_263 = arith.andi %parallel_loop3A_260, %parallel_loop3A_262 : vector<16xi32>
        %parallel_loop3A_264 = tpu.vector_load_idx %arg7[%parallel_loop3A_54, %parallel_loop3A_263] : memref<400x16xi32, #tpu.memory_space<vmem>>[vector<16xi32>, vector<16xi32>], vector<16xi32>,
        %parallel_loop3A_265 = vector.bitcast %parallel_loop3A_264 : vector<16xi32> to vector<32xbf16>
        %parallel_loop3A_266 = tpu.vector_load_idx %arg8[%parallel_loop3A_54, %parallel_loop3A_263] : memref<400x16xi32, #tpu.memory_space<vmem>>[vector<16xi32>, vector<16xi32>], vector<16xi32>,
        %parallel_loop3A_267 = vector.bitcast %parallel_loop3A_266 : vector<16xi32> to vector<32xbf16>
        %parallel_loop3A_268 = arith.mulf %parallel_loop3A_265, %parallel_loop3A_267 : vector<32xbf16>
        %parallel_loop3A_269 = tpu.unpack_subelements %parallel_loop3A_268, 0 {pack_format = #tpu.pack_format<interleaved>} : vector<32xbf16> -> vector<16xf32>
        %parallel_loop3A_270 = tpu.unpack_subelements %parallel_loop3A_268, 1 {pack_format = #tpu.pack_format<interleaved>} : vector<32xbf16> -> vector<16xf32>
        %parallel_loop3A_271 = arith.addf %parallel_loop3A_241, %parallel_loop3A_269 : vector<16xf32>
        %parallel_loop3A_272 = arith.addf %parallel_loop3A_242, %parallel_loop3A_270 : vector<16xf32>
        %parallel_loop3A_273 = arith.constant 14 : i32
        %parallel_loop3A_274 = vector.broadcast %parallel_loop3A_273 : i32 to vector<16xi32>
        %parallel_loop3A_275 = arith.addi %iota3A, %parallel_loop3A_274 : vector<16xi32>
        %parallel_loop3A_276 = arith.constant 15 : i32
        %parallel_loop3A_277 = vector.broadcast %parallel_loop3A_276 : i32 to vector<16xi32>
        %parallel_loop3A_278 = arith.andi %parallel_loop3A_275, %parallel_loop3A_277 : vector<16xi32>
        %parallel_loop3A_279 = tpu.vector_load_idx %arg7[%parallel_loop3A_54, %parallel_loop3A_278] : memref<400x16xi32, #tpu.memory_space<vmem>>[vector<16xi32>, vector<16xi32>], vector<16xi32>,
        %parallel_loop3A_280 = vector.bitcast %parallel_loop3A_279 : vector<16xi32> to vector<32xbf16>
        %parallel_loop3A_281 = tpu.vector_load_idx %arg8[%parallel_loop3A_54, %parallel_loop3A_278] : memref<400x16xi32, #tpu.memory_space<vmem>>[vector<16xi32>, vector<16xi32>], vector<16xi32>,
        %parallel_loop3A_282 = vector.bitcast %parallel_loop3A_281 : vector<16xi32> to vector<32xbf16>
        %parallel_loop3A_283 = arith.mulf %parallel_loop3A_280, %parallel_loop3A_282 : vector<32xbf16>
        %parallel_loop3A_284 = tpu.unpack_subelements %parallel_loop3A_283, 0 {pack_format = #tpu.pack_format<interleaved>} : vector<32xbf16> -> vector<16xf32>
        %parallel_loop3A_285 = tpu.unpack_subelements %parallel_loop3A_283, 1 {pack_format = #tpu.pack_format<interleaved>} : vector<32xbf16> -> vector<16xf32>
        %parallel_loop3A_286 = arith.addf %parallel_loop3A_256, %parallel_loop3A_284 : vector<16xf32>
        %parallel_loop3A_287 = arith.addf %parallel_loop3A_257, %parallel_loop3A_285 : vector<16xf32>
        %parallel_loop3A_288 = arith.constant 15 : i32
        %parallel_loop3A_289 = vector.broadcast %parallel_loop3A_288 : i32 to vector<16xi32>
        %parallel_loop3A_290 = arith.addi %iota3A, %parallel_loop3A_289 : vector<16xi32>
        %parallel_loop3A_291 = arith.constant 15 : i32
        %parallel_loop3A_292 = vector.broadcast %parallel_loop3A_291 : i32 to vector<16xi32>
        %parallel_loop3A_293 = arith.andi %parallel_loop3A_290, %parallel_loop3A_292 : vector<16xi32>
        %parallel_loop3A_294 = tpu.vector_load_idx %arg7[%parallel_loop3A_54, %parallel_loop3A_293] : memref<400x16xi32, #tpu.memory_space<vmem>>[vector<16xi32>, vector<16xi32>], vector<16xi32>,
        %parallel_loop3A_295 = vector.bitcast %parallel_loop3A_294 : vector<16xi32> to vector<32xbf16>
        %parallel_loop3A_296 = tpu.vector_load_idx %arg8[%parallel_loop3A_54, %parallel_loop3A_293] : memref<400x16xi32, #tpu.memory_space<vmem>>[vector<16xi32>, vector<16xi32>], vector<16xi32>,
        %parallel_loop3A_297 = vector.bitcast %parallel_loop3A_296 : vector<16xi32> to vector<32xbf16>
        %parallel_loop3A_298 = arith.mulf %parallel_loop3A_295, %parallel_loop3A_297 : vector<32xbf16>
        %parallel_loop3A_299 = tpu.unpack_subelements %parallel_loop3A_298, 0 {pack_format = #tpu.pack_format<interleaved>} : vector<32xbf16> -> vector<16xf32>
        %parallel_loop3A_300 = tpu.unpack_subelements %parallel_loop3A_298, 1 {pack_format = #tpu.pack_format<interleaved>} : vector<32xbf16> -> vector<16xf32>
        %parallel_loop3A_301 = arith.addf %parallel_loop3A_271, %parallel_loop3A_299 : vector<16xf32>
        %parallel_loop3A_302 = arith.addf %parallel_loop3A_272, %parallel_loop3A_300 : vector<16xf32>
        %parallel_loop3A_303 = arith.addf %parallel_loop3A_286, %parallel_loop3A_287 : vector<16xf32>
        %parallel_loop3A_304 = arith.addf %parallel_loop3A_301, %parallel_loop3A_302 : vector<16xf32>
        %parallel_loop3A_305 = arith.addf %parallel_loop3A_303, %parallel_loop3A_304 : vector<16xf32>
        %parallel_loop3A_306 = arith.constant 400 : i32
        %parallel_loop3A_307 = arith.muli %mul3A_20, %parallel_loop3A_306 : i32
        %parallel_loop3A_308 = arith.constant 16 : i32
        %parallel_loop3A_309 = arith.muli %parallel_loop3A_50, %parallel_loop3A_308 : i32
        %parallel_loop3A_310 = arith.addi %parallel_loop3A_307, %parallel_loop3A_309 : i32
        %parallel_loop3A_311 = arith.index_cast %parallel_loop3A_310 : i32 to index
        %parallel_loop3A_312 = tpu.vector_load %arg11[%parallel_loop3A_311] {strides = array<i32>} : memref<10000xf32, #tpu.memory_space<vmem>>, vector<16xf32>,
        tpu.vector_store %arg11[%parallel_loop3A_311], %parallel_loop3A_305 {strides = array<i32>} : memref<10000xf32, #tpu.memory_space<vmem>>, vector<16xf32>,
      } {sc.loop_unroll_factor = 5 : i64, sc.parallel_access}
      %add3A_36 = arith.constant 2 : i32
      %add3A_37 = arith.addi %mul3A_20, %add3A_36 : i32
      %lt3A_38 = arith.constant 25 : i32
      %lt3A_39 = arith.cmpi slt, %add3A_37, %lt3A_38 : i32
      %convert_element_type3A_40 = arith.extui %lt3A_39 : i1 to i32
      %cond3A_41 = arith.constant 0 : i32
      %cond3A_42 = arith.cmpi ne, %convert_element_type3A_40, %cond3A_41 : i32
      scf.if %cond3A_42 {
        %add3A_50 = arith.constant 2 : i32
        %add3A_51 = arith.addi %mul3A_20, %add3A_50 : i32
        %mul3A_52 = arith.constant 400 : i32
        %mul3A_53 = arith.muli %add3A_51, %mul3A_52 : i32
        %dma_start3A_54 = tpu.memref_slice %arg5[%mul3A_53] : memref<10000xi32, #tpu.memory_space<vmem>> -> memref<400xi32, #tpu.memory_space<vmem>>
        %dma_start3A_55 = arith.constant 0 : i32
        %dma_start3A_56 = arith.constant 0 : i32
        %dma_start3A_57 = tpu.memref_slice %arg2[%dma_start3A_55, %dma_start3A_56] : memref<10000x16xi32, #tpu.memory_space<hbm>> -> memref<10000x16xi32, #tpu.memory_space<hbm>>
        tpu.enqueue_indirect_dma source(%dma_start3A_57 : memref<10000x16xi32, #tpu.memory_space<hbm>>) target(%arg7 : memref<400x16xi32, #tpu.memory_space<vmem>>) offsets(%dma_start3A_54 : memref<400xi32, #tpu.memory_space<vmem>>) semaphore(%arg12 : memref<!tpu.dma_semaphore, #tpu.memory_space<semaphore_mem>>)
        %dma_start3A_58 = tpu.memref_slice %arg6[%mul3A_53] : memref<10000xi32, #tpu.memory_space<vmem>> -> memref<400xi32, #tpu.memory_space<vmem>>
        %dma_start3A_59 = arith.constant 0 : i32
        %dma_start3A_60 = arith.constant 0 : i32
        %dma_start3A_61 = tpu.memref_slice %arg2[%dma_start3A_59, %dma_start3A_60] : memref<10000x16xi32, #tpu.memory_space<hbm>> -> memref<10000x16xi32, #tpu.memory_space<hbm>>
        tpu.enqueue_indirect_dma source(%dma_start3A_61 : memref<10000x16xi32, #tpu.memory_space<hbm>>) target(%arg8 : memref<400x16xi32, #tpu.memory_space<vmem>>) offsets(%dma_start3A_58 : memref<400xi32, #tpu.memory_space<vmem>>) semaphore(%arg13 : memref<!tpu.dma_semaphore, #tpu.memory_space<semaphore_mem>>)
      } else {
      }
      %add3A_43 = arith.constant 1 : i32
      %add3A_44 = arith.addi %mul3A_20, %add3A_43 : i32
      %lt3A_45 = arith.constant 25 : i32
      %lt3A_46 = arith.cmpi slt, %add3A_44, %lt3A_45 : i32
      %convert_element_type3A_47 = arith.extui %lt3A_46 : i1 to i32
      %cond3A_48 = arith.constant 0 : i32
      %cond3A_49 = arith.cmpi ne, %convert_element_type3A_47, %cond3A_48 : i32
      scf.if %cond3A_49 {
        %dma_wait3A_50 = arith.constant 0 : i32
        %dma_wait3A_51 = tpu.memref_slice %arg5[%dma_wait3A_50] : memref<10000xi32, #tpu.memory_space<vmem>> -> memref<400xi32, #tpu.memory_space<vmem>>
        %dma_wait3A_52 = arith.constant 0 : i32
        %dma_wait3A_53 = arith.constant 0 : i32
        %dma_wait3A_54 = tpu.memref_slice %arg2[%dma_wait3A_52, %dma_wait3A_53] : memref<10000x16xi32, #tpu.memory_space<hbm>> -> memref<10000x16xi32, #tpu.memory_space<hbm>>
        tpu.wait_indirect_dma semaphore(%arg14 : memref<!tpu.dma_semaphore, #tpu.memory_space<semaphore_mem>>) src(%dma_wait3A_54 : memref<10000x16xi32, #tpu.memory_space<hbm>>) dst(%arg9 : memref<400x16xi32, #tpu.memory_space<vmem>>)
        %dma_wait3A_55 = arith.constant 0 : i32
        %dma_wait3A_56 = tpu.memref_slice %arg6[%dma_wait3A_55] : memref<10000xi32, #tpu.memory_space<vmem>> -> memref<400xi32, #tpu.memory_space<vmem>>
        %dma_wait3A_57 = arith.constant 0 : i32
        %dma_wait3A_58 = arith.constant 0 : i32
        %dma_wait3A_59 = tpu.memref_slice %arg2[%dma_wait3A_57, %dma_wait3A_58] : memref<10000x16xi32, #tpu.memory_space<hbm>> -> memref<10000x16xi32, #tpu.memory_space<hbm>>
        tpu.wait_indirect_dma semaphore(%arg15 : memref<!tpu.dma_semaphore, #tpu.memory_space<semaphore_mem>>) src(%dma_wait3A_59 : memref<10000x16xi32, #tpu.memory_space<hbm>>) dst(%arg10 : memref<400x16xi32, #tpu.memory_space<vmem>>)
        %add3A_60 = arith.constant 1 : i32
        %add3A_61 = arith.addi %mul3A_20, %add3A_60 : i32
        %parallel_loop3A_62 = arith.constant 0 : i32
        %parallel_loop3A_63 = arith.constant 25 : i32
        %parallel_loop3A_64 = arith.constant 1 : i32
        scf.for %parallel_loop3A_65 = %parallel_loop3A_62 to %parallel_loop3A_63 step %parallel_loop3A_64  : i32 {
          %parallel_loop3A_66 = arith.constant 16 : i32
          %parallel_loop3A_67 = arith.muli %parallel_loop3A_65, %parallel_loop3A_66 : i32
          %parallel_loop3A_68 = vector.broadcast %parallel_loop3A_67 : i32 to vector<16xi32>
          %parallel_loop3A_69 = arith.addi %parallel_loop3A_68, %iota3A : vector<16xi32>
          %parallel_loop3A_70 = arith.constant 0.000000e+00 : f32
          %parallel_loop3A_71 = vector.broadcast %parallel_loop3A_70 : f32 to vector<16xf32>
          %parallel_loop3A_72 = arith.constant 0.000000e+00 : f32
          %parallel_loop3A_73 = vector.broadcast %parallel_loop3A_72 : f32 to vector<16xf32>
          %parallel_loop3A_74 = arith.constant 0.000000e+00 : f32
          %parallel_loop3A_75 = vector.broadcast %parallel_loop3A_74 : f32 to vector<16xf32>
          %parallel_loop3A_76 = arith.constant 0.000000e+00 : f32
          %parallel_loop3A_77 = vector.broadcast %parallel_loop3A_76 : f32 to vector<16xf32>
          %parallel_loop3A_78 = arith.constant 0 : i32
          %parallel_loop3A_79 = vector.broadcast %parallel_loop3A_78 : i32 to vector<16xi32>
          %parallel_loop3A_80 = arith.addi %iota3A, %parallel_loop3A_79 : vector<16xi32>
          %parallel_loop3A_81 = arith.constant 15 : i32
          %parallel_loop3A_82 = vector.broadcast %parallel_loop3A_81 : i32 to vector<16xi32>
          %parallel_loop3A_83 = arith.andi %parallel_loop3A_80, %parallel_loop3A_82 : vector<16xi32>
          %parallel_loop3A_84 = tpu.vector_load_idx %arg9[%parallel_loop3A_69, %parallel_loop3A_83] : memref<400x16xi32, #tpu.memory_space<vmem>>[vector<16xi32>, vector<16xi32>], vector<16xi32>,
          %parallel_loop3A_85 = vector.bitcast %parallel_loop3A_84 : vector<16xi32> to vector<32xbf16>
          %parallel_loop3A_86 = tpu.vector_load_idx %arg10[%parallel_loop3A_69, %parallel_loop3A_83] : memref<400x16xi32, #tpu.memory_space<vmem>>[vector<16xi32>, vector<16xi32>], vector<16xi32>,
          %parallel_loop3A_87 = vector.bitcast %parallel_loop3A_86 : vector<16xi32> to vector<32xbf16>
          %parallel_loop3A_88 = arith.mulf %parallel_loop3A_85, %parallel_loop3A_87 : vector<32xbf16>
          %parallel_loop3A_89 = tpu.unpack_subelements %parallel_loop3A_88, 0 {pack_format = #tpu.pack_format<interleaved>} : vector<32xbf16> -> vector<16xf32>
          %parallel_loop3A_90 = tpu.unpack_subelements %parallel_loop3A_88, 1 {pack_format = #tpu.pack_format<interleaved>} : vector<32xbf16> -> vector<16xf32>
          %parallel_loop3A_91 = arith.addf %parallel_loop3A_71, %parallel_loop3A_89 : vector<16xf32>
          %parallel_loop3A_92 = arith.addf %parallel_loop3A_73, %parallel_loop3A_90 : vector<16xf32>
          %parallel_loop3A_93 = arith.constant 1 : i32
          %parallel_loop3A_94 = vector.broadcast %parallel_loop3A_93 : i32 to vector<16xi32>
          %parallel_loop3A_95 = arith.addi %iota3A, %parallel_loop3A_94 : vector<16xi32>
          %parallel_loop3A_96 = arith.constant 15 : i32
          %parallel_loop3A_97 = vector.broadcast %parallel_loop3A_96 : i32 to vector<16xi32>
          %parallel_loop3A_98 = arith.andi %parallel_loop3A_95, %parallel_loop3A_97 : vector<16xi32>
          %parallel_loop3A_99 = tpu.vector_load_idx %arg9[%parallel_loop3A_69, %parallel_loop3A_98] : memref<400x16xi32, #tpu.memory_space<vmem>>[vector<16xi32>, vector<16xi32>], vector<16xi32>,
          %parallel_loop3A_100 = vector.bitcast %parallel_loop3A_99 : vector<16xi32> to vector<32xbf16>
          %parallel_loop3A_101 = tpu.vector_load_idx %arg10[%parallel_loop3A_69, %parallel_loop3A_98] : memref<400x16xi32, #tpu.memory_space<vmem>>[vector<16xi32>, vector<16xi32>], vector<16xi32>,
          %parallel_loop3A_102 = vector.bitcast %parallel_loop3A_101 : vector<16xi32> to vector<32xbf16>
          %parallel_loop3A_103 = arith.mulf %parallel_loop3A_100, %parallel_loop3A_102 : vector<32xbf16>
          %parallel_loop3A_104 = tpu.unpack_subelements %parallel_loop3A_103, 0 {pack_format = #tpu.pack_format<interleaved>} : vector<32xbf16> -> vector<16xf32>
          %parallel_loop3A_105 = tpu.unpack_subelements %parallel_loop3A_103, 1 {pack_format = #tpu.pack_format<interleaved>} : vector<32xbf16> -> vector<16xf32>
          %parallel_loop3A_106 = arith.addf %parallel_loop3A_75, %parallel_loop3A_104 : vector<16xf32>
          %parallel_loop3A_107 = arith.addf %parallel_loop3A_77, %parallel_loop3A_105 : vector<16xf32>
          %parallel_loop3A_108 = arith.constant 2 : i32
          %parallel_loop3A_109 = vector.broadcast %parallel_loop3A_108 : i32 to vector<16xi32>
          %parallel_loop3A_110 = arith.addi %iota3A, %parallel_loop3A_109 : vector<16xi32>
          %parallel_loop3A_111 = arith.constant 15 : i32
          %parallel_loop3A_112 = vector.broadcast %parallel_loop3A_111 : i32 to vector<16xi32>
          %parallel_loop3A_113 = arith.andi %parallel_loop3A_110, %parallel_loop3A_112 : vector<16xi32>
          %parallel_loop3A_114 = tpu.vector_load_idx %arg9[%parallel_loop3A_69, %parallel_loop3A_113] : memref<400x16xi32, #tpu.memory_space<vmem>>[vector<16xi32>, vector<16xi32>], vector<16xi32>,
          %parallel_loop3A_115 = vector.bitcast %parallel_loop3A_114 : vector<16xi32> to vector<32xbf16>
          %parallel_loop3A_116 = tpu.vector_load_idx %arg10[%parallel_loop3A_69, %parallel_loop3A_113] : memref<400x16xi32, #tpu.memory_space<vmem>>[vector<16xi32>, vector<16xi32>], vector<16xi32>,
          %parallel_loop3A_117 = vector.bitcast %parallel_loop3A_116 : vector<16xi32> to vector<32xbf16>
          %parallel_loop3A_118 = arith.mulf %parallel_loop3A_115, %parallel_loop3A_117 : vector<32xbf16>
          %parallel_loop3A_119 = tpu.unpack_subelements %parallel_loop3A_118, 0 {pack_format = #tpu.pack_format<interleaved>} : vector<32xbf16> -> vector<16xf32>
          %parallel_loop3A_120 = tpu.unpack_subelements %parallel_loop3A_118, 1 {pack_format = #tpu.pack_format<interleaved>} : vector<32xbf16> -> vector<16xf32>
          %parallel_loop3A_121 = arith.addf %parallel_loop3A_91, %parallel_loop3A_119 : vector<16xf32>
          %parallel_loop3A_122 = arith.addf %parallel_loop3A_92, %parallel_loop3A_120 : vector<16xf32>
          %parallel_loop3A_123 = arith.constant 3 : i32
          %parallel_loop3A_124 = vector.broadcast %parallel_loop3A_123 : i32 to vector<16xi32>
          %parallel_loop3A_125 = arith.addi %iota3A, %parallel_loop3A_124 : vector<16xi32>
          %parallel_loop3A_126 = arith.constant 15 : i32
          %parallel_loop3A_127 = vector.broadcast %parallel_loop3A_126 : i32 to vector<16xi32>
          %parallel_loop3A_128 = arith.andi %parallel_loop3A_125, %parallel_loop3A_127 : vector<16xi32>
          %parallel_loop3A_129 = tpu.vector_load_idx %arg9[%parallel_loop3A_69, %parallel_loop3A_128] : memref<400x16xi32, #tpu.memory_space<vmem>>[vector<16xi32>, vector<16xi32>], vector<16xi32>,
          %parallel_loop3A_130 = vector.bitcast %parallel_loop3A_129 : vector<16xi32> to vector<32xbf16>
          %parallel_loop3A_131 = tpu.vector_load_idx %arg10[%parallel_loop3A_69, %parallel_loop3A_128] : memref<400x16xi32, #tpu.memory_space<vmem>>[vector<16xi32>, vector<16xi32>], vector<16xi32>,
          %parallel_loop3A_132 = vector.bitcast %parallel_loop3A_131 : vector<16xi32> to vector<32xbf16>
          %parallel_loop3A_133 = arith.mulf %parallel_loop3A_130, %parallel_loop3A_132 : vector<32xbf16>
          %parallel_loop3A_134 = tpu.unpack_subelements %parallel_loop3A_133, 0 {pack_format = #tpu.pack_format<interleaved>} : vector<32xbf16> -> vector<16xf32>
          %parallel_loop3A_135 = tpu.unpack_subelements %parallel_loop3A_133, 1 {pack_format = #tpu.pack_format<interleaved>} : vector<32xbf16> -> vector<16xf32>
          %parallel_loop3A_136 = arith.addf %parallel_loop3A_106, %parallel_loop3A_134 : vector<16xf32>
          %parallel_loop3A_137 = arith.addf %parallel_loop3A_107, %parallel_loop3A_135 : vector<16xf32>
          %parallel_loop3A_138 = arith.constant 4 : i32
          %parallel_loop3A_139 = vector.broadcast %parallel_loop3A_138 : i32 to vector<16xi32>
          %parallel_loop3A_140 = arith.addi %iota3A, %parallel_loop3A_139 : vector<16xi32>
          %parallel_loop3A_141 = arith.constant 15 : i32
          %parallel_loop3A_142 = vector.broadcast %parallel_loop3A_141 : i32 to vector<16xi32>
          %parallel_loop3A_143 = arith.andi %parallel_loop3A_140, %parallel_loop3A_142 : vector<16xi32>
          %parallel_loop3A_144 = tpu.vector_load_idx %arg9[%parallel_loop3A_69, %parallel_loop3A_143] : memref<400x16xi32, #tpu.memory_space<vmem>>[vector<16xi32>, vector<16xi32>], vector<16xi32>,
          %parallel_loop3A_145 = vector.bitcast %parallel_loop3A_144 : vector<16xi32> to vector<32xbf16>
          %parallel_loop3A_146 = tpu.vector_load_idx %arg10[%parallel_loop3A_69, %parallel_loop3A_143] : memref<400x16xi32, #tpu.memory_space<vmem>>[vector<16xi32>, vector<16xi32>], vector<16xi32>,
          %parallel_loop3A_147 = vector.bitcast %parallel_loop3A_146 : vector<16xi32> to vector<32xbf16>
          %parallel_loop3A_148 = arith.mulf %parallel_loop3A_145, %parallel_loop3A_147 : vector<32xbf16>
          %parallel_loop3A_149 = tpu.unpack_subelements %parallel_loop3A_148, 0 {pack_format = #tpu.pack_format<interleaved>} : vector<32xbf16> -> vector<16xf32>
          %parallel_loop3A_150 = tpu.unpack_subelements %parallel_loop3A_148, 1 {pack_format = #tpu.pack_format<interleaved>} : vector<32xbf16> -> vector<16xf32>
          %parallel_loop3A_151 = arith.addf %parallel_loop3A_121, %parallel_loop3A_149 : vector<16xf32>
          %parallel_loop3A_152 = arith.addf %parallel_loop3A_122, %parallel_loop3A_150 : vector<16xf32>
          %parallel_loop3A_153 = arith.constant 5 : i32
          %parallel_loop3A_154 = vector.broadcast %parallel_loop3A_153 : i32 to vector<16xi32>
          %parallel_loop3A_155 = arith.addi %iota3A, %parallel_loop3A_154 : vector<16xi32>
          %parallel_loop3A_156 = arith.constant 15 : i32
          %parallel_loop3A_157 = vector.broadcast %parallel_loop3A_156 : i32 to vector<16xi32>
          %parallel_loop3A_158 = arith.andi %parallel_loop3A_155, %parallel_loop3A_157 : vector<16xi32>
          %parallel_loop3A_159 = tpu.vector_load_idx %arg9[%parallel_loop3A_69, %parallel_loop3A_158] : memref<400x16xi32, #tpu.memory_space<vmem>>[vector<16xi32>, vector<16xi32>], vector<16xi32>,
          %parallel_loop3A_160 = vector.bitcast %parallel_loop3A_159 : vector<16xi32> to vector<32xbf16>
          %parallel_loop3A_161 = tpu.vector_load_idx %arg10[%parallel_loop3A_69, %parallel_loop3A_158] : memref<400x16xi32, #tpu.memory_space<vmem>>[vector<16xi32>, vector<16xi32>], vector<16xi32>,
          %parallel_loop3A_162 = vector.bitcast %parallel_loop3A_161 : vector<16xi32> to vector<32xbf16>
          %parallel_loop3A_163 = arith.mulf %parallel_loop3A_160, %parallel_loop3A_162 : vector<32xbf16>
          %parallel_loop3A_164 = tpu.unpack_subelements %parallel_loop3A_163, 0 {pack_format = #tpu.pack_format<interleaved>} : vector<32xbf16> -> vector<16xf32>
          %parallel_loop3A_165 = tpu.unpack_subelements %parallel_loop3A_163, 1 {pack_format = #tpu.pack_format<interleaved>} : vector<32xbf16> -> vector<16xf32>
          %parallel_loop3A_166 = arith.addf %parallel_loop3A_136, %parallel_loop3A_164 : vector<16xf32>
          %parallel_loop3A_167 = arith.addf %parallel_loop3A_137, %parallel_loop3A_165 : vector<16xf32>
          %parallel_loop3A_168 = arith.constant 6 : i32
          %parallel_loop3A_169 = vector.broadcast %parallel_loop3A_168 : i32 to vector<16xi32>
          %parallel_loop3A_170 = arith.addi %iota3A, %parallel_loop3A_169 : vector<16xi32>
          %parallel_loop3A_171 = arith.constant 15 : i32
          %parallel_loop3A_172 = vector.broadcast %parallel_loop3A_171 : i32 to vector<16xi32>
          %parallel_loop3A_173 = arith.andi %parallel_loop3A_170, %parallel_loop3A_172 : vector<16xi32>
          %parallel_loop3A_174 = tpu.vector_load_idx %arg9[%parallel_loop3A_69, %parallel_loop3A_173] : memref<400x16xi32, #tpu.memory_space<vmem>>[vector<16xi32>, vector<16xi32>], vector<16xi32>,
          %parallel_loop3A_175 = vector.bitcast %parallel_loop3A_174 : vector<16xi32> to vector<32xbf16>
          %parallel_loop3A_176 = tpu.vector_load_idx %arg10[%parallel_loop3A_69, %parallel_loop3A_173] : memref<400x16xi32, #tpu.memory_space<vmem>>[vector<16xi32>, vector<16xi32>], vector<16xi32>,
          %parallel_loop3A_177 = vector.bitcast %parallel_loop3A_176 : vector<16xi32> to vector<32xbf16>
          %parallel_loop3A_178 = arith.mulf %parallel_loop3A_175, %parallel_loop3A_177 : vector<32xbf16>
          %parallel_loop3A_179 = tpu.unpack_subelements %parallel_loop3A_178, 0 {pack_format = #tpu.pack_format<interleaved>} : vector<32xbf16> -> vector<16xf32>
          %parallel_loop3A_180 = tpu.unpack_subelements %parallel_loop3A_178, 1 {pack_format = #tpu.pack_format<interleaved>} : vector<32xbf16> -> vector<16xf32>
          %parallel_loop3A_181 = arith.addf %parallel_loop3A_151, %parallel_loop3A_179 : vector<16xf32>
          %parallel_loop3A_182 = arith.addf %parallel_loop3A_152, %parallel_loop3A_180 : vector<16xf32>
          %parallel_loop3A_183 = arith.constant 7 : i32
          %parallel_loop3A_184 = vector.broadcast %parallel_loop3A_183 : i32 to vector<16xi32>
          %parallel_loop3A_185 = arith.addi %iota3A, %parallel_loop3A_184 : vector<16xi32>
          %parallel_loop3A_186 = arith.constant 15 : i32
          %parallel_loop3A_187 = vector.broadcast %parallel_loop3A_186 : i32 to vector<16xi32>
          %parallel_loop3A_188 = arith.andi %parallel_loop3A_185, %parallel_loop3A_187 : vector<16xi32>
          %parallel_loop3A_189 = tpu.vector_load_idx %arg9[%parallel_loop3A_69, %parallel_loop3A_188] : memref<400x16xi32, #tpu.memory_space<vmem>>[vector<16xi32>, vector<16xi32>], vector<16xi32>,
          %parallel_loop3A_190 = vector.bitcast %parallel_loop3A_189 : vector<16xi32> to vector<32xbf16>
          %parallel_loop3A_191 = tpu.vector_load_idx %arg10[%parallel_loop3A_69, %parallel_loop3A_188] : memref<400x16xi32, #tpu.memory_space<vmem>>[vector<16xi32>, vector<16xi32>], vector<16xi32>,
          %parallel_loop3A_192 = vector.bitcast %parallel_loop3A_191 : vector<16xi32> to vector<32xbf16>
          %parallel_loop3A_193 = arith.mulf %parallel_loop3A_190, %parallel_loop3A_192 : vector<32xbf16>
          %parallel_loop3A_194 = tpu.unpack_subelements %parallel_loop3A_193, 0 {pack_format = #tpu.pack_format<interleaved>} : vector<32xbf16> -> vector<16xf32>
          %parallel_loop3A_195 = tpu.unpack_subelements %parallel_loop3A_193, 1 {pack_format = #tpu.pack_format<interleaved>} : vector<32xbf16> -> vector<16xf32>
          %parallel_loop3A_196 = arith.addf %parallel_loop3A_166, %parallel_loop3A_194 : vector<16xf32>
          %parallel_loop3A_197 = arith.addf %parallel_loop3A_167, %parallel_loop3A_195 : vector<16xf32>
          %parallel_loop3A_198 = arith.constant 8 : i32
          %parallel_loop3A_199 = vector.broadcast %parallel_loop3A_198 : i32 to vector<16xi32>
          %parallel_loop3A_200 = arith.addi %iota3A, %parallel_loop3A_199 : vector<16xi32>
          %parallel_loop3A_201 = arith.constant 15 : i32
          %parallel_loop3A_202 = vector.broadcast %parallel_loop3A_201 : i32 to vector<16xi32>
          %parallel_loop3A_203 = arith.andi %parallel_loop3A_200, %parallel_loop3A_202 : vector<16xi32>
          %parallel_loop3A_204 = tpu.vector_load_idx %arg9[%parallel_loop3A_69, %parallel_loop3A_203] : memref<400x16xi32, #tpu.memory_space<vmem>>[vector<16xi32>, vector<16xi32>], vector<16xi32>,
          %parallel_loop3A_205 = vector.bitcast %parallel_loop3A_204 : vector<16xi32> to vector<32xbf16>
          %parallel_loop3A_206 = tpu.vector_load_idx %arg10[%parallel_loop3A_69, %parallel_loop3A_203] : memref<400x16xi32, #tpu.memory_space<vmem>>[vector<16xi32>, vector<16xi32>], vector<16xi32>,
          %parallel_loop3A_207 = vector.bitcast %parallel_loop3A_206 : vector<16xi32> to vector<32xbf16>
          %parallel_loop3A_208 = arith.mulf %parallel_loop3A_205, %parallel_loop3A_207 : vector<32xbf16>
          %parallel_loop3A_209 = tpu.unpack_subelements %parallel_loop3A_208, 0 {pack_format = #tpu.pack_format<interleaved>} : vector<32xbf16> -> vector<16xf32>
          %parallel_loop3A_210 = tpu.unpack_subelements %parallel_loop3A_208, 1 {pack_format = #tpu.pack_format<interleaved>} : vector<32xbf16> -> vector<16xf32>
          %parallel_loop3A_211 = arith.addf %parallel_loop3A_181, %parallel_loop3A_209 : vector<16xf32>
          %parallel_loop3A_212 = arith.addf %parallel_loop3A_182, %parallel_loop3A_210 : vector<16xf32>
          %parallel_loop3A_213 = arith.constant 9 : i32
          %parallel_loop3A_214 = vector.broadcast %parallel_loop3A_213 : i32 to vector<16xi32>
          %parallel_loop3A_215 = arith.addi %iota3A, %parallel_loop3A_214 : vector<16xi32>
          %parallel_loop3A_216 = arith.constant 15 : i32
          %parallel_loop3A_217 = vector.broadcast %parallel_loop3A_216 : i32 to vector<16xi32>
          %parallel_loop3A_218 = arith.andi %parallel_loop3A_215, %parallel_loop3A_217 : vector<16xi32>
          %parallel_loop3A_219 = tpu.vector_load_idx %arg9[%parallel_loop3A_69, %parallel_loop3A_218] : memref<400x16xi32, #tpu.memory_space<vmem>>[vector<16xi32>, vector<16xi32>], vector<16xi32>,
          %parallel_loop3A_220 = vector.bitcast %parallel_loop3A_219 : vector<16xi32> to vector<32xbf16>
          %parallel_loop3A_221 = tpu.vector_load_idx %arg10[%parallel_loop3A_69, %parallel_loop3A_218] : memref<400x16xi32, #tpu.memory_space<vmem>>[vector<16xi32>, vector<16xi32>], vector<16xi32>,
          %parallel_loop3A_222 = vector.bitcast %parallel_loop3A_221 : vector<16xi32> to vector<32xbf16>
          %parallel_loop3A_223 = arith.mulf %parallel_loop3A_220, %parallel_loop3A_222 : vector<32xbf16>
          %parallel_loop3A_224 = tpu.unpack_subelements %parallel_loop3A_223, 0 {pack_format = #tpu.pack_format<interleaved>} : vector<32xbf16> -> vector<16xf32>
          %parallel_loop3A_225 = tpu.unpack_subelements %parallel_loop3A_223, 1 {pack_format = #tpu.pack_format<interleaved>} : vector<32xbf16> -> vector<16xf32>
          %parallel_loop3A_226 = arith.addf %parallel_loop3A_196, %parallel_loop3A_224 : vector<16xf32>
          %parallel_loop3A_227 = arith.addf %parallel_loop3A_197, %parallel_loop3A_225 : vector<16xf32>
          %parallel_loop3A_228 = arith.constant 10 : i32
          %parallel_loop3A_229 = vector.broadcast %parallel_loop3A_228 : i32 to vector<16xi32>
          %parallel_loop3A_230 = arith.addi %iota3A, %parallel_loop3A_229 : vector<16xi32>
          %parallel_loop3A_231 = arith.constant 15 : i32
          %parallel_loop3A_232 = vector.broadcast %parallel_loop3A_231 : i32 to vector<16xi32>
          %parallel_loop3A_233 = arith.andi %parallel_loop3A_230, %parallel_loop3A_232 : vector<16xi32>
          %parallel_loop3A_234 = tpu.vector_load_idx %arg9[%parallel_loop3A_69, %parallel_loop3A_233] : memref<400x16xi32, #tpu.memory_space<vmem>>[vector<16xi32>, vector<16xi32>], vector<16xi32>,
          %parallel_loop3A_235 = vector.bitcast %parallel_loop3A_234 : vector<16xi32> to vector<32xbf16>
          %parallel_loop3A_236 = tpu.vector_load_idx %arg10[%parallel_loop3A_69, %parallel_loop3A_233] : memref<400x16xi32, #tpu.memory_space<vmem>>[vector<16xi32>, vector<16xi32>], vector<16xi32>,
          %parallel_loop3A_237 = vector.bitcast %parallel_loop3A_236 : vector<16xi32> to vector<32xbf16>
          %parallel_loop3A_238 = arith.mulf %parallel_loop3A_235, %parallel_loop3A_237 : vector<32xbf16>
          %parallel_loop3A_239 = tpu.unpack_subelements %parallel_loop3A_238, 0 {pack_format = #tpu.pack_format<interleaved>} : vector<32xbf16> -> vector<16xf32>
          %parallel_loop3A_240 = tpu.unpack_subelements %parallel_loop3A_238, 1 {pack_format = #tpu.pack_format<interleaved>} : vector<32xbf16> -> vector<16xf32>
          %parallel_loop3A_241 = arith.addf %parallel_loop3A_211, %parallel_loop3A_239 : vector<16xf32>
          %parallel_loop3A_242 = arith.addf %parallel_loop3A_212, %parallel_loop3A_240 : vector<16xf32>
          %parallel_loop3A_243 = arith.constant 11 : i32
          %parallel_loop3A_244 = vector.broadcast %parallel_loop3A_243 : i32 to vector<16xi32>
          %parallel_loop3A_245 = arith.addi %iota3A, %parallel_loop3A_244 : vector<16xi32>
          %parallel_loop3A_246 = arith.constant 15 : i32
          %parallel_loop3A_247 = vector.broadcast %parallel_loop3A_246 : i32 to vector<16xi32>
          %parallel_loop3A_248 = arith.andi %parallel_loop3A_245, %parallel_loop3A_247 : vector<16xi32>
          %parallel_loop3A_249 = tpu.vector_load_idx %arg9[%parallel_loop3A_69, %parallel_loop3A_248] : memref<400x16xi32, #tpu.memory_space<vmem>>[vector<16xi32>, vector<16xi32>], vector<16xi32>,
          %parallel_loop3A_250 = vector.bitcast %parallel_loop3A_249 : vector<16xi32> to vector<32xbf16>
          %parallel_loop3A_251 = tpu.vector_load_idx %arg10[%parallel_loop3A_69, %parallel_loop3A_248] : memref<400x16xi32, #tpu.memory_space<vmem>>[vector<16xi32>, vector<16xi32>], vector<16xi32>,
          %parallel_loop3A_252 = vector.bitcast %parallel_loop3A_251 : vector<16xi32> to vector<32xbf16>
          %parallel_loop3A_253 = arith.mulf %parallel_loop3A_250, %parallel_loop3A_252 : vector<32xbf16>
          %parallel_loop3A_254 = tpu.unpack_subelements %parallel_loop3A_253, 0 {pack_format = #tpu.pack_format<interleaved>} : vector<32xbf16> -> vector<16xf32>
          %parallel_loop3A_255 = tpu.unpack_subelements %parallel_loop3A_253, 1 {pack_format = #tpu.pack_format<interleaved>} : vector<32xbf16> -> vector<16xf32>
          %parallel_loop3A_256 = arith.addf %parallel_loop3A_226, %parallel_loop3A_254 : vector<16xf32>
          %parallel_loop3A_257 = arith.addf %parallel_loop3A_227, %parallel_loop3A_255 : vector<16xf32>
          %parallel_loop3A_258 = arith.constant 12 : i32
          %parallel_loop3A_259 = vector.broadcast %parallel_loop3A_258 : i32 to vector<16xi32>
          %parallel_loop3A_260 = arith.addi %iota3A, %parallel_loop3A_259 : vector<16xi32>
          %parallel_loop3A_261 = arith.constant 15 : i32
          %parallel_loop3A_262 = vector.broadcast %parallel_loop3A_261 : i32 to vector<16xi32>
          %parallel_loop3A_263 = arith.andi %parallel_loop3A_260, %parallel_loop3A_262 : vector<16xi32>
          %parallel_loop3A_264 = tpu.vector_load_idx %arg9[%parallel_loop3A_69, %parallel_loop3A_263] : memref<400x16xi32, #tpu.memory_space<vmem>>[vector<16xi32>, vector<16xi32>], vector<16xi32>,
          %parallel_loop3A_265 = vector.bitcast %parallel_loop3A_264 : vector<16xi32> to vector<32xbf16>
          %parallel_loop3A_266 = tpu.vector_load_idx %arg10[%parallel_loop3A_69, %parallel_loop3A_263] : memref<400x16xi32, #tpu.memory_space<vmem>>[vector<16xi32>, vector<16xi32>], vector<16xi32>,
          %parallel_loop3A_267 = vector.bitcast %parallel_loop3A_266 : vector<16xi32> to vector<32xbf16>
          %parallel_loop3A_268 = arith.mulf %parallel_loop3A_265, %parallel_loop3A_267 : vector<32xbf16>
          %parallel_loop3A_269 = tpu.unpack_subelements %parallel_loop3A_268, 0 {pack_format = #tpu.pack_format<interleaved>} : vector<32xbf16> -> vector<16xf32>
          %parallel_loop3A_270 = tpu.unpack_subelements %parallel_loop3A_268, 1 {pack_format = #tpu.pack_format<interleaved>} : vector<32xbf16> -> vector<16xf32>
          %parallel_loop3A_271 = arith.addf %parallel_loop3A_241, %parallel_loop3A_269 : vector<16xf32>
          %parallel_loop3A_272 = arith.addf %parallel_loop3A_242, %parallel_loop3A_270 : vector<16xf32>
          %parallel_loop3A_273 = arith.constant 13 : i32
          %parallel_loop3A_274 = vector.broadcast %parallel_loop3A_273 : i32 to vector<16xi32>
          %parallel_loop3A_275 = arith.addi %iota3A, %parallel_loop3A_274 : vector<16xi32>
          %parallel_loop3A_276 = arith.constant 15 : i32
          %parallel_loop3A_277 = vector.broadcast %parallel_loop3A_276 : i32 to vector<16xi32>
          %parallel_loop3A_278 = arith.andi %parallel_loop3A_275, %parallel_loop3A_277 : vector<16xi32>
          %parallel_loop3A_279 = tpu.vector_load_idx %arg9[%parallel_loop3A_69, %parallel_loop3A_278] : memref<400x16xi32, #tpu.memory_space<vmem>>[vector<16xi32>, vector<16xi32>], vector<16xi32>,
          %parallel_loop3A_280 = vector.bitcast %parallel_loop3A_279 : vector<16xi32> to vector<32xbf16>
          %parallel_loop3A_281 = tpu.vector_load_idx %arg10[%parallel_loop3A_69, %parallel_loop3A_278] : memref<400x16xi32, #tpu.memory_space<vmem>>[vector<16xi32>, vector<16xi32>], vector<16xi32>,
          %parallel_loop3A_282 = vector.bitcast %parallel_loop3A_281 : vector<16xi32> to vector<32xbf16>
          %parallel_loop3A_283 = arith.mulf %parallel_loop3A_280, %parallel_loop3A_282 : vector<32xbf16>
          %parallel_loop3A_284 = tpu.unpack_subelements %parallel_loop3A_283, 0 {pack_format = #tpu.pack_format<interleaved>} : vector<32xbf16> -> vector<16xf32>
          %parallel_loop3A_285 = tpu.unpack_subelements %parallel_loop3A_283, 1 {pack_format = #tpu.pack_format<interleaved>} : vector<32xbf16> -> vector<16xf32>
          %parallel_loop3A_286 = arith.addf %parallel_loop3A_256, %parallel_loop3A_284 : vector<16xf32>
          %parallel_loop3A_287 = arith.addf %parallel_loop3A_257, %parallel_loop3A_285 : vector<16xf32>
          %parallel_loop3A_288 = arith.constant 14 : i32
          %parallel_loop3A_289 = vector.broadcast %parallel_loop3A_288 : i32 to vector<16xi32>
          %parallel_loop3A_290 = arith.addi %iota3A, %parallel_loop3A_289 : vector<16xi32>
          %parallel_loop3A_291 = arith.constant 15 : i32
          %parallel_loop3A_292 = vector.broadcast %parallel_loop3A_291 : i32 to vector<16xi32>
          %parallel_loop3A_293 = arith.andi %parallel_loop3A_290, %parallel_loop3A_292 : vector<16xi32>
          %parallel_loop3A_294 = tpu.vector_load_idx %arg9[%parallel_loop3A_69, %parallel_loop3A_293] : memref<400x16xi32, #tpu.memory_space<vmem>>[vector<16xi32>, vector<16xi32>], vector<16xi32>,
          %parallel_loop3A_295 = vector.bitcast %parallel_loop3A_294 : vector<16xi32> to vector<32xbf16>
          %parallel_loop3A_296 = tpu.vector_load_idx %arg10[%parallel_loop3A_69, %parallel_loop3A_293] : memref<400x16xi32, #tpu.memory_space<vmem>>[vector<16xi32>, vector<16xi32>], vector<16xi32>,
          %parallel_loop3A_297 = vector.bitcast %parallel_loop3A_296 : vector<16xi32> to vector<32xbf16>
          %parallel_loop3A_298 = arith.mulf %parallel_loop3A_295, %parallel_loop3A_297 : vector<32xbf16>
          %parallel_loop3A_299 = tpu.unpack_subelements %parallel_loop3A_298, 0 {pack_format = #tpu.pack_format<interleaved>} : vector<32xbf16> -> vector<16xf32>
          %parallel_loop3A_300 = tpu.unpack_subelements %parallel_loop3A_298, 1 {pack_format = #tpu.pack_format<interleaved>} : vector<32xbf16> -> vector<16xf32>
          %parallel_loop3A_301 = arith.addf %parallel_loop3A_271, %parallel_loop3A_299 : vector<16xf32>
          %parallel_loop3A_302 = arith.addf %parallel_loop3A_272, %parallel_loop3A_300 : vector<16xf32>
          %parallel_loop3A_303 = arith.constant 15 : i32
          %parallel_loop3A_304 = vector.broadcast %parallel_loop3A_303 : i32 to vector<16xi32>
          %parallel_loop3A_305 = arith.addi %iota3A, %parallel_loop3A_304 : vector<16xi32>
          %parallel_loop3A_306 = arith.constant 15 : i32
          %parallel_loop3A_307 = vector.broadcast %parallel_loop3A_306 : i32 to vector<16xi32>
          %parallel_loop3A_308 = arith.andi %parallel_loop3A_305, %parallel_loop3A_307 : vector<16xi32>
          %parallel_loop3A_309 = tpu.vector_load_idx %arg9[%parallel_loop3A_69, %parallel_loop3A_308] : memref<400x16xi32, #tpu.memory_space<vmem>>[vector<16xi32>, vector<16xi32>], vector<16xi32>,
          %parallel_loop3A_310 = vector.bitcast %parallel_loop3A_309 : vector<16xi32> to vector<32xbf16>
          %parallel_loop3A_311 = tpu.vector_load_idx %arg10[%parallel_loop3A_69, %parallel_loop3A_308] : memref<400x16xi32, #tpu.memory_space<vmem>>[vector<16xi32>, vector<16xi32>], vector<16xi32>,
          %parallel_loop3A_312 = vector.bitcast %parallel_loop3A_311 : vector<16xi32> to vector<32xbf16>
          %parallel_loop3A_313 = arith.mulf %parallel_loop3A_310, %parallel_loop3A_312 : vector<32xbf16>
          %parallel_loop3A_314 = tpu.unpack_subelements %parallel_loop3A_313, 0 {pack_format = #tpu.pack_format<interleaved>} : vector<32xbf16> -> vector<16xf32>
          %parallel_loop3A_315 = tpu.unpack_subelements %parallel_loop3A_313, 1 {pack_format = #tpu.pack_format<interleaved>} : vector<32xbf16> -> vector<16xf32>
          %parallel_loop3A_316 = arith.addf %parallel_loop3A_286, %parallel_loop3A_314 : vector<16xf32>
          %parallel_loop3A_317 = arith.addf %parallel_loop3A_287, %parallel_loop3A_315 : vector<16xf32>
          %parallel_loop3A_318 = arith.addf %parallel_loop3A_301, %parallel_loop3A_302 : vector<16xf32>
          %parallel_loop3A_319 = arith.addf %parallel_loop3A_316, %parallel_loop3A_317 : vector<16xf32>
          %parallel_loop3A_320 = arith.addf %parallel_loop3A_318, %parallel_loop3A_319 : vector<16xf32>
          %parallel_loop3A_321 = arith.constant 400 : i32
          %parallel_loop3A_322 = arith.muli %add3A_61, %parallel_loop3A_321 : i32
          %parallel_loop3A_323 = arith.constant 16 : i32
          %parallel_loop3A_324 = arith.muli %parallel_loop3A_65, %parallel_loop3A_323 : i32
          %parallel_loop3A_325 = arith.addi %parallel_loop3A_322, %parallel_loop3A_324 : i32
          %parallel_loop3A_326 = arith.index_cast %parallel_loop3A_325 : i32 to index
          %parallel_loop3A_327 = tpu.vector_load %arg11[%parallel_loop3A_326] {strides = array<i32>} : memref<10000xf32, #tpu.memory_space<vmem>>, vector<16xf32>,
          tpu.vector_store %arg11[%parallel_loop3A_326], %parallel_loop3A_320 {strides = array<i32>} : memref<10000xf32, #tpu.memory_space<vmem>>, vector<16xf32>,
        } {sc.loop_unroll_factor = 5 : i64, sc.parallel_access}
      } else {
      }
    }
    %scan3A_17 = arith.constant 13 : i32
    "tpu.region"() ({
      %run_scoped3A_18 = tpu.sem_alloc : memref<!tpu.dma_semaphore, #tpu.memory_space<semaphore_mem>>
      %dma_start3A_19 = tpu.memref_slice %arg4[%mul3A_2] : memref<320000xf32, #tpu.memory_space<hbm>> -> memref<10000xf32, #tpu.memory_space<hbm>>
      %dma_start3A_20 = tpu.memref_slice %arg4[%mul3A_2] : memref<320000xf32, #tpu.memory_space<hbm>> -> memref<10000xf32, #tpu.memory_space<hbm>>
      tpu.enqueue_dma source(%arg11 : memref<10000xf32, #tpu.memory_space<vmem>>) target(%dma_start3A_20 : memref<10000xf32, #tpu.memory_space<hbm>>) target_semaphore(%run_scoped3A_18 : memref<!tpu.dma_semaphore, #tpu.memory_space<semaphore_mem>>)
      %dma_wait3A = tpu.memref_slice %arg4[%mul3A_2] : memref<320000xf32, #tpu.memory_space<hbm>> -> memref<10000xf32, #tpu.memory_space<hbm>>
      %dma_wait3A_21 = tpu.memref_slice %arg4[%mul3A_2] : memref<320000xf32, #tpu.memory_space<hbm>> -> memref<10000xf32, #tpu.memory_space<hbm>>
      tpu.wait_dma2 semaphore(%run_scoped3A_18 : memref<!tpu.dma_semaphore, #tpu.memory_space<semaphore_mem>>) src(%arg11 : memref<10000xf32, #tpu.memory_space<vmem>>) dst(%dma_wait3A_21 : memref<10000xf32, #tpu.memory_space<hbm>>)
      tpu.yield
    }) : () -> ()
    return
  }
}

module attributes {stable_mosaic.version = 14 : i64} {
  func.func @_mlp_body(%arg0: i32, %arg1: memref<2000x128xf32, #tpu.memory_space<vmem>>, %arg2: memref<2000x128xf32, #tpu.memory_space<vmem>>, %arg3: memref<1x128xf32, #tpu.memory_space<vmem>>, %arg4: memref<384x256xf32, #tpu.memory_space<vmem>>, %arg5: memref<1x256xf32, #tpu.memory_space<vmem>>, %arg6: memref<256x256xf32, #tpu.memory_space<vmem>>, %arg7: memref<1x256xf32, #tpu.memory_space<vmem>>, %arg8: memref<256x32xf32, #tpu.memory_space<vmem>>, %arg9: memref<1x32xf32, #tpu.memory_space<vmem>>, %arg10: memref<2000x32xf32, #tpu.memory_space<vmem>>, %arg11: memref<2000x16xi32, #tpu.memory_space<vmem>>) attributes {dimension_semantics = [#tpu.dimension_semantics<arbitrary>], iteration_bounds = array<i64: 5>, scalar_prefetch = 0 : i64, scratch_operands = 0 : i64, tpu.core_type = #tpu.core_type<tc>, window_params = [{transform_indices = @transform_0, window_bounds = array<i64: 2000, 128>}, {transform_indices = @transform_1, window_bounds = array<i64: 2000, 128>}, {pipeline_mode = #tpu.pipeline_mode<synchronous>, transform_indices = @transform_2, window_bounds = array<i64: 1, 128>}, {pipeline_mode = #tpu.pipeline_mode<synchronous>, transform_indices = @transform_3, window_bounds = array<i64: 384, 256>}, {pipeline_mode = #tpu.pipeline_mode<synchronous>, transform_indices = @transform_4, window_bounds = array<i64: 1, 256>}, {pipeline_mode = #tpu.pipeline_mode<synchronous>, transform_indices = @transform_5, window_bounds = array<i64: 256, 256>}, {pipeline_mode = #tpu.pipeline_mode<synchronous>, transform_indices = @transform_6, window_bounds = array<i64: 1, 256>}, {pipeline_mode = #tpu.pipeline_mode<synchronous>, transform_indices = @transform_7, window_bounds = array<i64: 256, 32>}, {pipeline_mode = #tpu.pipeline_mode<synchronous>, transform_indices = @transform_8, window_bounds = array<i64: 1, 32>}, {transform_indices = @transform_9, window_bounds = array<i64: 2000, 32>}, {transform_indices = @transform_10, window_bounds = array<i64: 2000, 16>}]} {
    %get3A = arith.constant 0 : index
    %get3A_0 = arith.constant 0 : index
    %get3A_1 = vector.load %arg1[%get3A, %get3A_0] : memref<2000x128xf32, #tpu.memory_space<vmem>>, vector<2000x128xf32>
    %convert_element_type3A = arith.truncf %get3A_1 : vector<2000x128xf32> to vector<2000x128xbf16>
    %get3A_2 = arith.constant 0 : index
    %get3A_3 = arith.constant 0 : index
    %get3A_4 = vector.load %arg2[%get3A_2, %get3A_3] : memref<2000x128xf32, #tpu.memory_space<vmem>>, vector<2000x128xf32>
    %convert_element_type3A_5 = arith.truncf %get3A_4 : vector<2000x128xf32> to vector<2000x128xbf16>
    %get3A_6 = arith.constant 0 : index
    %get3A_7 = arith.constant 0 : index
    %get3A_8 = vector.load %arg3[%get3A_6, %get3A_7] : memref<1x128xf32, #tpu.memory_space<vmem>>, vector<1x128xf32>
    %convert_element_type3A_9 = arith.truncf %get3A_8 : vector<1x128xf32> to vector<1x128xbf16>
    %broadcast_in_dim3A = vector.shape_cast %convert_element_type3A_9 : vector<1x128xbf16> to vector<1x128xbf16>
    %broadcast_in_dim3A_10 = vector.broadcast %broadcast_in_dim3A : vector<1x128xbf16> to vector<2000x128xbf16>
    %concatenate3A = tpu.concatenate %convert_element_type3A, %convert_element_type3A_5, %broadcast_in_dim3A_10 in 1 : vector<2000x128xbf16>, vector<2000x128xbf16>, vector<2000x128xbf16> -> vector<2000x384xbf16>
    %get3A_11 = arith.constant 0 : index
    %get3A_12 = arith.constant 0 : index
    %get3A_13 = vector.load %arg4[%get3A_11, %get3A_12] : memref<384x256xf32, #tpu.memory_space<vmem>>, vector<384x256xf32>
    %convert_element_type3A_14 = arith.truncf %get3A_13 : vector<384x256xf32> to vector<384x256xbf16>
    %dot_general3A = arith.constant dense<0.000000e+00> : vector<2000x256xf32>
    %dot_general3A_15 = tpu.matmul %concatenate3A, %convert_element_type3A_14, %dot_general3A {dimension_numbers = #tpu.dot_dimension_numbers<[1], [0], [0], [1], [0, 0, 1, 1], [], []>, transpose_lhs_hint = false} : vector<2000x384xbf16>, vector<384x256xbf16>, vector<2000x256xf32> -> vector<2000x256xf32>
    %get3A_16 = arith.constant 0 : index
    %get3A_17 = arith.constant 0 : index
    %get3A_18 = vector.load %arg5[%get3A_16, %get3A_17] : memref<1x256xf32, #tpu.memory_space<vmem>>, vector<1x256xf32>
    %add3A = vector.broadcast %get3A_18 : vector<1x256xf32> to vector<2000x256xf32>
    %add3A_19 = arith.addf %dot_general3A_15, %add3A : vector<2000x256xf32>
    %convert_element_type3A_20 = arith.truncf %add3A_19 : vector<2000x256xf32> to vector<2000x256xbf16>
    %get3A_21 = arith.constant 0 : index
    %get3A_22 = arith.constant 0 : index
    %get3A_23 = vector.load %arg6[%get3A_21, %get3A_22] : memref<256x256xf32, #tpu.memory_space<vmem>>, vector<256x256xf32>
    %convert_element_type3A_24 = arith.truncf %get3A_23 : vector<256x256xf32> to vector<256x256xbf16>
    %dot_general3A_25 = arith.constant dense<0.000000e+00> : vector<2000x256xf32>
    %dot_general3A_26 = tpu.matmul %convert_element_type3A_20, %convert_element_type3A_24, %dot_general3A_25 {dimension_numbers = #tpu.dot_dimension_numbers<[1], [0], [0], [1], [0, 0, 1, 1], [], []>, transpose_lhs_hint = false} : vector<2000x256xbf16>, vector<256x256xbf16>, vector<2000x256xf32> -> vector<2000x256xf32>
    %get3A_27 = arith.constant 0 : index
    %get3A_28 = arith.constant 0 : index
    %get3A_29 = vector.load %arg7[%get3A_27, %get3A_28] : memref<1x256xf32, #tpu.memory_space<vmem>>, vector<1x256xf32>
    %add3A_30 = vector.broadcast %get3A_29 : vector<1x256xf32> to vector<2000x256xf32>
    %add3A_31 = arith.addf %dot_general3A_26, %add3A_30 : vector<2000x256xf32>
    %max3A = arith.constant 0.000000e+00 : f32
    %max3A_32 = vector.broadcast %max3A : f32 to vector<2000x256xf32>
    %max3A_33 = arith.maximumf %add3A_31, %max3A_32 : vector<2000x256xf32>
    %convert_element_type3A_34 = arith.truncf %max3A_33 : vector<2000x256xf32> to vector<2000x256xbf16>
    %get3A_35 = arith.constant 0 : index
    %get3A_36 = arith.constant 0 : index
    %get3A_37 = vector.load %arg8[%get3A_35, %get3A_36] : memref<256x32xf32, #tpu.memory_space<vmem>>, vector<256x32xf32>
    %convert_element_type3A_38 = arith.truncf %get3A_37 : vector<256x32xf32> to vector<256x32xbf16>
    %dot_general3A_39 = arith.constant dense<0.000000e+00> : vector<2000x32xf32>
    %dot_general3A_40 = tpu.matmul %convert_element_type3A_34, %convert_element_type3A_38, %dot_general3A_39 {dimension_numbers = #tpu.dot_dimension_numbers<[1], [0], [0], [1], [0, 0, 1, 1], [], []>, transpose_lhs_hint = false} : vector<2000x256xbf16>, vector<256x32xbf16>, vector<2000x32xf32> -> vector<2000x32xf32>
    %get3A_41 = arith.constant 0 : index
    %get3A_42 = arith.constant 0 : index
    %get3A_43 = vector.load %arg9[%get3A_41, %get3A_42] : memref<1x32xf32, #tpu.memory_space<vmem>>, vector<1x32xf32>
    %add3A_44 = vector.broadcast %get3A_43 : vector<1x32xf32> to vector<2000x32xf32>
    %add3A_45 = arith.addf %dot_general3A_40, %add3A_44 : vector<2000x32xf32>
    %max3A_46 = arith.constant 0.000000e+00 : f32
    %max3A_47 = vector.broadcast %max3A_46 : f32 to vector<2000x32xf32>
    %max3A_48 = arith.maximumf %add3A_45, %max3A_47 : vector<2000x32xf32>
    %swap3A = arith.constant 0 : index
    %swap3A_49 = arith.constant 0 : index
    %swap3A_50 = vector.load %arg10[%swap3A, %swap3A_49] : memref<2000x32xf32, #tpu.memory_space<vmem>>, vector<2000x32xf32>
    tpu.vector_store %arg10[%swap3A, %swap3A_49], %max3A_48 {strides = array<i32>} : memref<2000x32xf32, #tpu.memory_space<vmem>>, vector<2000x32xf32>,
    %convert_element_type3A_51 = arith.truncf %max3A_48 : vector<2000x32xf32> to vector<2000x32xbf16>
    %slice3A = vector.extract_strided_slice %convert_element_type3A_51 {offsets = [0, 0], sizes = [2000, 16], strides = [1, 1]} : vector<2000x32xbf16> to vector<2000x16xbf16>
    %bitcast_convert_type3A = tpu.bitcast %slice3A : vector<2000x16xbf16> -> vector<2000x16xi16>
    %convert_element_type3A_52 = arith.extui %bitcast_convert_type3A : vector<2000x16xi16> to vector<2000x16xi32>
    %slice3A_53 = vector.extract_strided_slice %convert_element_type3A_51 {offsets = [0, 16], sizes = [2000, 16], strides = [1, 1]} : vector<2000x32xbf16> to vector<2000x16xbf16>
    %bitcast_convert_type3A_54 = tpu.bitcast %slice3A_53 : vector<2000x16xbf16> -> vector<2000x16xi16>
    %convert_element_type3A_55 = arith.extui %bitcast_convert_type3A_54 : vector<2000x16xi16> to vector<2000x16xi32>
    %shift_left3A = arith.constant 16 : i32
    %shift_left3A_56 = vector.broadcast %shift_left3A : i32 to vector<2000x16xi32>
    %shift_left3A_57 = arith.shli %convert_element_type3A_55, %shift_left3A_56 : vector<2000x16xi32>
    %or3A = arith.ori %shift_left3A_57, %convert_element_type3A_52 : vector<2000x16xi32>
    %swap3A_58 = arith.constant 0 : index
    %swap3A_59 = arith.constant 0 : index
    %swap3A_60 = vector.load %arg11[%swap3A_58, %swap3A_59] : memref<2000x16xi32, #tpu.memory_space<vmem>>, vector<2000x16xi32>
    tpu.vector_store %arg11[%swap3A_58, %swap3A_59], %or3A {strides = array<i32>} : memref<2000x16xi32, #tpu.memory_space<vmem>>, vector<2000x16xi32>,
    return
  }
  func.func @transform_0(%arg0: i32) -> (i32, i32) {
    %c0_i32 = arith.constant 0 : i32
    %c0_i32_0 = arith.constant 0 : i32
    return %arg0, %c0_i32 : i32, i32
  }
  func.func @transform_1(%arg0: i32) -> (i32, i32) {
    %c0_i32 = arith.constant 0 : i32
    %c0_i32_0 = arith.constant 0 : i32
    return %arg0, %c0_i32 : i32, i32
  }
  func.func @transform_2(%arg0: i32) -> (i32, i32) {
    %c0_i32 = arith.constant 0 : i32
    %c0_i32_0 = arith.constant 0 : i32
    %c0_i32_1 = arith.constant 0 : i32
    return %c0_i32, %c0_i32_0 : i32, i32
  }
  func.func @transform_3(%arg0: i32) -> (i32, i32) {
    %c0_i32 = arith.constant 0 : i32
    %c0_i32_0 = arith.constant 0 : i32
    %c0_i32_1 = arith.constant 0 : i32
    return %c0_i32, %c0_i32_0 : i32, i32
  }
  func.func @transform_4(%arg0: i32) -> (i32, i32) {
    %c0_i32 = arith.constant 0 : i32
    %c0_i32_0 = arith.constant 0 : i32
    %c0_i32_1 = arith.constant 0 : i32
    return %c0_i32, %c0_i32_0 : i32, i32
  }
  func.func @transform_5(%arg0: i32) -> (i32, i32) {
    %c0_i32 = arith.constant 0 : i32
    %c0_i32_0 = arith.constant 0 : i32
    %c0_i32_1 = arith.constant 0 : i32
    return %c0_i32, %c0_i32_0 : i32, i32
  }
  func.func @transform_6(%arg0: i32) -> (i32, i32) {
    %c0_i32 = arith.constant 0 : i32
    %c0_i32_0 = arith.constant 0 : i32
    %c0_i32_1 = arith.constant 0 : i32
    return %c0_i32, %c0_i32_0 : i32, i32
  }
  func.func @transform_7(%arg0: i32) -> (i32, i32) {
    %c0_i32 = arith.constant 0 : i32
    %c0_i32_0 = arith.constant 0 : i32
    %c0_i32_1 = arith.constant 0 : i32
    return %c0_i32, %c0_i32_0 : i32, i32
  }
  func.func @transform_8(%arg0: i32) -> (i32, i32) {
    %c0_i32 = arith.constant 0 : i32
    %c0_i32_0 = arith.constant 0 : i32
    %c0_i32_1 = arith.constant 0 : i32
    return %c0_i32, %c0_i32_0 : i32, i32
  }
  func.func @transform_9(%arg0: i32) -> (i32, i32) {
    %c0_i32 = arith.constant 0 : i32
    %c0_i32_0 = arith.constant 0 : i32
    return %arg0, %c0_i32 : i32, i32
  }
  func.func @transform_10(%arg0: i32) -> (i32, i32) {
    %c0_i32 = arith.constant 0 : i32
    %c0_i32_0 = arith.constant 0 : i32
    return %arg0, %c0_i32 : i32, i32
  }
}

module attributes {stable_mosaic.version = 14 : i64} {
  func.func @_mean_body(%arg0: i32, %arg1: memref<2000x128xf32, #tpu.memory_space<vmem>>, %arg2: memref<1x128xf32, #tpu.memory_space<vmem>>) attributes {dimension_semantics = [#tpu.dimension_semantics<arbitrary>], iteration_bounds = array<i64: 5>, scalar_prefetch = 0 : i64, scratch_operands = 0 : i64, tpu.core_type = #tpu.core_type<tc>, window_params = [{transform_indices = @transform_0, window_bounds = array<i64: 2000, 128>}, {pipeline_mode = #tpu.pipeline_mode<synchronous>, transform_indices = @transform_1, window_bounds = array<i64: 1, 128>}]} {
    %eq3A = arith.constant 0 : i32
    %eq3A_0 = arith.cmpi eq, %arg0, %eq3A : i32
    %convert_element_type3A = arith.extui %eq3A_0 : i1 to i32
    %cond3A = arith.constant 0 : i32
    %cond3A_1 = arith.cmpi ne, %convert_element_type3A, %cond3A : i32
    scf.if %cond3A_1 {
      %broadcast_in_dim3A_15 = arith.constant 0.000000e+00 : f32
      %broadcast_in_dim3A_16 = vector.broadcast %broadcast_in_dim3A_15 : f32 to vector<1x128xf32>
      %swap3A_17 = arith.constant 0 : index
      %swap3A_18 = arith.constant 0 : index
      %swap3A_19 = vector.load %arg2[%swap3A_17, %swap3A_18] : memref<1x128xf32, #tpu.memory_space<vmem>>, vector<1x128xf32>
      tpu.vector_store %arg2[%swap3A_17, %swap3A_18], %broadcast_in_dim3A_16 {strides = array<i32>} : memref<1x128xf32, #tpu.memory_space<vmem>>, vector<1x128xf32>,
    } else {
    }
    %get3A = arith.constant 0 : index
    %get3A_2 = arith.constant 0 : index
    %get3A_3 = vector.load %arg2[%get3A, %get3A_2] : memref<1x128xf32, #tpu.memory_space<vmem>>, vector<1x128xf32>
    %get3A_4 = arith.constant 0 : index
    %get3A_5 = arith.constant 0 : index
    %get3A_6 = vector.load %arg1[%get3A_4, %get3A_5] : memref<2000x128xf32, #tpu.memory_space<vmem>>, vector<2000x128xf32>
    %reduce_sum3A = arith.constant dense<0.000000e+00> : vector<128xf32>
    %reduce_sum3A_7 = vector.multi_reduction <add>, %get3A_6, %reduce_sum3A [0] : vector<2000x128xf32> to vector<128xf32>
    %broadcast_in_dim3A = vector.shape_cast %reduce_sum3A_7 : vector<128xf32> to vector<1x128xf32>
    %add3A = arith.addf %get3A_3, %broadcast_in_dim3A : vector<1x128xf32>
    %swap3A = arith.constant 0 : index
    %swap3A_8 = arith.constant 0 : index
    %swap3A_9 = vector.load %arg2[%swap3A, %swap3A_8] : memref<1x128xf32, #tpu.memory_space<vmem>>, vector<1x128xf32>
    tpu.vector_store %arg2[%swap3A, %swap3A_8], %add3A {strides = array<i32>} : memref<1x128xf32, #tpu.memory_space<vmem>>, vector<1x128xf32>,
    %eq3A_10 = arith.constant 4 : i32
    %eq3A_11 = arith.cmpi eq, %arg0, %eq3A_10 : i32
    %convert_element_type3A_12 = arith.extui %eq3A_11 : i1 to i32
    %cond3A_13 = arith.constant 0 : i32
    %cond3A_14 = arith.cmpi ne, %convert_element_type3A_12, %cond3A_13 : i32
    scf.if %cond3A_14 {
      %get3A_15 = arith.constant 0 : index
      %get3A_16 = arith.constant 0 : index
      %get3A_17 = vector.load %arg2[%get3A_15, %get3A_16] : memref<1x128xf32, #tpu.memory_space<vmem>>, vector<1x128xf32>
      %mul3A = arith.constant 9.99999974E-5 : f32
      %mul3A_18 = vector.broadcast %mul3A : f32 to vector<1x128xf32>
      %mul3A_19 = arith.mulf %get3A_17, %mul3A_18 : vector<1x128xf32>
      %swap3A_20 = arith.constant 0 : index
      %swap3A_21 = arith.constant 0 : index
      %swap3A_22 = vector.load %arg2[%swap3A_20, %swap3A_21] : memref<1x128xf32, #tpu.memory_space<vmem>>, vector<1x128xf32>
      tpu.vector_store %arg2[%swap3A_20, %swap3A_21], %mul3A_19 {strides = array<i32>} : memref<1x128xf32, #tpu.memory_space<vmem>>, vector<1x128xf32>,
    } else {
    }
    return
  }
  func.func @transform_0(%arg0: i32) -> (i32, i32) {
    %c0_i32 = arith.constant 0 : i32
    %c0_i32_0 = arith.constant 0 : i32
    return %arg0, %c0_i32 : i32, i32
  }
  func.func @transform_1(%arg0: i32) -> (i32, i32) {
    %c0_i32 = arith.constant 0 : i32
    %c0_i32_0 = arith.constant 0 : i32
    %c0_i32_1 = arith.constant 0 : i32
    return %c0_i32, %c0_i32_0 : i32, i32
  }
}

module attributes {stable_mosaic.version = 14 : i64} {
  func.func @_mlp_body(%arg0: i32, %arg1: memref<2000x128xf32, #tpu.memory_space<vmem>>, %arg2: memref<2000x128xf32, #tpu.memory_space<vmem>>, %arg3: memref<1x128xf32, #tpu.memory_space<vmem>>, %arg4: memref<384x256xf32, #tpu.memory_space<vmem>>, %arg5: memref<1x256xf32, #tpu.memory_space<vmem>>, %arg6: memref<256x256xf32, #tpu.memory_space<vmem>>, %arg7: memref<1x256xf32, #tpu.memory_space<vmem>>, %arg8: memref<256x8xf32, #tpu.memory_space<vmem>>, %arg9: memref<1x8xf32, #tpu.memory_space<vmem>>, %arg10: memref<2000x8xf32, #tpu.memory_space<vmem>>) attributes {dimension_semantics = [#tpu.dimension_semantics<arbitrary>], iteration_bounds = array<i64: 5>, scalar_prefetch = 0 : i64, scratch_operands = 0 : i64, tpu.core_type = #tpu.core_type<tc>, window_params = [{transform_indices = @transform_0, window_bounds = array<i64: 2000, 128>}, {transform_indices = @transform_1, window_bounds = array<i64: 2000, 128>}, {pipeline_mode = #tpu.pipeline_mode<synchronous>, transform_indices = @transform_2, window_bounds = array<i64: 1, 128>}, {pipeline_mode = #tpu.pipeline_mode<synchronous>, transform_indices = @transform_3, window_bounds = array<i64: 384, 256>}, {pipeline_mode = #tpu.pipeline_mode<synchronous>, transform_indices = @transform_4, window_bounds = array<i64: 1, 256>}, {pipeline_mode = #tpu.pipeline_mode<synchronous>, transform_indices = @transform_5, window_bounds = array<i64: 256, 256>}, {pipeline_mode = #tpu.pipeline_mode<synchronous>, transform_indices = @transform_6, window_bounds = array<i64: 1, 256>}, {pipeline_mode = #tpu.pipeline_mode<synchronous>, transform_indices = @transform_7, window_bounds = array<i64: 256, 8>}, {pipeline_mode = #tpu.pipeline_mode<synchronous>, transform_indices = @transform_8, window_bounds = array<i64: 1, 8>}, {transform_indices = @transform_9, window_bounds = array<i64: 2000, 8>}]} {
    %get3A = arith.constant 0 : index
    %get3A_0 = arith.constant 0 : index
    %get3A_1 = vector.load %arg1[%get3A, %get3A_0] : memref<2000x128xf32, #tpu.memory_space<vmem>>, vector<2000x128xf32>
    %convert_element_type3A = arith.truncf %get3A_1 : vector<2000x128xf32> to vector<2000x128xbf16>
    %get3A_2 = arith.constant 0 : index
    %get3A_3 = arith.constant 0 : index
    %get3A_4 = vector.load %arg2[%get3A_2, %get3A_3] : memref<2000x128xf32, #tpu.memory_space<vmem>>, vector<2000x128xf32>
    %convert_element_type3A_5 = arith.truncf %get3A_4 : vector<2000x128xf32> to vector<2000x128xbf16>
    %get3A_6 = arith.constant 0 : index
    %get3A_7 = arith.constant 0 : index
    %get3A_8 = vector.load %arg3[%get3A_6, %get3A_7] : memref<1x128xf32, #tpu.memory_space<vmem>>, vector<1x128xf32>
    %convert_element_type3A_9 = arith.truncf %get3A_8 : vector<1x128xf32> to vector<1x128xbf16>
    %broadcast_in_dim3A = vector.shape_cast %convert_element_type3A_9 : vector<1x128xbf16> to vector<1x128xbf16>
    %broadcast_in_dim3A_10 = vector.broadcast %broadcast_in_dim3A : vector<1x128xbf16> to vector<2000x128xbf16>
    %concatenate3A = tpu.concatenate %convert_element_type3A, %convert_element_type3A_5, %broadcast_in_dim3A_10 in 1 : vector<2000x128xbf16>, vector<2000x128xbf16>, vector<2000x128xbf16> -> vector<2000x384xbf16>
    %get3A_11 = arith.constant 0 : index
    %get3A_12 = arith.constant 0 : index
    %get3A_13 = vector.load %arg4[%get3A_11, %get3A_12] : memref<384x256xf32, #tpu.memory_space<vmem>>, vector<384x256xf32>
    %convert_element_type3A_14 = arith.truncf %get3A_13 : vector<384x256xf32> to vector<384x256xbf16>
    %dot_general3A = arith.constant dense<0.000000e+00> : vector<2000x256xf32>
    %dot_general3A_15 = tpu.matmul %concatenate3A, %convert_element_type3A_14, %dot_general3A {dimension_numbers = #tpu.dot_dimension_numbers<[1], [0], [0], [1], [0, 0, 1, 1], [], []>, transpose_lhs_hint = false} : vector<2000x384xbf16>, vector<384x256xbf16>, vector<2000x256xf32> -> vector<2000x256xf32>
    %get3A_16 = arith.constant 0 : index
    %get3A_17 = arith.constant 0 : index
    %get3A_18 = vector.load %arg5[%get3A_16, %get3A_17] : memref<1x256xf32, #tpu.memory_space<vmem>>, vector<1x256xf32>
    %add3A = vector.broadcast %get3A_18 : vector<1x256xf32> to vector<2000x256xf32>
    %add3A_19 = arith.addf %dot_general3A_15, %add3A : vector<2000x256xf32>
    %convert_element_type3A_20 = arith.truncf %add3A_19 : vector<2000x256xf32> to vector<2000x256xbf16>
    %get3A_21 = arith.constant 0 : index
    %get3A_22 = arith.constant 0 : index
    %get3A_23 = vector.load %arg6[%get3A_21, %get3A_22] : memref<256x256xf32, #tpu.memory_space<vmem>>, vector<256x256xf32>
    %convert_element_type3A_24 = arith.truncf %get3A_23 : vector<256x256xf32> to vector<256x256xbf16>
    %dot_general3A_25 = arith.constant dense<0.000000e+00> : vector<2000x256xf32>
    %dot_general3A_26 = tpu.matmul %convert_element_type3A_20, %convert_element_type3A_24, %dot_general3A_25 {dimension_numbers = #tpu.dot_dimension_numbers<[1], [0], [0], [1], [0, 0, 1, 1], [], []>, transpose_lhs_hint = false} : vector<2000x256xbf16>, vector<256x256xbf16>, vector<2000x256xf32> -> vector<2000x256xf32>
    %get3A_27 = arith.constant 0 : index
    %get3A_28 = arith.constant 0 : index
    %get3A_29 = vector.load %arg7[%get3A_27, %get3A_28] : memref<1x256xf32, #tpu.memory_space<vmem>>, vector<1x256xf32>
    %add3A_30 = vector.broadcast %get3A_29 : vector<1x256xf32> to vector<2000x256xf32>
    %add3A_31 = arith.addf %dot_general3A_26, %add3A_30 : vector<2000x256xf32>
    %max3A = arith.constant 0.000000e+00 : f32
    %max3A_32 = vector.broadcast %max3A : f32 to vector<2000x256xf32>
    %max3A_33 = arith.maximumf %add3A_31, %max3A_32 : vector<2000x256xf32>
    %convert_element_type3A_34 = arith.truncf %max3A_33 : vector<2000x256xf32> to vector<2000x256xbf16>
    %get3A_35 = arith.constant 0 : index
    %get3A_36 = arith.constant 0 : index
    %get3A_37 = vector.load %arg8[%get3A_35, %get3A_36] : memref<256x8xf32, #tpu.memory_space<vmem>>, vector<256x8xf32>
    %convert_element_type3A_38 = arith.truncf %get3A_37 : vector<256x8xf32> to vector<256x8xbf16>
    %dot_general3A_39 = arith.constant dense<0.000000e+00> : vector<2000x8xf32>
    %dot_general3A_40 = tpu.matmul %convert_element_type3A_34, %convert_element_type3A_38, %dot_general3A_39 {dimension_numbers = #tpu.dot_dimension_numbers<[1], [0], [0], [1], [0, 0, 1, 1], [], []>, transpose_lhs_hint = false} : vector<2000x256xbf16>, vector<256x8xbf16>, vector<2000x8xf32> -> vector<2000x8xf32>
    %get3A_41 = arith.constant 0 : index
    %get3A_42 = arith.constant 0 : index
    %get3A_43 = vector.load %arg9[%get3A_41, %get3A_42] : memref<1x8xf32, #tpu.memory_space<vmem>>, vector<1x8xf32>
    %add3A_44 = vector.broadcast %get3A_43 : vector<1x8xf32> to vector<2000x8xf32>
    %add3A_45 = arith.addf %dot_general3A_40, %add3A_44 : vector<2000x8xf32>
    %swap3A = arith.constant 0 : index
    %swap3A_46 = arith.constant 0 : index
    %swap3A_47 = vector.load %arg10[%swap3A, %swap3A_46] : memref<2000x8xf32, #tpu.memory_space<vmem>>, vector<2000x8xf32>
    tpu.vector_store %arg10[%swap3A, %swap3A_46], %add3A_45 {strides = array<i32>} : memref<2000x8xf32, #tpu.memory_space<vmem>>, vector<2000x8xf32>,
    return
  }
  func.func @transform_0(%arg0: i32) -> (i32, i32) {
    %c0_i32 = arith.constant 0 : i32
    %c0_i32_0 = arith.constant 0 : i32
    return %arg0, %c0_i32 : i32, i32
  }
  func.func @transform_1(%arg0: i32) -> (i32, i32) {
    %c0_i32 = arith.constant 0 : i32
    %c0_i32_0 = arith.constant 0 : i32
    return %arg0, %c0_i32 : i32, i32
  }
  func.func @transform_2(%arg0: i32) -> (i32, i32) {
    %c0_i32 = arith.constant 0 : i32
    %c0_i32_0 = arith.constant 0 : i32
    %c0_i32_1 = arith.constant 0 : i32
    return %c0_i32, %c0_i32_0 : i32, i32
  }
  func.func @transform_3(%arg0: i32) -> (i32, i32) {
    %c0_i32 = arith.constant 0 : i32
    %c0_i32_0 = arith.constant 0 : i32
    %c0_i32_1 = arith.constant 0 : i32
    return %c0_i32, %c0_i32_0 : i32, i32
  }
  func.func @transform_4(%arg0: i32) -> (i32, i32) {
    %c0_i32 = arith.constant 0 : i32
    %c0_i32_0 = arith.constant 0 : i32
    %c0_i32_1 = arith.constant 0 : i32
    return %c0_i32, %c0_i32_0 : i32, i32
  }
  func.func @transform_5(%arg0: i32) -> (i32, i32) {
    %c0_i32 = arith.constant 0 : i32
    %c0_i32_0 = arith.constant 0 : i32
    %c0_i32_1 = arith.constant 0 : i32
    return %c0_i32, %c0_i32_0 : i32, i32
  }
  func.func @transform_6(%arg0: i32) -> (i32, i32) {
    %c0_i32 = arith.constant 0 : i32
    %c0_i32_0 = arith.constant 0 : i32
    %c0_i32_1 = arith.constant 0 : i32
    return %c0_i32, %c0_i32_0 : i32, i32
  }
  func.func @transform_7(%arg0: i32) -> (i32, i32) {
    %c0_i32 = arith.constant 0 : i32
    %c0_i32_0 = arith.constant 0 : i32
    %c0_i32_1 = arith.constant 0 : i32
    return %c0_i32, %c0_i32_0 : i32, i32
  }
  func.func @transform_8(%arg0: i32) -> (i32, i32) {
    %c0_i32 = arith.constant 0 : i32
    %c0_i32_0 = arith.constant 0 : i32
    %c0_i32_1 = arith.constant 0 : i32
    return %c0_i32, %c0_i32_0 : i32, i32
  }
  func.func @transform_9(%arg0: i32) -> (i32, i32) {
    %c0_i32 = arith.constant 0 : i32
    %c0_i32_0 = arith.constant 0 : i32
    return %arg0, %c0_i32 : i32, i32
  }
}

</mosaic_0001>

<sc_bundles>
// kernel: kernel.6.cloned.1.call-start
scs
__scs_entry_jumppad:
0x0: {  	(pc) =	sbr.rel $0x88, $3  }
0x1: {  	(tag) =	ssettag $0x0;
	lr =	simm.s32 $0x1  }
0x2: {  	[smem:$0x3F92] =	sst lr;
	_ =	strace $0xD0000000  }
0x3: {  	_ = 	snop  }
0x4: {  	_ = 	snop  }
0x5: {  	_ = 	snop  }
0x6: {  	_ = 	snop  }
0x7: {  	_ = 	snop  }
__scs_overlays_trampoline_lowered:
0x8: {  	[smem:$0x3FA1] =	sst s0  }
0x9: {  	[smem:$0x3FA2] =	sst s1  }
0xa: {  	[smem:$0x3FA3] =	sst s2  }
0xb: {  	[smem:$0x3FA4] =	sst s3  }
0xc: {  	[smem:$0x3FA5] =	sst s4  }
0xd: {  	[smem:$0x3FA6] =	sst s5  }
0xe: {  	[smem:$0x3FA7] =	sst s6  }
0xf: {  	[smem:$0x3FA8] =	sst s7  }
0x10: {  	[smem:$0x3FA9] =	sst s8  }
0x11: {  	[smem:$0x3FAA] =	sst s9;
	s0 =	simm.s32 @!p0 $0x0  }
0x12: {  	s1 =	sld [smem:$0x3F90];
	s0 =	simm.s32 @p0 $0x1  }
0x13: {  	[smem:$0x3FAB] =	sst s0;
	s0 =	simm.s32 @!p1 $0x0  }
0x14: {  	s2 =	sld [smem:$0x3F8F];
	s0 =	simm.s32 @p1 $0x1  }
0x15: {  	[smem:$0x3FAC] =	sst s0;
	s0 =	simm.s32 @!p2 $0x0  }
0x16: {  	s3 =	sld [smem:$0x3FDB];
	s0 =	simm.s32 @p2 $0x1  }
0x17: {  	s4 =	simm.s32 $0x1BF5;
	[smem:$0x3FAE] =	sst s0  }
0x18: {  	s0 =	sld [smem:$0x3F91];
	_ =	swait.ge [sflag:s4], $0x0  }
0x19: {  	s7 =	sld [smem:$0x3F92]  }
0x1a: {  	s8 =	sadd.s32 $0xFFFFE003, lr  }
0x1b: {  	s9 =	sadd.s32 $0xFFFFFEF7, lr;
	s5 =	simm.s32 $0xFFFFFFFF;
	p2 =	slt.u32 s8, $0xFFFFF086  }
0x1c: {  	p1 =	slt.u32 s9, $0xF7A;
	s5 =	simm.s32 @!p2 $0x0  }
0x1d: {  	s5 =	simm.s32 @p1 $0x1;
	p0 =	seq.s32 s7, s2  }
0x1e: {  	s7 =	smul.u32 @!p0 $0xF7A, s2;
	p2 =	seq.s32 @!p0 s5, $0x0  }
0x1f: {  	s9 =	smul.u32 $0xF7A, s1;
	s8 =	simm.s32 @!p0 $0x1BF5;
	p2 =	por !p2, p0  }
0x20: {  	[sflag:s8] =	ssyncset.s32 @!p0 $0xFFFFF086;
	s6 =	sadd.s32 @!p0 s3, s7;
	s7 =	simm.s32 @!p0 $0x108  }
0x21: {  	s3 =	sadd.s32 s3, s9;
	s6 =	sadd.s32 @!p0 $0x88, s6;
	s7 =	simm.s32 @p2 $0x1082  }
0x22: {  	[simem:s7], [sflag:s8] =	dma.local @!p0 [hbm:s6], $0xF7A  }
0x23: {  	s9 =	sor.u32 $0xD0000000, s2;
	s6 =	simm.s32 $0x108;
	_ =	swait.ge @!p0 [sflag:s8], $0x0  }
0x24: {  	s3 =	sadd.s32 $0x88, s3;
	s6 =	simm.s32 @!p1 $0x1082;
	[sflag:s4] =	ssyncset.s32 $0xFFFFF086  }
0x25: {  	[simem:s6], [sflag:s4] =	dma.local [hbm:s3], $0xF7A  }
0x26: {  	[smem:$0x3F92] =	sst s1;
	(tag) =	ssettag s2;
	_ =	strace s9  }
0x27: {  	s1 =	sld [smem:$0x3FA2]  }
0x28: {  	s2 =	sld [smem:$0x3FA3]  }
0x29: {  	s4 =	sld [smem:$0x3FA5]  }
0x2a: {  	p0 =	seq.s32 s5, $0x0;
	s5 =	sld [smem:$0x3FA6]  }
0x2b: {  	s6 =	sld [smem:$0x3FA7]  }
0x2c: {  	s7 =	sld [smem:$0x3FA8]  }
0x2d: {  	s3 =	simm.s32 $0x108;
	s8 =	sld [smem:$0x3FA9]  }
0x2e: {  	s3 =	simm.s32 @!p0 $0x1082;
	s9 =	sld [smem:$0x3FAA]  }
0x2f: {  	lr =	sadd.s32 s0, s3;
	s0 =	sld [smem:$0x3FA1]  }
0x30: {  	s3 =	sld [smem:$0x3FA4]  }
0x31: {  	[smem:$0x3FAD] =	sst s10  }
0x32: {  	s10 =	sld [smem:$0x3FAB];
	_ =	sdelay $0x3  }
0x33: {  	p0 =	seq.s32 s10, $0x1;
	s10 =	sld [smem:$0x3FAD];
	_ =	sdelay $0x3  }
0x34: {  	[smem:$0x3FAD] =	sst s10  }
0x35: {  	s10 =	sld [smem:$0x3FAC];
	_ =	sdelay $0x3  }
0x36: {  	p1 =	seq.s32 s10, $0x1;
	s10 =	sld [smem:$0x3FAD];
	_ =	sdelay $0x3  }
0x37: {  	[smem:$0x3FAD] =	sst s10  }
0x38: {  	s10 =	sld [smem:$0x3FAE]  }
0x39: {  	_ = 	snop;
	(pc) =	sbr.ind lr, $3  }
0x3a: {  	_ = 	snop  }
0x3b: {  	_ = 	snop  }
0x3c: {  	p2 =	seq.s32 s10, $0x1;
	s10 =	sld [smem:$0x3FAD]  }
0x3d: {  	_ =	shalt  }
0x3e: {  	_ =	shalt  }
0x3f: {  	_ =	shalt  }
0x40: {  	_ =	shalt  }
0x41: {  	_ =	shalt  }
0x42: {  	_ =	shalt  }
0x43: {  	_ =	shalt  }
0x44: {  	_ =	shalt  }
0x45: {  	_ =	shalt  }
0x46: {  	_ =	shalt  }
0x47: {  	_ =	shalt  }
0x48: {  	_ =	shalt  }
0x49: {  	_ =	shalt  }
0x4a: {  	_ =	shalt  }
0x4b: {  	_ =	shalt  }
0x4c: {  	_ =	shalt  }
0x4d: {  	_ =	shalt  }
0x4e: {  	_ =	shalt  }
0x4f: {  	_ =	shalt  }
0x50: {  	_ =	shalt  }
0x51: {  	_ =	shalt  }
0x52: {  	_ =	shalt  }
0x53: {  	_ =	shalt  }
0x54: {  	_ =	shalt  }
0x55: {  	_ =	shalt  }
0x56: {  	_ =	shalt  }
0x57: {  	_ =	shalt  }
0x58: {  	_ =	shalt  }
0x59: {  	_ =	shalt  }
0x5a: {  	_ =	shalt  }
0x5b: {  	_ =	shalt  }
0x5c: {  	_ =	shalt  }
0x5d: {  	_ =	shalt  }
0x5e: {  	_ =	shalt  }
0x5f: {  	_ =	shalt  }
0x60: {  	_ =	shalt  }
0x61: {  	_ =	shalt  }
0x62: {  	_ =	shalt  }
0x63: {  	_ =	shalt  }
0x64: {  	_ =	shalt  }
0x65: {  	_ =	shalt  }
0x66: {  	_ =	shalt  }
0x67: {  	_ =	shalt  }
0x68: {  	_ =	shalt  }
0x69: {  	_ =	shalt  }
0x6a: {  	_ =	shalt  }
0x6b: {  	_ =	shalt  }
0x6c: {  	_ =	shalt  }
0x6d: {  	_ =	shalt  }
0x6e: {  	_ =	shalt  }
0x6f: {  	_ =	shalt  }
0x70: {  	_ =	shalt  }
0x71: {  	_ =	shalt  }
0x72: {  	_ =	shalt  }
0x73: {  	_ =	shalt  }
0x74: {  	_ =	shalt  }
0x75: {  	_ =	shalt  }
0x76: {  	_ =	shalt  }
0x77: {  	_ =	shalt  }
0x78: {  	_ =	shalt  }
0x79: {  	_ =	shalt  }
0x7a: {  	_ =	shalt  }
0x7b: {  	_ =	shalt  }
0x7c: {  	_ =	shalt  }
0x7d: {  	_ =	shalt  }
0x7e: {  	_ =	shalt  }
0x7f: {  	_ =	shalt  }
0x80: {  	_ =	shalt  }
0x81: {  	_ =	shalt  }
0x82: {  	_ =	shalt  }
0x83: {  	_ =	shalt  }
0x84: {  	_ =	shalt  }
0x85: {  	_ =	shalt  }
0x86: {  	_ =	shalt  }
0x87: {  	_ =	shalt  }
.Lfunc_end0:
.L_simem_size_0:
called_computation_lowered:
.L_overlay_start_0:
0x88: {  	s2 =	sld [smem:$0x3FD9]  }
0x89: {  	s3 =	sld [smem:$0x3FFE];
	_ =	sdelay $0x1  }
0x8a: {  	s1 =	srdreg.scid  }
0x8b: {  	s0 =	sand.u32 $0x1, s1  }
0x8c: {  	s14 =	sshll.u32 s0, $0xA;
	s2 =	sadd.s32 s3, s2  }
0x8d: {  	s2 =	sadd.s32 s2, s14  }
0x8e: {  	[smem:$0x3FB9] =	sst s2  }
0x8f: {  	_ = 	snop  }
0x90: {  	s2 =	sld [smem:$0x3FD0];
	_ =	sdelay $0x2  }
0x91: {  	s15 =	simm.s32 $0xA;
	s4 =	simm.s32 $0x10  }
0x92: {  	[smem:s4], [sflag:s15] =	dma.local [hbm:s2], $0x1  }
0x93: {  	_ =	swait.eq [sflag:s15], $0x1  }
0x94: {  	[sflag:s15] =	ssyncset.done $0x0  }
0x95: {  	[sflag:s15] =	ssyncadd.s32 $0xFFFFFFFF  }
0x96: {  	s16 =	sld [smem:$0x11];
	(tm) =	ssettm $0x1  }
0x97: {  	s17 =	sld [smem:$0x3FFB];
	_ =	sdelay $0x3  }
0x98: {  	_ =	strace s17  }
0x99: {  	s3 =	sld [smem:$0x3FFC];
	_ =	sdelay $0x3  }
0x9a: {  	_ =	strace s3  }
0x9b: {  	s3 =	sld [smem:$0x3FFD];
	_ =	sdelay $0x3  }
0x9c: {  	_ =	strace s3  }
0x9d: {  	_ =	strace $0x8FFFFFFF  }
0x9e: {  	s18 =	sld [smem:$0x3FDB];
	_ =	sdelay $0x1  }
0x9f: {  	s19 =	simm.s32 $_scs_section_size  }
0xa0: {  	s5 =	simm.s32 $_size__tile_overlayer_lowered;
	s6 =	simm.s32 $_tile_overlayer_lowered  }
0xa1: {  	s22 =	simm.s32 $0x1BFF;
	s21 =	sshll.u32 s6, $0x1;
	s3 =	sadd.s32 s19, s18  }
0xa2: {  	s7 =	simm.s32 $0x0;
	s20 =	sshll.u32 s5, $0x1;
	s5 =	sadd.s32 s21, s3  }
0xa3: {  	[timem:s7], [sflag:s22] =	dma.local [hbm:s5], s20  }
0xa4: {  	_ =	swait.ge [sflag:s22], s20  }
0xa5: {  	s4 =	ssub.s32 $0x0, s20;
	[sflag:s22] =	ssyncset.done $0x0  }
0xa6: {  	[sflag:s22] =	ssyncadd.s32 s4;
	_ =	sdelay $0x1  }
0xa7: {  	s23 =	simm.s32 $0x1B8B  }
0xa8: {  	_ =	swait.ge [sflag:s23], $0x1  }
0xa9: {  	[sflag:s23] =	ssyncset.done $0x0  }
0xaa: {  	s25 =	simm.s32 $0x1B8E;
	s24 =	sld [smem:$0x3FFE];
	[sflag:s23] =	ssyncadd.s32 $0xFFFFFFFF  }
0xab: {  	s26 =	simm.s32 $execute0_lowered;
	[smem:$0x3FD2] =	sst s25  }
0xac: {  	s5 =	sshll.u32 s26, $0x1;
	_ =	strace $0x80000046;
	[dreg:$0x1] =	wrdreg $0xFFFFFFFF  }
0xad: {  	s28 =	simm.s32 $_size_execute0_lowered;
	s3 =	sadd.s32 s3, s5;
	[dreg:$0x0] =	wrdreg $0x0  }
0xae: {  	s5 =	sshll.u32 s28, $0x1;
	[dreg:$0x2] =	wrdreg s3  }
0xaf: {  	[dreg:$0x3] =	wrdreg s5  }
0xb0: {  	[dreg:$0x4] =	wrdreg $0xC0  }
0xb1: {  	_ =	task [dreg:s7], $0x5FFFF  }
0xb2: {  	[dreg:$0x1] =	wrdreg $0xFFFFFFFF  }
0xb3: {  	[dreg:$0x0] =	wrdreg $0x60  }
0xb4: {  	[dreg:$0x2] =	wrdreg s24  }
0xb5: {  	[dreg:$0x3] =	wrdreg s16  }
0xb6: {  	[dreg:$0x4] =	wrdreg $0x9  }
0xb7: {  	_ =	task.clear_ibuf [dreg:s7], $0x5FFFF;
	_ =	strace $0x90000046  }
0xb8: {  	s29 =	simm.s32 $0x9;
	_ =	strace $0x80000048  }
0xb9: {  	_ =	swait.ge [sflag:s29], $0x1  }
0xba: {  	[sflag:s29] =	ssyncadd.s32 $0xFFFFFFFF  }
0xbb: {  	_ =	strace $0x90000048  }
0xbc: {  	_ =	sfence  }
0xbd: {  	s30 =	sld [smem:$0x0];
	_ =	sdelay $0x2  }
0xbe: {  	s31 =	sshll.u32 s1, $0xD;
	s1 =	sshrl.u32 s1, $0x2  }
0xbf: {  	s3 =	sand.u32 $0x4000, s31;
	s1 =	sadd.s32 s1, s30  }
0xc0: {  	s0 =	sor.u32 s3, s0;
	s1 =	sshll.u32 s1, $0x11  }
0xc1: {  	s0 =	sor.u32 s1, s0  }
0xc2: {  	s0 =	sadd.s32 $0x8F2B, s0  }
0xc3: {  	[sflag:s0] =	ssyncadd.remote.s32 $0x1  }
0xc4: {  	_ =	sfence.sel $0xFFFF  }
0xc5: {  	[dreg:$0x0] =	wrdreg $0xFFFFFFFF;
	(pc) =	sbr.abs _section_cstart, $3  }
0xc6: {  	[dreg:$0x1] =	wrdreg $0xFFFFFFFF  }
0xc7: {  	_ =	task.clear_ibuf [dreg:s7], $0x2FFFF;
	_ =	strace $0x9FFFFFFF  }
0xc8: {  	(tm) =	ssettm $0x7FFFFFFF  }
0xc9: {  	_ =	shalt  }
tec
execute0_lowered:
.L_overlay_start_1:
0x0: {  	(tag) =	ssettag $0x1  }
0x1: {  	v0 =	vimm.s32 $0xFEDCBA9;
	v40 =	vlaneseq.u32;
	v1 =	vimm.s32 $0x87654321  }
0x2: {  	v2 =	vimm.s32 $0x10FEDCBA;
	v3 =	vimm.s32 $0x98765432;
	v4 =	vimm.s32 $0x210FEDCB  }
0x3: {  	v5 =	vimm.s32 $0xA9876543;
	v6 =	vimm.s32 $0x3210FEDC;
	v7 =	vimm.s32 $0xBA987654  }
0x4: {  	v11 =	vimm.s32 $0x43210FED;
	v12 =	vimm.s32 $0xCBA98765;
	v61 =	vimm.s32 $0x543210FE  }
0x5: {  	v62 =	vimm.s32 $0xDCBA9876;
	v13 =	vimm.s32 $0x6543210F;
	v14 =	vimm.s32 $0xEDCBA987  }
0x6: {  	v15 =	vimm.s32 $0xFEDCBA98;
	v16 =	vimm.s32 $0x76543210;
	v0 =	vunpack.c.l.s4.s8 v0  }
0x7: {  	v45 =	vmul.u32 $0x10, v40;
	v1 =	vunpack.c.l.s4.s8 v1;
	v2 =	vunpack.c.l.s4.s8 v2  }
0x8: {  	v3 =	vunpack.c.l.s4.s8 v3;
	v4 =	vunpack.c.l.s4.s8 v4;
	v5 =	vunpack.c.l.s4.s8 v5  }
0x9: {  	v6 =	vunpack.c.l.s4.s8 v6;
	v7 =	vunpack.c.l.s4.s8 v7;
	v11 =	vunpack.c.l.s4.s8 v11  }
0xa: {  	v13 =	vunpack.c.l.s4.s8 v13;
	v14 =	vunpack.c.l.s4.s8 v14;
	v15 =	vunpack.c.l.s4.s8 v15  }
0xb: {  	v16 =	vunpack.c.l.s4.s8 v16;
	v0 =	vunpack.c.0.s8.s32 v0;
	v1 =	vunpack.c.0.s8.s32 v1  }
0xc: {  	v2 =	vunpack.c.0.s8.s32 v2;
	v3 =	vunpack.c.0.s8.s32 v3;
	v4 =	vunpack.c.0.s8.s32 v4  }
0xd: {  	v5 =	vunpack.c.0.s8.s32 v5;
	v6 =	vunpack.c.0.s8.s32 v6;
	v7 =	vunpack.c.0.s8.s32 v7  }
0xe: {  	s4 =	rddreg [dreg:$0x0];
	v55 =	vunpack.c.0.s8.s32 v11;
	v11 =	vunpack.c.l.s4.s8 v61;
	v13 =	vunpack.c.0.s8.s32 v13  }
0xf: {  	s6 =	rddreg [dreg:$0x1];
	s2 =	simm.s32 $0x0;
	v14 =	vunpack.c.0.s8.s32 v14;
	v15 =	vunpack.c.0.s8.s32 v15;
	v8 =	vcombine.low v1, v0  }
0x10: {  	s1 =	srdreg.scid;
	[smem:$0x7FF] =	sst s2;
	v16 =	vunpack.c.0.s8.s32 v16;
	v9 =	vcombine.low v3, v2;
	v10 =	vcombine.low v5, v4  }
0x11: {  	s3 =	sand.u32 $0x1, s1;
	s1 =	rddreg [dreg:$0x2];
	_ =	strace $0x80000047;
	[tilespmem:$0x1FF10] =	vst v45;
	v44 =	vand.u32 $0xF, v8;
	v8 =	vunpack.c.l.s4.s8 v12;
	v12 =	vunpack.c.l.s4.s8 v62  }
0x12: {  	v54 =	vcombine.low v7, v6;
	v11 =	vunpack.c.0.s8.s32 v11;
	v46 =	vand.u32 $0xF, v9;
	[tilespmem:$0x1FF20] =	vst v44  }
0x13: {  	v15 =	vand.u32 $0xF, v15;
	v47 =	vand.u32 $0xF, v10;
	[tilespmem:$0x1FF30] =	vst v46;
	v12 =	vunpack.c.0.s8.s32 v12  }
0x14: {  	v18 =	vcombine.low v14, v13;
	v58 =	vcombine.low v15, v16;
	v60 =	vand.u32 $0xF, v54;
	[tilespmem:$0x1FF40] =	vst v47  }
0x15: {  	[tilespmem:$0x1FF50] =	vst v60;
	v8 =	vunpack.c.0.s8.s32 v8;
	v17 =	vcombine.low v12, v11  }
0x16: {  	v0 =	vcombine.low v0, v1;
	v57 =	vand.u32 $0xF, v18;
	[tilespmem:$0x1FF70] =	vst v58  }
0x17: {  	s0 =	stileid.u32;
	[tilespmem:$0x1FF80] =	vst v57;
	v63 =	vcombine.low v8, v55;
	v1 =	vand.u32 $0xF, v17  }
0x18: {  	s10 =	simm.s32 $0x190;
	s11 =	simm.s32 $0x4E20;
	s12 =	simm.s32 $0x6720;
	v61 =	vand.u32 $0xF, v0;
	[tilespmem:$0x1FF00] =	vst v1;
	v1 =	vcombine.low v2, v3  }
0x19: {  	s13 =	simm.s32 $0x1;
	s14 =	simm.s32 $0x2;
	s29 =	sshll.u32 s0, $0x1;
	[tilespmem:$0x1FF90] =	vst v61;
	v48 =	vand.u32 $0xF, v63;
	v2 =	vcombine.low v4, v5  }
0x1a: {  	s15 =	simm.s32 $0x3;
	s16 =	simm.s32 $0x4;
	s5 =	sor.u32 s3, s29;
	v3 =	vcombine.low v6, v7;
	[tilespmem:$0x1FF60] =	vst v48;
	v54 =	vand.u32 $0xF, v1  }
0x1b: {  	s17 =	simm.s32 $0x8020;
	s18 =	simm.s32 $0x9920;
	s5 =	smul.u32 $0x2710, s5;
	v4 =	vcombine.low v55, v8;
	v53 =	vand.u32 $0xF, v2;
	[tilespmem:$0x1FFA0] =	vst v54  }
.Ltmp0:
0x1c: {  	s19 =	simm.s32 $0xB220;
	s30 =	ssub.s32 $0x2, s3;
	v0 =	vcombine.low v11, v12;
	v3 =	vand.u32 $0xF, v3;
	[tilespmem:$0x1FFB0] =	vst v53;
	(pc) =	sbr.rel .LBB2_1-.Ltmp0, $4  }
0x1d: {  	s20 =	simm.s32 $0x0;
	s31 =	sshrl.u32 s30, $0x1;
	s7 =	sshrl.u32 s5, $0x3;
	v5 =	vcombine.low v13, v14;
	v6 =	vand.u32 $0xF, v4;
	[tilespmem:$0x1FFC0] =	vst v3  }
0x1e: {  	s3 =	sadd.s32 $0x2200, s4;
	s9 =	ssub.s32 s30, s31;
	s8 =	sadd.s32 s7, s4;
	v1 =	vand.u32 $0xF, v0;
	[tilespmem:$0x1FFD0] =	vst v6  }
0x1f: {  	s6 =	sadd.s32 s6, s7;
	s7 =	smax.u32 s9, $0x1;
	s9 =	simm.s32 $0x2710;
	v2 =	vand.u32 $0xF, v5;
	[tilespmem:$0x1FFE0] =	vst v1  }
0x20: {  	s4 =	sadd.s32 $0x7200, s8;
	s5 =	sadd.s32 $0x10E40, s8;
	s8 =	simm.s32 $0x5;
	[tilespmem:$0x1FFF0] =	vst v2  }
.LBB2_9:
0x21: {  	s20 =	sadd.s32 $0x1, s20  }
0x22: {  	p0 =	sne.s32 s20, s7  }
.Ltmp1:
0x23: {  	_ = 	snop;
	(pc) =	sbr.rel @!p0 .LBB2_10-.Ltmp1, $4  }
0x24: {  	[hbm4b:s6+s2] =	stream.linear.scatter [tilespmem:s19], [sflag:$0x5], $0x2710, $0x38;
	[tilespmem:$0xD930] =	vst v63  }
0x25: {  	_ =	swait.ge [sflag:s8], $0x2710  }
0x26: {  	[sflag:s8] =	ssyncset.done $0x0  }
0x27: {  	[sflag:s8] =	ssyncadd.s32 $0xFFFFD8F0  }
.LBB2_1:
0x28: {  	[tilespmem:s2], [sflag:$0x5] =	stream.linear.gather [hbm4b:s4+s2], $0x2710, $0x38;
	[tilespmem:$0xD930] =	vst v63  }
0x29: {  	_ =	swait.ge [sflag:s8], $0x2710  }
0x2a: {  	[sflag:s8] =	ssyncset.done $0x0  }
0x2b: {  	[sflag:s8] =	ssyncadd.s32 $0xFFFFD8F0  }
0x2c: {  	[tilespmem:s9], [sflag:$0x5] =	stream.linear.gather [hbm4b:s5+s2], $0x2710, $0x38;
	[tilespmem:$0xD930] =	vst v63  }
0x2d: {  	_ =	swait.ge [sflag:s8], $0x2710  }
.Ltmp2:
0x2e: {  	[sflag:s8] =	ssyncset.done $0x0;
	(pc) =	sbr.rel .LBB2_2-.Ltmp2, $4  }
0x2f: {  	[sflag:s8] =	ssyncadd.s32 $0xFFFFD8F0  }
0x30: {  	[tilespmem:s11], [sflag:$0x1] =	stream.indirect.gather [hbm4b:s3+s10], $0x10, s2, s10, $0xb8;
	[tilespmem:$0xD930] =	vst v63  }
0x31: {  	s21 =	simm.s32 $0xB240;
	s22 =	simm.s32 $0xB3F0;
	s23 =	simm.s32 $0x0  }
0x32: {  	[tilespmem:s12], [sflag:$0x2] =	stream.indirect.gather [hbm4b:s3+s10], $0x10, s9, s10, $0xb8;
	[tilespmem:$0xD930] =	vst v63  }
.LBB2_8:
0x33: {  	v44 =	vld [tilespmem:$0x1FF20]  }
0x34: {  	s23 =	sadd.s32 $0x1, s23;
	v46 =	vld [tilespmem:$0x1FF30]  }
0x35: {  	v47 =	vld [tilespmem:$0x1FF40];
	p0 =	sne.s32 s23, $0xD  }
.Ltmp3:
0x36: {  	v48 =	vld [tilespmem:$0x1FF60];
	(pc) =	sbr.rel @!p0 .LBB2_9-.Ltmp3, $4  }
0x37: {  	v3 =	vld [tilespmem:$0x1FFC0]  }
0x38: {  	v6 =	vld [tilespmem:$0x1FFD0]  }
0x39: {  	v1 =	vld [tilespmem:$0x1FFE0]  }
0x3a: {  	s21 =	sadd.s32 $0x320, s21;
	s22 =	sadd.s32 $0x320, s22;
	v2 =	vld [tilespmem:$0x1FFF0]  }
.LBB2_2:
0x3b: {  	s24 =	sshllo.u32 s23, $0x1  }
0x3c: {  	p0 =	sgt.u32 s24, $0x18  }
0x3d: {  	s24 =	smul.u32 @!p0 $0x190, s24  }
0x3e: {  	s31 =	simm.s32 $0x40;
	s25 =	simm.s32 @!p0 $0x190;
	s26 =	simm.s32 @!p0 $0x8020  }
0x3f: {  	[tilespmem:s26], [sflag:$0x3] =	stream.indirect.gather @!p0 [hbm4b:s3+s25], $0x10, s24, s25, $0xb8;
	[tilespmem:$0xD930] =	vst v63  }
0x40: {  	v0 =	vmov s31;
	s24 =	sadd.s32 @!p0 $0x2710, s24;
	s26 =	simm.s32 @!p0 $0x9920  }
0x41: {  	v0 =	vshll.u32 v0, $0x4;
	[tilespmem:s26], [sflag:$0x4] =	stream.indirect.gather @!p0 [hbm4b:s3+s25], $0x10, s24, s25, $0xb8;
	[tilespmem:$0xD930] =	vst v63  }
0x42: {  	v0 =	vor.u32 v45, v0;
	_ =	swait.ge [sflag:s13], $0x1900  }
0x43: {  	v49 =	vmov v1;
	v1 =	vor.u32 v1, v0;
	[sflag:s13] =	ssyncset.done $0x0  }
0x44: {  	[sflag:s13] =	ssyncadd.s32 $0xFFFFE700  }
0x45: {  	v50 =	vmov v2;
	v2 =	vor.u32 v2, v0;
	_ =	swait.ge [sflag:s14], $0x1900  }
0x46: {  	[sflag:s14] =	ssyncset.done $0x0  }
0x47: {  	v52 =	vmov v3;
	v3 =	vor.u32 v3, v0;
	v51 =	vld [tilespmem:$0x1FF00];
	[sflag:s14] =	ssyncadd.s32 $0xFFFFE700  }
0x48: {  	v4 =	vld.idx.msk [tilespmem:v1+s11+$0x0], $0xffff  }
0x49: {  	v5 =	vor.u32 v6, v0;
	v1 =	vld.idx.msk [tilespmem:v1+s12+$0x0], $0xffff  }
0x4a: {  	v55 =	vmov v6;
	v6 =	vld.idx.msk [tilespmem:v2+s11+$0x0], $0xffff  }
0x4b: {  	v7 =	vor.u32 v54, v0;
	v2 =	vld.idx.msk [tilespmem:v2+s12+$0x0], $0xffff  }
0x4c: {  	v8 =	vld.idx.msk [tilespmem:v3+s11+$0x0], $0xffff  }
0x4d: {  	v9 =	vor.u32 v53, v0;
	v3 =	vld.idx.msk [tilespmem:v3+s12+$0x0], $0xffff  }
0x4e: {  	v10 =	vld.idx.msk [tilespmem:v5+s11+$0x0], $0xffff  }
0x4f: {  	v11 =	vor.u32 v58, v0;
	v5 =	vld.idx.msk [tilespmem:v5+s12+$0x0], $0xffff  }
0x50: {  	v12 =	vld.idx.msk [tilespmem:v7+s11+$0x0], $0xffff  }
0x51: {  	v13 =	vor.u32 v61, v0;
	v7 =	vld.idx.msk [tilespmem:v7+s12+$0x0], $0xffff  }
0x52: {  	v14 =	vld.idx.msk [tilespmem:v9+s11+$0x0], $0xffff  }
0x53: {  	v17 =	vor.u32 v57, v0;
	v9 =	vld.idx.msk [tilespmem:v9+s12+$0x0], $0xffff  }
0x54: {  	v16 =	vld.idx.msk [tilespmem:v11+s11+$0x0], $0xffff  }
0x55: {  	v18 =	vor.u32 v60, v0;
	v11 =	vld.idx.msk [tilespmem:v11+s12+$0x0], $0xffff  }
0x56: {  	v21 =	vld.idx.msk [tilespmem:v13+s11+$0x0], $0xffff  }
0x57: {  	v19 =	vor.u32 v48, v0;
	v13 =	vld.idx.msk [tilespmem:v13+s12+$0x0], $0xffff  }
0x58: {  	v23 =	vld.idx.msk [tilespmem:v17+s11+$0x0], $0xffff  }
0x59: {  	v20 =	vor.u32 v46, v0;
	v24 =	vld.idx.msk [tilespmem:v17+s12+$0x0], $0xffff  }
0x5a: {  	v25 =	vld.idx.msk [tilespmem:v18+s11+$0x0], $0xffff  }
0x5b: {  	v17 =	vor.u32 v47, v0;
	v26 =	vld.idx.msk [tilespmem:v18+s12+$0x0], $0xffff  }
0x5c: {  	v27 =	vld.idx.msk [tilespmem:v19+s11+$0x0], $0xffff  }
0x5d: {  	s28 =	simm.s32 $0x10;
	v18 =	vor.u32 v40, v0;
	v28 =	vld.idx.msk [tilespmem:v19+s12+$0x0], $0xffff  }
0x5e: {  	v19 =	vmov s28;
	v29 =	vld.idx.msk [tilespmem:v20+s11+$0x0], $0xffff  }
0x5f: {  	s30 =	simm.s32 $0x20;
	v41 =	vlaneseq.u32;
	s31 =	simm.s32 $0x30;
	v30 =	vld.idx.msk [tilespmem:v20+s12+$0x0], $0xffff;
	v19 =	vshll.u32 v19, $0x4;
	v15 =	vor.u32 v51, v0  }
0x60: {  	v35 =	vmov s31;
	v20 =	vor.u32 v45, v19;
	v19 =	vmov s30;
	v31 =	vld.idx.msk [tilespmem:v17+s11+$0x0], $0xffff  }
0x61: {  	s29 =	simm.s32 $0x0;
	v0 =	vor.u32 v44, v0;
	v32 =	vor.u32 v40, v20;
	v19 =	vshll.u32 v19, $0x4;
	v33 =	vld.idx.msk [tilespmem:v17+s12+$0x0], $0xffff  }
0x62: {  	v36 =	vor.u32 v44, v20;
	v19 =	vor.u32 v45, v19;
	v17 =	vmov s29;
	v34 =	vld.idx.msk [tilespmem:v18+s11+$0x0], $0xffff  }
0x63: {  	v37 =	vld.idx.msk [tilespmem:v18+s12+$0x0], $0xffff;
	v18 =	vshll.u32 v35, $0x4;
	v38 =	vor.u32 v40, v19;
	v1 =	vmul.bf16 v1, v4  }
0x64: {  	v39 =	vor.u32 v44, v19;
	v3 =	vmul.bf16 v3, v8;
	v2 =	vmul.bf16 v2, v6;
	v22 =	vld.idx.msk [tilespmem:v15+s11+$0x0], $0xffff  }
0x65: {  	v8 =	vor.u32 v46, v20;
	v7 =	vmul.bf16 v7, v12;
	v5 =	vmul.bf16 v5, v10;
	v15 =	vld.idx.msk [tilespmem:v15+s12+$0x0], $0xffff  }
0x66: {  	v12 =	vor.u32 v47, v20;
	v11 =	vmul.bf16 v11, v16;
	v9 =	vmul.bf16 v9, v14;
	v63 =	vld.idx.msk [tilespmem:v0+s11+$0x0], $0xffff  }
0x67: {  	v16 =	vor.u32 v47, v19;
	v13 =	vmul.bf16 v13, v21;
	v25 =	vmul.bf16 v26, v25;
	v0 =	vld.idx.msk [tilespmem:v0+s12+$0x0], $0xffff  }
0x68: {  	v23 =	vmul.bf16 v24, v23;
	v29 =	vmul.bf16 v30, v29;
	v18 =	vor.u32 v45, v18;
	v6 =	vld.idx.msk [tilespmem:v36+s11+$0x0], $0xffff  }
0x69: {  	v27 =	vmul.bf16 v28, v27;
	v17 =	vshll.u32 v17, $0x4;
	v53 =	vor.u32 v40, v18;
	v10 =	vld.idx.msk [tilespmem:v36+s12+$0x0], $0xffff  }
0x6a: {  	v17 =	vor.u32 v45, v17;
	v43 =	vor.u32 v44, v18;
	v21 =	vor.u32 v46, v18;
	v14 =	vld.idx.msk [tilespmem:v38+s11+$0x0], $0xffff  }
0x6b: {  	v26 =	vor.u32 v47, v18;
	v59 =	vunpack.i.l.bf16.f32 v29;
	v29 =	vunpack.i.u.bf16.f32 v29;
	v38 =	vld.idx.msk [tilespmem:v38+s12+$0x0], $0xffff  }
0x6c: {  	v41 =	vor.u32 v41, v17;
	v4 =	vor.u32 v44, v17;
	v34 =	vmul.bf16 v37, v34;
	v37 =	vld.idx.msk [tilespmem:v39+s11+$0x0], $0xffff  }
0x6d: {  	v36 =	vor.u32 v46, v19;
	v44 =	vunpack.i.l.bf16.f32 v27;
	v27 =	vunpack.i.u.bf16.f32 v27;
	v24 =	vld.idx.msk [tilespmem:v39+s12+$0x0], $0xffff  }
0x6e: {  	v28 =	vmul.bf16 v33, v31;
	v30 =	vld.idx.msk [tilespmem:v53+s11+$0x0], $0xffff;
	v54 =	vunpack.i.l.bf16.f32 v34;
	v34 =	vunpack.i.u.bf16.f32 v34  }
0x6f: {  	v31 =	vld.idx.msk [tilespmem:v53+s12+$0x0], $0xffff;
	v53 =	vor.u32 v47, v17;
	v15 =	vmul.bf16 v15, v22;
	v22 =	vor.u32 v46, v17  }
0x70: {  	v39 =	vld.idx.msk [tilespmem:v43+s11+$0x0], $0xffff;
	v0 =	vmul.bf16 v0, v63;
	v56 =	vadd.f32 $0.0e+00, v54;
	v34 =	vadd.f32 $0.0e+00, v34  }
0x71: {  	v43 =	vld.idx.msk [tilespmem:v43+s12+$0x0], $0xffff;
	v63 =	vunpack.i.u.bf16.f32 v28;
	v28 =	vunpack.i.l.bf16.f32 v28;
	v54 =	vor.u32 v60, v20  }
0x72: {  	v62 =	vunpack.i.u.bf16.f32 v0;
	v0 =	vunpack.i.l.bf16.f32 v0;
	v33 =	vadd.f32 v59, v56  }
0x73: {  	v35 =	vld.idx.msk [tilespmem:v41+s11+$0x0], $0xffff;
	v29 =	vadd.f32 v29, v34;
	v46 =	vunpack.i.u.bf16.f32 v15;
	v15 =	vunpack.i.l.bf16.f32 v15  }
0x74: {  	v41 =	vld.idx.msk [tilespmem:v41+s12+$0x0], $0xffff;
	v59 =	vor.u32 v60, v19;
	v14 =	vmul.bf16 v38, v14;
	v24 =	vmul.bf16 v24, v37  }
0x75: {  	v0 =	vadd.f32 $0.0e+00, v0;
	v40 =	vadd.f32 $0.0e+00, v62;
	v62 =	vor.u32 v48, v19  }
0x76: {  	v30 =	vmul.bf16 v31, v30;
	v31 =	vor.u32 v51, v20;
	v39 =	vmul.bf16 v43, v39  }
0x77: {  	v43 =	vor.u32 v57, v20;
	v0 =	vadd.f32 v28, v0;
	v34 =	vadd.f32 v63, v40;
	v40 =	vld.idx.msk [tilespmem:v4+s11+$0x0], $0xffff  }
0x78: {  	v28 =	vunpack.i.l.bf16.f32 v25;
	v25 =	vunpack.i.u.bf16.f32 v25;
	v4 =	vld.idx.msk [tilespmem:v4+s12+$0x0], $0xffff;
	v63 =	vor.u32 v48, v18  }
0x79: {  	v35 =	vmul.bf16 v41, v35;
	v28 =	vadd.f32 v28, v33;
	v25 =	vadd.f32 v25, v29;
	v29 =	vld.idx.msk [tilespmem:v8+s11+$0x0], $0xffff  }
0x7a: {  	v8 =	vld.idx.msk [tilespmem:v8+s12+$0x0], $0xffff;
	v0 =	vadd.f32 v44, v0;
	v27 =	vadd.f32 v27, v34;
	v34 =	vor.u32 v57, v18  }
0x7b: {  	v33 =	vld.idx.msk [tilespmem:v12+s11+$0x0], $0xffff;
	v15 =	vadd.f32 v15, v28;
	v25 =	vadd.f32 v46, v25;
	v28 =	vunpack.i.l.bf16.f32 v23  }
0x7c: {  	v12 =	vld.idx.msk [tilespmem:v12+s12+$0x0], $0xffff;
	v23 =	vunpack.i.u.bf16.f32 v23;
	v46 =	vor.u32 v60, v17;
	v0 =	vadd.f32 v28, v0  }
0x7d: {  	v42 =	vld.idx.msk [tilespmem:v32+s11+$0x0], $0xffff;
	v28 =	vunpack.i.u.bf16.f32 v11;
	v11 =	vunpack.i.l.bf16.f32 v11;
	v23 =	vadd.f32 v23, v27  }
0x7e: {  	v32 =	vld.idx.msk [tilespmem:v32+s12+$0x0], $0xffff;
	v11 =	vadd.f32 v11, v15;
	v15 =	vadd.f32 v28, v25;
	v25 =	vunpack.i.l.bf16.f32 v13  }
0x7f: {  	v47 =	vld.idx.msk [tilespmem:v59+s11+$0x0], $0xffff;
	v13 =	vunpack.i.u.bf16.f32 v13;
	v4 =	vmul.bf16 v4, v40;
	v0 =	vadd.f32 v25, v0  }
0x80: {  	v27 =	vld.idx.msk [tilespmem:v36+s11+$0x0], $0xffff;
	v13 =	vadd.f32 v13, v23;
	v23 =	vunpack.i.u.bf16.f32 v7;
	v7 =	vunpack.i.l.bf16.f32 v7  }
0x81: {  	v28 =	vld.idx.msk [tilespmem:v36+s12+$0x0], $0xffff;
	v8 =	vmul.bf16 v8, v29;
	v12 =	vmul.bf16 v12, v33;
	v33 =	vor.u32 v51, v18  }
0x82: {  	v36 =	vld.idx.msk [tilespmem:v54+s12+$0x0], $0xffff;
	v7 =	vadd.f32 v7, v11;
	v11 =	vadd.f32 v23, v15;
	v15 =	vunpack.i.l.bf16.f32 v9  }
0x83: {  	v25 =	vld.idx.msk [tilespmem:v16+s11+$0x0], $0xffff;
	v9 =	vunpack.i.u.bf16.f32 v9;
	v0 =	vadd.f32 v15, v0;
	v15 =	vunpack.i.l.bf16.f32 v3  }
0x84: {  	v16 =	vld.idx.msk [tilespmem:v16+s12+$0x0], $0xffff;
	v3 =	vunpack.i.u.bf16.f32 v3;
	v9 =	vadd.f32 v9, v13;
	v7 =	vadd.f32 v15, v7  }
0x85: {  	v13 =	vld.idx.msk [tilespmem:v26+s11+$0x0], $0xffff;
	v15 =	vunpack.i.u.bf16.f32 v5;
	v3 =	vadd.f32 v3, v11;
	v5 =	vunpack.i.l.bf16.f32 v5  }
0x86: {  	v11 =	vld.idx.msk [tilespmem:v26+s12+$0x0], $0xffff;
	v26 =	vunpack.i.l.bf16.f32 v1;
	v1 =	vunpack.i.u.bf16.f32 v1;
	v0 =	vadd.f32 v5, v0  }
0x87: {  	v29 =	vld.idx.msk [tilespmem:v62+s11+$0x0], $0xffff;
	v5 =	vadd.f32 v15, v9;
	v15 =	vor.u32 v48, v20;
	v27 =	vmul.bf16 v28, v27  }
0x88: {  	v28 =	vld.idx.msk [tilespmem:v62+s12+$0x0], $0xffff;
	v62 =	vunpack.i.u.bf16.f32 v39;
	v39 =	vunpack.i.l.bf16.f32 v39;
	v7 =	vadd.f32 v26, v7  }
0x89: {  	v23 =	vld.idx.msk [tilespmem:v21+s11+$0x0], $0xffff;
	v1 =	vadd.f32 v1, v3;
	v3 =	vunpack.i.l.bf16.f32 v2;
	v26 =	vmul.bf16 v32, v42  }
0x8a: {  	v21 =	vld.idx.msk [tilespmem:v21+s12+$0x0], $0xffff;
	v2 =	vunpack.i.u.bf16.f32 v2;
	v16 =	vmul.bf16 v16, v25;
	v25 =	vor.u32 v51, v17  }
0x8b: {  	v42 =	vld.idx.msk [tilespmem:v59+s12+$0x0], $0xffff;
	v32 =	vor.u32 v57, v17;
	v59 =	vunpack.i.u.bf16.f32 v35;
	v39 =	vadd.f32 $0.0e+00, v39  }
0x8c: {  	v9 =	vld.idx.msk [tilespmem:v22+s11+$0x0], $0xffff;
	v35 =	vunpack.i.l.bf16.f32 v35;
	v0 =	vadd.f32 v3, v0;
	v2 =	vadd.f32 v2, v5  }
0x8d: {  	v5 =	vmul.bf16 v10, v6;
	v6 =	vld.idx.msk [tilespmem:v54+s11+$0x0], $0xffff;
	v10 =	vor.u32 v60, v18;
	v54 =	vunpack.i.u.bf16.f32 v14  }
0x8e: {  	v22 =	vld.idx.msk [tilespmem:v22+s12+$0x0], $0xffff;
	v14 =	vunpack.i.l.bf16.f32 v14;
	v35 =	vadd.f32 $0.0e+00, v35;
	v1 =	vadd.f32 v7, v1  }
0x8f: {  	v21 =	vmul.bf16 v21, v23;
	v14 =	vadd.f32 $0.0e+00, v14;
	v0 =	vadd.f32 v0, v2  }
0x90: {  	v2 =	vor.u32 v48, v17;
	v48 =	vor.u32 v51, v19;
	v11 =	vmul.bf16 v11, v13  }
0x91: {  	v56 =	vld.idx.msk [tilespmem:v53+s11+$0x0], $0xffff;
	v13 =	vunpack.i.l.bf16.f32 v26;
	v51 =	vunpack.i.l.bf16.f32 v8;
	v26 =	vunpack.i.u.bf16.f32 v26  }
0x92: {  	v3 =	vld.idx.msk [tilespmem:v53+s12+$0x0], $0xffff;
	v53 =	vunpack.i.u.bf16.f32 v5;
	v5 =	vunpack.i.l.bf16.f32 v5;
	v8 =	vunpack.i.u.bf16.f32 v8  }
0x93: {  	v38 =	vld.idx.msk [tilespmem:v63+s12+$0x0], $0xffff;
	v13 =	vadd.f32 $0.0e+00, v13;
	v9 =	vmul.bf16 v22, v9;
	v26 =	vadd.f32 $0.0e+00, v26  }
0x94: {  	v44 =	vld.idx.msk [tilespmem:v34+s11+$0x0], $0xffff;
	v28 =	vmul.bf16 v28, v29;
	v29 =	vunpack.i.u.bf16.f32 v24;
	v24 =	vunpack.i.l.bf16.f32 v24  }
0x95: {  	v22 =	vld.idx.msk [tilespmem:v63+s11+$0x0], $0xffff;
	v5 =	vadd.f32 $0.0e+00, v5;
	v63 =	vunpack.i.u.bf16.f32 v4;
	v4 =	vunpack.i.l.bf16.f32 v4  }
0x96: {  	v37 =	vld.idx.msk [tilespmem:v46+s12+$0x0], $0xffff;
	v0 =	vadd.f32 v0, v1;
	v41 =	vmul.bf16 v42, v47;
	v42 =	vadd.f32 $0.0e+00, v54  }
0x97: {  	v7 =	vld.idx.msk [tilespmem:v15+s11+$0x0], $0xffff;
	v1 =	vor.u32 v57, v19;
	v24 =	vadd.f32 $0.0e+00, v24;
	v29 =	vadd.f32 $0.0e+00, v29  }
0x98: {  	v15 =	vld.idx.msk [tilespmem:v15+s12+$0x0], $0xffff;
	v4 =	vadd.f32 $0.0e+00, v4;
	v3 =	vmul.bf16 v3, v56;
	v6 =	vmul.bf16 v36, v6  }
0x99: {  	v23 =	vld.idx.msk [tilespmem:v10+s11+$0x0], $0xffff;
	v13 =	vadd.f32 v51, v13;
	v8 =	vadd.f32 v8, v26;
	v26 =	vunpack.i.u.bf16.f32 v30  }
0x9a: {  	v10 =	vld.idx.msk [tilespmem:v10+s12+$0x0], $0xffff;
	v30 =	vunpack.i.l.bf16.f32 v30;
	v56 =	vunpack.i.l.bf16.f32 v12;
	v36 =	vadd.f32 $0.0e+00, v53  }
0x9b: {  	v12 =	vunpack.i.u.bf16.f32 v12;
	v51 =	vld.idx.msk [tilespmem:v32+s11+$0x0], $0xffff;
	v5 =	vadd.f32 v56, v5;
	v30 =	vadd.f32 $0.0e+00, v30  }
0x9c: {  	v32 =	vld.idx.msk [tilespmem:v32+s12+$0x0], $0xffff;
	v26 =	vadd.f32 $0.0e+00, v26;
	v56 =	vunpack.i.u.bf16.f32 v41;
	v12 =	vadd.f32 v12, v36  }
0x9d: {  	v40 =	vld.idx.msk [tilespmem:v48+s12+$0x0], $0xffff;
	v36 =	vadd.f32 $0.0e+00, v63;
	v63 =	vunpack.i.u.bf16.f32 v3;
	v3 =	vunpack.i.l.bf16.f32 v3  }
0x9e: {  	v7 =	vmul.bf16 v15, v7;
	v15 =	vld.idx.msk [tilespmem:v46+s11+$0x0], $0xffff;
	v22 =	vmul.bf16 v38, v22;
	v46 =	vunpack.i.l.bf16.f32 v16  }
0x9f: {  	v16 =	vunpack.i.u.bf16.f32 v16;
	v38 =	vadd.f32 $0.0e+00, v62;
	v62 =	vld.idx.msk [tilespmem:v33+s11+$0x0], $0xffff;
	v3 =	vadd.f32 v3, v4  }
0xa0: {  	v33 =	vld.idx.msk [tilespmem:v33+s12+$0x0], $0xffff;
	v4 =	vunpack.i.l.bf16.f32 v6;
	v6 =	vunpack.i.u.bf16.f32 v6;
	v24 =	vadd.f32 v46, v24  }
0xa1: {  	v16 =	vadd.f32 v16, v29;
	v29 =	vunpack.i.l.bf16.f32 v21;
	v4 =	vadd.f32 v4, v13;
	v13 =	vld.idx.msk [tilespmem:v34+s12+$0x0], $0xffff  }
0xa2: {  	v21 =	vunpack.i.u.bf16.f32 v21;
	v36 =	vadd.f32 v63, v36;
	v10 =	vmul.bf16 v10, v23;
	v23 =	vld.idx.msk [tilespmem:v2+s11+$0x0], $0xffff  }
0xa3: {  	v46 =	vor.u32 v58, v20;
	v6 =	vadd.f32 v6, v8;
	v8 =	vor.u32 v61, v20;
	v2 =	vld.idx.msk [tilespmem:v2+s12+$0x0], $0xffff  }
0xa4: {  	v29 =	vadd.f32 v29, v30;
	v30 =	vld.idx.msk [tilespmem:v48+s11+$0x0], $0xffff;
	v21 =	vadd.f32 v21, v26;
	v26 =	vunpack.i.l.bf16.f32 v11  }
0xa5: {  	v11 =	vunpack.i.u.bf16.f32 v11;
	v48 =	vld.idx.msk [tilespmem:v1+s11+$0x0], $0xffff;
	v32 =	vmul.bf16 v32, v51;
	v26 =	vadd.f32 v26, v39  }
0xa6: {  	v1 =	vld.idx.msk [tilespmem:v1+s12+$0x0], $0xffff;
	v11 =	vadd.f32 v11, v38;
	v15 =	vmul.bf16 v37, v15;
	v37 =	vadd.f32 $0.0e+00, v59  }
0xa7: {  	v59 =	vunpack.i.l.bf16.f32 v9;
	v9 =	vunpack.i.u.bf16.f32 v9;
	v33 =	vmul.bf16 v33, v62  }
0xa8: {  	v62 =	vor.u32 v61, v19;
	v35 =	vadd.f32 v59, v35;
	v13 =	vmul.bf16 v13, v44  }
0xa9: {  	v53 =	vld [tilespmem:$0x1FFB0];
	v59 =	vunpack.i.l.bf16.f32 v41;
	v44 =	vunpack.i.u.bf16.f32 v28;
	v28 =	vunpack.i.l.bf16.f32 v28  }
0xaa: {  	v2 =	vmul.bf16 v2, v23;
	v23 =	vunpack.i.l.bf16.f32 v27;
	v27 =	vunpack.i.u.bf16.f32 v27  }
0xab: {  	v9 =	vadd.f32 v9, v37;
	v30 =	vmul.bf16 v40, v30;
	v1 =	vmul.bf16 v1, v48  }
0xac: {  	v47 =	vld.idx.msk [tilespmem:v43+s11+$0x0], $0xffff;
	v48 =	vunpack.i.u.bf16.f32 v7;
	v7 =	vunpack.i.l.bf16.f32 v7;
	v24 =	vadd.f32 v28, v24  }
0xad: {  	v43 =	vld.idx.msk [tilespmem:v43+s12+$0x0], $0xffff;
	v28 =	vunpack.i.l.bf16.f32 v10;
	v16 =	vadd.f32 v44, v16;
	v10 =	vunpack.i.u.bf16.f32 v10  }
0xae: {  	v54 =	vld [tilespmem:$0x1FFA0];
	v40 =	vor.u32 v53, v20;
	v14 =	vadd.f32 v23, v14;
	v27 =	vadd.f32 v27, v42  }
0xaf: {  	v63 =	vld.idx.msk [tilespmem:v46+s11+$0x0], $0xffff;
	v5 =	vadd.f32 v7, v5;
	v7 =	vor.u32 v58, v19;
	v12 =	vadd.f32 v48, v12  }
0xb0: {  	v34 =	vld.idx.msk [tilespmem:v46+s12+$0x0], $0xffff;
	v28 =	vadd.f32 v28, v29;
	v29 =	vor.u32 v58, v18;
	v10 =	vadd.f32 v10, v21  }
0xb1: {  	v46 =	vld.idx.msk [tilespmem:v8+s11+$0x0], $0xffff;
	v21 =	vunpack.i.l.bf16.f32 v22;
	v22 =	vunpack.i.u.bf16.f32 v22;
	v48 =	vor.u32 v61, v18  }
0xb2: {  	v8 =	vld.idx.msk [tilespmem:v8+s12+$0x0], $0xffff;
	v21 =	vadd.f32 v21, v26;
	v26 =	vunpack.i.l.bf16.f32 v15;
	v11 =	vadd.f32 v22, v11  }
0xb3: {  	v23 =	vld.idx.msk [tilespmem:v31+s11+$0x0], $0xffff;
	v15 =	vunpack.i.u.bf16.f32 v15;
	v14 =	vadd.f32 v59, v14;
	v27 =	vadd.f32 v56, v27  }
0xb4: {  	v31 =	vld.idx.msk [tilespmem:v31+s12+$0x0], $0xffff;
	v42 =	vor.u32 v54, v19;
	v22 =	vadd.f32 v26, v35;
	v9 =	vadd.f32 v15, v9  }
0xb5: {  	v26 =	vld.idx.msk [tilespmem:v62+s11+$0x0], $0xffff;
	v15 =	vunpack.i.l.bf16.f32 v2;
	v2 =	vunpack.i.u.bf16.f32 v2;
	v56 =	vor.u32 v61, v17  }
0xb6: {  	v39 =	vld.idx.msk [tilespmem:v62+s12+$0x0], $0xffff;
	v3 =	vadd.f32 v15, v3;
	v2 =	vadd.f32 v2, v36;
	v34 =	vmul.bf16 v34, v63  }
0xb7: {  	v8 =	vmul.bf16 v8, v46;
	v63 =	vunpack.i.l.bf16.f32 v30;
	v30 =	vunpack.i.u.bf16.f32 v30;
	v44 =	vld.idx.msk [tilespmem:v40+s11+$0x0], $0xffff  }
0xb8: {  	v14 =	vadd.f32 v63, v14;
	v27 =	vadd.f32 v30, v27;
	v30 =	vunpack.i.l.bf16.f32 v1;
	v38 =	vld.idx.msk [tilespmem:v40+s12+$0x0], $0xffff  }
0xb9: {  	v1 =	vunpack.i.u.bf16.f32 v1;
	v23 =	vmul.bf16 v31, v23;
	v31 =	vmul.bf16 v43, v47;
	v47 =	vld.idx.msk [tilespmem:v25+s11+$0x0], $0xffff  }
0xba: {  	v46 =	vor.u32 v54, v17;
	v25 =	vld.idx.msk [tilespmem:v25+s12+$0x0], $0xffff;
	v24 =	vadd.f32 v30, v24;
	v1 =	vadd.f32 v1, v16  }
0xbb: {  	v51 =	vld.idx.msk [tilespmem:v29+s11+$0x0], $0xffff;
	v16 =	vunpack.i.u.bf16.f32 v33;
	v33 =	vunpack.i.l.bf16.f32 v33;
	v43 =	vunpack.i.u.bf16.f32 v13  }
0xbc: {  	v29 =	vld.idx.msk [tilespmem:v29+s12+$0x0], $0xffff;
	v13 =	vunpack.i.l.bf16.f32 v13;
	v28 =	vadd.f32 v33, v28;
	v10 =	vadd.f32 v16, v10  }
0xbd: {  	v40 =	vor.u32 v52, v19;
	v62 =	vld.idx.msk [tilespmem:v48+s11+$0x0], $0xffff;
	v13 =	vadd.f32 v13, v21;
	v11 =	vadd.f32 v43, v11  }
0xbe: {  	v35 =	vld.idx.msk [tilespmem:v48+s12+$0x0], $0xffff;
	v15 =	vunpack.i.l.bf16.f32 v23;
	v23 =	vunpack.i.u.bf16.f32 v23;
	v59 =	vunpack.i.l.bf16.f32 v31  }
0xbf: {  	v33 =	vld.idx.msk [tilespmem:v42+s12+$0x0], $0xffff;
	v26 =	vmul.bf16 v39, v26;
	v31 =	vunpack.i.u.bf16.f32 v31;
	v4 =	vadd.f32 v15, v4  }
0xc0: {  	v30 =	vld.idx.msk [tilespmem:v56+s11+$0x0], $0xffff;
	v15 =	vor.u32 v58, v17;
	v6 =	vadd.f32 v23, v6;
	v23 =	vor.u32 v54, v20  }
0xc1: {  	v41 =	vld.idx.msk [tilespmem:v56+s12+$0x0], $0xffff;
	v5 =	vadd.f32 v59, v5;
	v12 =	vadd.f32 v31, v12;
	v37 =	vmul.bf16 v38, v44  }
0xc2: {  	v56 =	vunpack.i.l.bf16.f32 v26;
	v26 =	vunpack.i.u.bf16.f32 v26;
	v25 =	vmul.bf16 v25, v47;
	v47 =	vld.idx.msk [tilespmem:v7+s11+$0x0], $0xffff  }
0xc3: {  	v44 =	vor.u32 v52, v18;
	v7 =	vld.idx.msk [tilespmem:v7+s12+$0x0], $0xffff;
	v29 =	vmul.bf16 v29, v51;
	v35 =	vmul.bf16 v35, v62  }
0xc4: {  	v51 =	vor.u32 v53, v17;
	v24 =	vadd.f32 v56, v24;
	v1 =	vadd.f32 v26, v1;
	v26 =	vld.idx.msk [tilespmem:v46+s11+$0x0], $0xffff  }
0xc5: {  	v62 =	vor.u32 v55, v20;
	v21 =	vunpack.i.l.bf16.f32 v25;
	v25 =	vunpack.i.u.bf16.f32 v25;
	v31 =	vld.idx.msk [tilespmem:v15+s11+$0x0], $0xffff  }
0xc6: {  	v59 =	vunpack.i.l.bf16.f32 v29;
	v29 =	vunpack.i.u.bf16.f32 v29;
	v63 =	vunpack.i.u.bf16.f32 v35;
	v15 =	vld.idx.msk [tilespmem:v15+s12+$0x0], $0xffff  }
0xc7: {  	v35 =	vunpack.i.l.bf16.f32 v35;
	v16 =	vld.idx.msk [tilespmem:v23+s11+$0x0], $0xffff;
	v21 =	vadd.f32 v21, v22;
	v22 =	vor.u32 v53, v19  }
0xc8: {  	v23 =	vld.idx.msk [tilespmem:v23+s12+$0x0], $0xffff;
	v9 =	vadd.f32 v25, v9;
	v25 =	vunpack.i.l.bf16.f32 v32;
	v28 =	vadd.f32 v59, v28  }
0xc9: {  	v32 =	vunpack.i.u.bf16.f32 v32;
	v10 =	vadd.f32 v29, v10;
	v3 =	vadd.f32 v25, v3;
	v25 =	vld.idx.msk [tilespmem:v42+s11+$0x0], $0xffff  }
0xca: {  	v30 =	vmul.bf16 v41, v30;
	v13 =	vadd.f32 v35, v13;
	v2 =	vadd.f32 v32, v2;
	v32 =	vld.idx.msk [tilespmem:v46+s12+$0x0], $0xffff  }
0xcb: {  	v11 =	vadd.f32 v63, v11;
	v42 =	vor.u32 v52, v17;
	v46 =	vld.idx.msk [tilespmem:v40+s11+$0x0], $0xffff;
	v7 =	vmul.bf16 v7, v47  }
0xcc: {  	v47 =	vor.u32 v53, v18;
	v29 =	vld.idx.msk [tilespmem:v51+s11+$0x0], $0xffff;
	v15 =	vmul.bf16 v15, v31;
	v31 =	vor.u32 v54, v18  }
0xcd: {  	v16 =	vmul.bf16 v23, v16;
	v23 =	vunpack.i.l.bf16.f32 v34;
	v34 =	vunpack.i.u.bf16.f32 v34;
	v48 =	vld.idx.msk [tilespmem:v22+s11+$0x0], $0xffff  }
0xce: {  	v22 =	vld.idx.msk [tilespmem:v22+s12+$0x0], $0xffff;
	v4 =	vadd.f32 v23, v4;
	v23 =	vunpack.i.u.bf16.f32 v8;
	v8 =	vunpack.i.l.bf16.f32 v8  }
0xcf: {  	v6 =	vadd.f32 v34, v6;
	v25 =	vmul.bf16 v33, v25;
	v34 =	vld.idx.msk [tilespmem:v51+s12+$0x0], $0xffff;
	v26 =	vmul.bf16 v32, v26  }
0xd0: {  	v33 =	vld.idx.msk [tilespmem:v40+s12+$0x0], $0xffff;
	v5 =	vadd.f32 v8, v5;
	v12 =	vadd.f32 v23, v12;
	v23 =	vunpack.i.u.bf16.f32 v7  }
0xd1: {  	v7 =	vunpack.i.l.bf16.f32 v7;
	v36 =	vld.idx.msk [tilespmem:v47+s12+$0x0], $0xffff;
	v39 =	vunpack.i.l.bf16.f32 v15;
	v15 =	vunpack.i.u.bf16.f32 v15  }
0xd2: {  	v7 =	vadd.f32 v7, v14;
	v14 =	vld.idx.msk [tilespmem:v47+s11+$0x0], $0xffff;
	v23 =	vadd.f32 v23, v27;
	v27 =	vor.u32 v52, v20  }
0xd3: {  	v9 =	vadd.f32 v15, v9;
	v15 =	vunpack.i.u.bf16.f32 v30;
	v30 =	vunpack.i.l.bf16.f32 v30;
	v8 =	vld.idx.msk [tilespmem:v31+s11+$0x0], $0xffff  }
0xd4: {  	v43 =	vunpack.i.l.bf16.f32 v16;
	v16 =	vunpack.i.u.bf16.f32 v16;
	v3 =	vadd.f32 v30, v3;
	v31 =	vld.idx.msk [tilespmem:v31+s12+$0x0], $0xffff  }
0xd5: {  	v2 =	vadd.f32 v15, v2;
	v15 =	vld.idx.msk [tilespmem:v62+s11+$0x0], $0xffff;
	v30 =	vor.u32 v55, v19;
	v22 =	vmul.bf16 v22, v48  }
0xd6: {  	v48 =	vunpack.i.l.bf16.f32 v25;
	v25 =	vunpack.i.u.bf16.f32 v25;
	v29 =	vmul.bf16 v34, v29;
	v34 =	vld.idx.msk [tilespmem:v44+s12+$0x0], $0xffff  }
0xd7: {  	v23 =	vadd.f32 v25, v23;
	v25 =	vunpack.i.u.bf16.f32 v22;
	v22 =	vunpack.i.l.bf16.f32 v22;
	v41 =	vld.idx.msk [tilespmem:v27+s11+$0x0], $0xffff  }
0xd8: {  	v21 =	vadd.f32 v39, v21;
	v27 =	vld.idx.msk [tilespmem:v27+s12+$0x0], $0xffff;
	v22 =	vadd.f32 v22, v24;
	v24 =	vor.u32 v49, v20  }
0xd9: {  	v4 =	vadd.f32 v43, v4;
	v6 =	vadd.f32 v16, v6;
	v8 =	vmul.bf16 v31, v8;
	v31 =	vld.idx.msk [tilespmem:v62+s12+$0x0], $0xffff  }
0xda: {  	v16 =	vunpack.i.l.bf16.f32 v37;
	v47 =	vunpack.i.u.bf16.f32 v37;
	v1 =	vadd.f32 v25, v1;
	v25 =	vld.idx.msk [tilespmem:v44+s11+$0x0], $0xffff  }
0xdb: {  	v5 =	vadd.f32 v16, v5;
	v16 =	vor.u32 v55, v18;
	v14 =	vmul.bf16 v36, v14;
	v51 =	vld.idx.msk [tilespmem:v30+s11+$0x0], $0xffff  }
0xdc: {  	v12 =	vadd.f32 v47, v12;
	v30 =	vld.idx.msk [tilespmem:v30+s12+$0x0], $0xffff;
	v52 =	vunpack.i.u.bf16.f32 v8;
	v8 =	vunpack.i.l.bf16.f32 v8  }
0xdd: {  	v8 =	vadd.f32 v8, v28;
	v28 =	vunpack.i.l.bf16.f32 v14;
	v14 =	vunpack.i.u.bf16.f32 v14;
	v59 =	vld.idx.msk [tilespmem:v24+s11+$0x0], $0xffff  }
0xde: {  	v24 =	vld.idx.msk [tilespmem:v24+s12+$0x0], $0xffff;
	v13 =	vadd.f32 v28, v13;
	v15 =	vmul.bf16 v31, v15;
	v31 =	vor.u32 v55, v17  }
0xdf: {  	v28 =	vunpack.i.l.bf16.f32 v26;
	v11 =	vadd.f32 v14, v11;
	v14 =	vunpack.i.u.bf16.f32 v26;
	v26 =	vld.idx.msk [tilespmem:v42+s11+$0x0], $0xffff  }
0xe0: {  	v20 =	vor.u32 v50, v20;
	v27 =	vmul.bf16 v27, v41;
	v21 =	vadd.f32 v28, v21;
	v28 =	vld.idx.msk [tilespmem:v42+s12+$0x0], $0xffff  }
0xe1: {  	v55 =	vld.idx.msk [tilespmem:v16+s11+$0x0], $0xffff;
	v9 =	vadd.f32 v14, v9;
	v14 =	vunpack.i.l.bf16.f32 v29;
	v29 =	vunpack.i.u.bf16.f32 v29  }
0xe2: {  	v7 =	vadd.f32 v48, v7;
	v16 =	vld.idx.msk [tilespmem:v16+s12+$0x0], $0xffff;
	v29 =	vadd.f32 v29, v2;
	v2 =	vor.u32 v49, v19  }
0xe3: {  	v56 =	vunpack.i.u.bf16.f32 v27;
	v27 =	vunpack.i.l.bf16.f32 v27;
	v3 =	vadd.f32 v14, v3;
	v14 =	vld.idx.msk [tilespmem:v31+s11+$0x0], $0xffff  }
0xe4: {  	v33 =	vmul.bf16 v33, v46;
	v25 =	vmul.bf16 v34, v25;
	v4 =	vadd.f32 v27, v4;
	v31 =	vld.idx.msk [tilespmem:v31+s12+$0x0], $0xffff  }
0xe5: {  	v19 =	vor.u32 v50, v19;
	v27 =	vunpack.i.u.bf16.f32 v15;
	v26 =	vmul.bf16 v28, v26;
	v28 =	vld.idx.msk [tilespmem:v20+s11+$0x0], $0xffff  }
0xe6: {  	v15 =	vunpack.i.l.bf16.f32 v15;
	v12 =	vadd.f32 v27, v12;
	v27 =	vunpack.i.u.bf16.f32 v33;
	v20 =	vld.idx.msk [tilespmem:v20+s12+$0x0], $0xffff  }
0xe7: {  	v5 =	vadd.f32 v15, v5;
	v23 =	vadd.f32 v27, v23;
	v16 =	vmul.bf16 v16, v55;
	v27 =	vld.idx.msk [tilespmem:v2+s11+$0x0], $0xffff  }
0xe8: {  	v15 =	vor.u32 v49, v18;
	v18 =	vor.u32 v50, v18;
	v62 =	vld.idx.msk [tilespmem:v2+s12+$0x0], $0xffff;
	v2 =	vunpack.i.l.bf16.f32 v25  }
0xe9: {  	v10 =	vadd.f32 v52, v10;
	v2 =	vadd.f32 v2, v8;
	v8 =	vunpack.i.l.bf16.f32 v16  }
0xea: {  	v30 =	vmul.bf16 v30, v51;
	v24 =	vmul.bf16 v24, v59;
	v36 =	vadd.f32 v8, v13  }
0xeb: {  	v63 =	vld.idx.msk [tilespmem:v19+s11+$0x0], $0xffff;
	v13 =	vunpack.i.u.bf16.f32 v26;
	v8 =	vunpack.i.l.bf16.f32 v26;
	v14 =	vmul.bf16 v31, v14  }
0xec: {  	v19 =	vld.idx.msk [tilespmem:v19+s12+$0x0], $0xffff;
	v31 =	vunpack.i.l.bf16.f32 v33;
	v20 =	vmul.bf16 v20, v28;
	v28 =	vor.u32 v50, v17  }
0xed: {  	v26 =	vld.idx.msk [tilespmem:v18+s11+$0x0], $0xffff;
	v31 =	vadd.f32 v31, v7;
	v7 =	vunpack.i.u.bf16.f32 v30;
	v30 =	vunpack.i.l.bf16.f32 v30  }
0xee: {  	v8 =	vadd.f32 v8, v21;
	v21 =	vld.idx.msk [tilespmem:v18+s12+$0x0], $0xffff;
	v30 =	vadd.f32 v30, v22;
	v22 =	vor.u32 v49, v17  }
0xef: {  	v1 =	vadd.f32 v7, v1;
	v7 =	vunpack.i.u.bf16.f32 v25;
	v25 =	vld.idx.msk [tilespmem:v15+s11+$0x0], $0xffff  }
0xf0: {  	v7 =	vadd.f32 v7, v10;
	v10 =	vunpack.i.u.bf16.f32 v16;
	v16 =	vld.idx.msk [tilespmem:v15+s12+$0x0], $0xffff;
	v15 =	vunpack.i.l.bf16.f32 v24  }
0xf1: {  	v6 =	vadd.f32 v56, v6;
	v15 =	vadd.f32 v15, v4;
	v4 =	vunpack.i.l.bf16.f32 v20  }
0xf2: {  	v10 =	vadd.f32 v10, v11;
	v11 =	vunpack.i.l.bf16.f32 v14;
	v18 =	vadd.f32 v4, v5;
	v5 =	vld.idx.msk [tilespmem:v28+s11+$0x0], $0xffff  }
0xf3: {  	v9 =	vadd.f32 v13, v9;
	v27 =	vmul.bf16 v62, v27;
	v11 =	vadd.f32 v11, v3;
	v3 =	vld.idx.msk [tilespmem:v22+s11+$0x0], $0xffff  }
0xf4: {  	v13 =	vunpack.i.u.bf16.f32 v14;
	v17 =	vunpack.i.u.bf16.f32 v24;
	v14 =	vmul.bf16 v19, v63;
	v19 =	vld.idx.msk [tilespmem:v22+s12+$0x0], $0xffff  }
0xf5: {  	v13 =	vadd.f32 v13, v29;
	v17 =	vadd.f32 v17, v6;
	v6 =	vmul.bf16 v21, v26;
	v26 =	vld.idx.msk [tilespmem:v28+s12+$0x0], $0xffff  }
0xf6: {  	v4 =	vunpack.i.u.bf16.f32 v20;
	v20 =	vunpack.i.l.bf16.f32 v27;
	v16 =	vmul.bf16 v16, v25  }
0xf7: {  	v21 =	vadd.f32 v20, v31;
	v22 =	vadd.f32 v4, v12;
	v4 =	vunpack.i.u.bf16.f32 v27  }
0xf8: {  	v32 =	vunpack.i.l.bf16.f32 v6;
	v24 =	vadd.f32 v4, v23;
	v28 =	vunpack.i.u.bf16.f32 v16  }
0xf9: {  	v12 =	vmul.bf16 v19, v3;
	v3 =	vunpack.i.u.bf16.f32 v14;
	v14 =	vunpack.i.l.bf16.f32 v14  }
0xfa: {  	v4 =	vunpack.i.l.bf16.f32 v16;
	v38 =	vmul.bf16 v26, v5;
	v25 =	vadd.f32 v14, v30  }
0xfb: {  	s25 =	simm.s32 $0x0;
	s26 =	simm.s32 $0x50;
	s24 =	smov.u32 s21;
	[tilespmem:s21+$0x20] =	vst v0;
	v30 =	vunpack.i.u.bf16.f32 v6;
	v31 =	vunpack.i.u.bf16.f32 v12;
	v34 =	vunpack.i.l.bf16.f32 v12  }
.LBB2_3:
0xfc: {  	v1 =	vadd.f32 v3, v1;
	_ =	sdelay $0x1  }
0xfd: {  	s30 =	sadd.s32 $0x40, s26;
	[tilespmem:$0x1FB70] =	vst v1;
	v1 =	vadd.f32 v4, v2  }
0xfe: {  	v0 =	vmov s26;
	s28 =	sadd.s32 $0x10, s26;
	v3 =	vmov s30  }
0xff: {  	v40 =	vld [tilespmem:$0x1FFE0];
	v0 =	vshll.u32 v0, $0x4;
	v3 =	vshll.u32 v3, $0x4;
	[tilespmem:$0x1FB90] =	vst v1;
	v1 =	vmov s28  }
0x100: {  	v44 =	vor.u32 v45, v0;
	v0 =	vld [tilespmem:$0x1FF10];
	v1 =	vshll.u32 v1, $0x4  }
0x101: {  	v27 =	vmov v8;
	v8 =	vld [tilespmem:$0x1FF20]  }
0x102: {  	s31 =	sadd.s32 $0x30, s26;
	v16 =	vmovc v7;
	v7 =	vlaneseq.u32;
	v37 =	vor.u32 v45, v3;
	v3 =	vmovc v9;
	v9 =	vld [tilespmem:$0x1FF30];
	v63 =	vor.u32 v57, v44  }
0x103: {  	v4 =	vmov s31;
	v39 =	vor.u32 v45, v1;
	[tilespmem:$0x1FD10] =	vst v63;
	v63 =	vor.u32 v61, v44;
	v1 =	vmovc v10;
	v10 =	vld [tilespmem:$0x1FF40]  }
0x104: {  	v4 =	vshll.u32 v4, $0x4;
	v6 =	vor.u32 v40, v37;
	v59 =	vor.u32 v61, v39;
	[tilespmem:$0x1FD80] =	vst v63  }
0x105: {  	[tilespmem:$0x1FD20] =	vst v59;
	v46 =	vor.u32 v0, v4;
	v0 =	vor.u32 v7, v44  }
0x106: {  	s29 =	sadd.s32 $0x20, s26;
	[tilespmem:$0x1FBA0] =	vst v0;
	v0 =	vor.u32 v8, v44  }
0x107: {  	v2 =	vmov s29;
	[tilespmem:$0x1FBB0] =	vst v0;
	v0 =	vor.u32 v9, v39  }
0x108: {  	v2 =	vshll.u32 v2, $0x4;
	[tilespmem:$0x1FBC0] =	vst v0;
	v0 =	vor.u32 v10, v39  }
0x109: {  	v45 =	vor.u32 v45, v2;
	v63 =	vor.u32 v53, v39;
	[tilespmem:$0x1FBD0] =	vst v0;
	v0 =	vld.idx.msk [tilespmem:v6+s11+$0x0], $0xffff  }
0x10a: {  	[tilespmem:$0x1FDA0] =	vst v63;
	v63 =	vor.u32 v54, v45  }
0x10b: {  	[tilespmem:$0x1FDB0] =	vst v63;
	v63 =	vor.u32 v53, v45  }
0x10c: {  	v43 =	vld [tilespmem:$0x1FFC0];
	[tilespmem:$0x1FDC0] =	vst v63;
	v63 =	vor.u32 v54, v46  }
0x10d: {  	v20 =	vmov v36;
	v36 =	vld [tilespmem:$0x1FFF0];
	[tilespmem:$0x1FDD0] =	vst v63  }
0x10e: {  	[tilespmem:$0x1FB80] =	vst v0;
	v0 =	vor.u32 v9, v45  }
0x10f: {  	[tilespmem:$0x1FBE0] =	vst v0;
	v0 =	vor.u32 v10, v45  }
0x110: {  	v51 =	vld [tilespmem:$0x1FF60];
	[tilespmem:$0x1FBF0] =	vst v0;
	v0 =	vor.u32 v9, v44  }
0x111: {  	v48 =	vor.u32 v43, v37;
	[tilespmem:$0x1FC20] =	vst v0;
	v0 =	vor.u32 v9, v46  }
0x112: {  	v2 =	vor.u32 v36, v37;
	[tilespmem:$0x1FC00] =	vst v0;
	v0 =	vor.u32 v10, v46  }
0x113: {  	[tilespmem:$0x1FC10] =	vst v0;
	v0 =	vor.u32 v10, v44  }
0x114: {  	v41 =	vld [tilespmem:$0x1FF00];
	[tilespmem:$0x1FC30] =	vst v0;
	v0 =	vor.u32 v60, v39  }
0x115: {  	v42 =	vld [tilespmem:$0x1FFD0];
	[tilespmem:$0x1FC40] =	vst v0;
	v0 =	vor.u32 v51, v39  }
0x116: {  	v4 =	vld.idx.msk [tilespmem:v48+s11+$0x0], $0xffff;
	[tilespmem:$0x1FC50] =	vst v0;
	v0 =	vor.u32 v60, v45  }
0x117: {  	v29 =	vld.idx.msk [tilespmem:v2+s11+$0x0], $0xffff;
	[tilespmem:$0x1FC60] =	vst v0;
	v0 =	vor.u32 v51, v45  }
0x118: {  	v23 =	vld.idx.msk [tilespmem:v2+s12+$0x0], $0xffff;
	[tilespmem:$0x1FC70] =	vst v0;
	v0 =	vor.u32 v60, v46  }
0x119: {  	v56 =	vmov v60;
	v2 =	vld.idx.msk [tilespmem:v48+s12+$0x0], $0xffff;
	v48 =	vor.u32 v60, v44;
	v60 =	vor.u32 v41, v44;
	[tilespmem:$0x1FC80] =	vst v0  }
0x11a: {  	v62 =	vmov v58;
	v0 =	vor.u32 v51, v46;
	[tilespmem:$0x1FD00] =	vst v60  }
0x11b: {  	v60 =	vor.u32 v62, v45;
	[tilespmem:$0x1FC90] =	vst v0  }
0x11c: {  	v0 =	vor.u32 v51, v44;
	[tilespmem:$0x1FD30] =	vst v60  }
0x11d: {  	v60 =	vor.u32 v61, v45;
	[tilespmem:$0x1FCA0] =	vst v0  }
0x11e: {  	v49 =	vor.u32 v42, v37;
	v0 =	vor.u32 v41, v39;
	[tilespmem:$0x1FD40] =	vst v60  }
0x11f: {  	v60 =	vor.u32 v62, v46;
	[tilespmem:$0x1FCB0] =	vst v0  }
0x120: {  	v0 =	vor.u32 v57, v39;
	[tilespmem:$0x1FD50] =	vst v60  }
0x121: {  	v47 =	vor.u32 v54, v37;
	[tilespmem:$0x1FCC0] =	vst v0;
	v0 =	vor.u32 v41, v45  }
0x122: {  	v15 =	vadd.f32 v15, v17;
	v50 =	vor.u32 v53, v37;
	[tilespmem:$0x1FCD0] =	vst v0;
	v0 =	vor.u32 v41, v46  }
0x123: {  	v14 =	vld.idx.msk [tilespmem:v49+s11+$0x0], $0xffff;
	v60 =	vor.u32 v41, v37;
	v41 =	vor.u32 v43, v45;
	[tilespmem:$0x1FCE0] =	vst v0  }
0x124: {  	v33 =	vor.u32 v7, v39;
	v55 =	vld.idx.msk [tilespmem:v49+s12+$0x0], $0xffff;
	v0 =	vor.u32 v57, v46;
	[tilespmem:$0x1FE20] =	vst v41  }
0x125: {  	v49 =	vor.u32 v57, v45;
	v57 =	vor.u32 v61, v37;
	v61 =	vor.u32 v61, v46;
	[tilespmem:$0x1FCF0] =	vst v0  }
0x126: {  	v52 =	vor.u32 v58, v37;
	v58 =	vld.idx.msk [tilespmem:v47+s12+$0x0], $0xffff;
	v41 =	vor.u32 v42, v45;
	[tilespmem:$0x1FD60] =	vst v61  }
0x127: {  	v0 =	vld.idx.msk [tilespmem:v47+s11+$0x0], $0xffff;
	v47 =	vor.u32 v62, v39;
	v62 =	vor.u32 v62, v44;
	[tilespmem:$0x1FE30] =	vst v41  }
0x128: {  	v17 =	vadd.f32 v18, v22;
	v59 =	vld.idx.msk [tilespmem:v50+s11+$0x0], $0xffff;
	v41 =	vor.u32 v43, v44;
	[tilespmem:$0x1FD70] =	vst v62  }
0x129: {  	v50 =	vld.idx.msk [tilespmem:v50+s12+$0x0], $0xffff;
	v62 =	vor.u32 v54, v39;
	[tilespmem:$0x1FE60] =	vst v41  }
0x12a: {  	v15 =	vadd.f32 v17, v15;
	v17 =	vld.idx.msk [tilespmem:v33+s12+$0x0], $0xffff;
	v54 =	vor.u32 v54, v44;
	[tilespmem:$0x1FD90] =	vst v62  }
0x12b: {  	v6 =	vld.idx.msk [tilespmem:v6+s12+$0x0], $0xffff;
	v41 =	vor.u32 v43, v46;
	[tilespmem:$0x1FDF0] =	vst v54  }
0x12c: {  	v5 =	vor.u32 v8, v39;
	v61 =	vld.idx.msk [tilespmem:v52+s11+$0x0], $0xffff;
	v54 =	vor.u32 v53, v46;
	[tilespmem:$0x1FE40] =	vst v41  }
0x12d: {  	v12 =	vor.u32 v7, v45;
	v52 =	vld.idx.msk [tilespmem:v52+s12+$0x0], $0xffff;
	v41 =	vor.u32 v42, v46;
	[tilespmem:$0x1FDE0] =	vst v54  }
0x12e: {  	v62 =	vld [tilespmem:$0x1FF80];
	v54 =	vor.u32 v56, v37;
	v56 =	vor.u32 v53, v44;
	v53 =	vor.u32 v43, v39;
	[tilespmem:$0x1FE50] =	vst v41  }
0x12f: {  	v19 =	vor.u32 v8, v45;
	v41 =	vor.u32 v42, v44;
	v63 =	vld.idx.msk [tilespmem:v57+s11+$0x0], $0xffff;
	[tilespmem:$0x1FE00] =	vst v53  }
0x130: {  	v35 =	vor.u32 v8, v46;
	v57 =	vld.idx.msk [tilespmem:v57+s12+$0x0], $0xffff;
	v53 =	vor.u32 v42, v39;
	[tilespmem:$0x1FE70] =	vst v41  }
0x131: {  	v42 =	vor.u32 v9, v37;
	v9 =	vor.u32 v36, v39;
	[tilespmem:$0x1FE10] =	vst v53;
	v53 =	vld.idx.msk [tilespmem:v60+s11+$0x0], $0xffff  }
0x132: {  	v41 =	vor.u32 v40, v39;
	v60 =	vld.idx.msk [tilespmem:v60+s12+$0x0], $0xffff;
	[tilespmem:$0x1FE90] =	vst v9;
	v9 =	vor.u32 v40, v45  }
0x133: {  	[tilespmem:$0x1FEA0] =	vst v9;
	v9 =	vor.u32 v36, v45;
	v45 =	vor.u32 v10, v37;
	v10 =	vadd.f32 v30, v1;
	v1 =	vld [tilespmem:$0x1FB70]  }
0x134: {  	v51 =	vor.u32 v51, v37;
	[tilespmem:$0x1FE80] =	vst v41;
	v30 =	vor.u32 v8, v37;
	v8 =	vadd.f32 v34, v27;
	v27 =	vld [tilespmem:$0x1FBC0]  }
0x135: {  	v26 =	vor.u32 v7, v46;
	[tilespmem:$0x1FEB0] =	vst v9;
	v9 =	vor.u32 v40, v46;
	v39 =	vld.idx.msk [tilespmem:v54+s11+$0x0], $0xffff  }
0x136: {  	v41 =	vor.u32 v7, v37;
	[tilespmem:$0x1FEC0] =	vst v9;
	v9 =	vor.u32 v36, v46;
	v46 =	vld.idx.msk [tilespmem:v54+s12+$0x0], $0xffff  }
0x137: {  	[tilespmem:$0x1FED0] =	vst v9;
	v9 =	vor.u32 v40, v44;
	v40 =	vld.idx.msk [tilespmem:v42+s11+$0x0], $0xffff  }
0x138: {  	v42 =	vld.idx.msk [tilespmem:v42+s12+$0x0], $0xffff  }
0x139: {  	[tilespmem:$0x1FEE0] =	vst v9;
	v9 =	vor.u32 v36, v44;
	v44 =	vld.idx.msk [tilespmem:v51+s11+$0x0], $0xffff  }
0x13a: {  	v51 =	vld.idx.msk [tilespmem:v51+s12+$0x0], $0xffff  }
0x13b: {  	v18 =	vld.idx.msk [tilespmem:v41+s11+$0x0], $0xffff  }
0x13c: {  	v21 =	vadd.f32 v21, v24;
	v62 =	vor.u32 v62, v37;
	v24 =	vld.idx.msk [tilespmem:v41+s12+$0x0], $0xffff  }
0x13d: {  	[tilespmem:$0x1FEF0] =	vst v9;
	v9 =	vadd.f32 v31, v3;
	v31 =	vld.idx.msk [tilespmem:v45+s11+$0x0], $0xffff  }
0x13e: {  	v7 =	vadd.f32 v32, v20;
	v45 =	vld.idx.msk [tilespmem:v45+s12+$0x0], $0xffff  }
0x13f: {  	v22 =	vadd.f32 v25, v1;
	v1 =	vld [tilespmem:$0x1FB80]  }
0x140: {  	v7 =	vadd.f32 v7, v10;
	v10 =	vld.idx.msk [tilespmem:v30+s11+$0x0], $0xffff  }
0x141: {  	v54 =	vunpack.i.u.bf16.f32 v38;
	v38 =	vunpack.i.l.bf16.f32 v38;
	v43 =	vld.idx.msk [tilespmem:v62+s11+$0x0], $0xffff  }
0x142: {  	v11 =	vadd.f32 v38, v11;
	v62 =	vld.idx.msk [tilespmem:v62+s12+$0x0], $0xffff  }
0x143: {  	v13 =	vadd.f32 v54, v13;
	v3 =	vadd.f32 v8, v9;
	v8 =	vld.idx.msk [tilespmem:v30+s12+$0x0], $0xffff  }
0x144: {  	v21 =	vadd.f32 v22, v21;
	v22 =	vld.idx.msk [tilespmem:v5+s11+$0x0], $0xffff  }
0x145: {  	v11 =	vadd.f32 v11, v13;
	v5 =	vld.idx.msk [tilespmem:v5+s12+$0x0], $0xffff  }
0x146: {  	v6 =	vmul.bf16 v6, v1;
	v1 =	vld [tilespmem:$0x1FB90]  }
0x147: {  	v9 =	vmul.bf16 v58, v0;
	v0 =	vld.idx.msk [tilespmem:v12+s12+$0x0], $0xffff;
	v3 =	vadd.f32 v11, v3  }
0x148: {  	v11 =	vld.idx.msk [tilespmem:v12+s11+$0x0], $0xffff  }
0x149: {  	v28 =	vadd.f32 v28, v16;
	v32 =	vmul.bf16 v51, v44;
	v44 =	vld [tilespmem:$0x1FC50];
	[tilespmem:s24+$0xFFFFFFE0] =	vst v3  }
0x14a: {  	v38 =	vld.idx.msk [tilespmem:v48+s11+$0x0], $0xffff  }
0x14b: {  	[tilespmem:s24+$0x0] =	vst v21;
	v20 =	vadd.f32 v1, v28;
	v1 =	vmul.bf16 v2, v4;
	v2 =	vld.idx.msk [tilespmem:v33+s11+$0x0], $0xffff  }
0x14c: {  	[tilespmem:s24+$0xFFFFFFF0] =	vst v15;
	v15 =	vld.idx.msk [tilespmem:v19+s11+$0x0], $0xffff  }
0x14d: {  	v46 =	vmul.bf16 v46, v39;
	v4 =	vmul.bf16 v23, v29;
	v23 =	vld [tilespmem:$0x1FBA0]  }
0x14e: {  	v29 =	vld [tilespmem:$0x1FBD0]  }
0x14f: {  	v18 =	vmul.bf16 v24, v18;
	v34 =	vunpack.i.u.bf16.f32 v46;
	v33 =	vunpack.i.l.bf16.f32 v46;
	v46 =	vld [tilespmem:$0x1FC60]  }
0x150: {  	v36 =	vld.idx.msk [tilespmem:v27+s11+$0x0], $0xffff  }
0x151: {  	v28 =	vmul.bf16 v60, v53;
	v53 =	vunpack.i.u.bf16.f32 v18;
	v27 =	vld.idx.msk [tilespmem:v27+s12+$0x0], $0xffff  }
0x152: {  	v41 =	vadd.f32 $0.0e+00, v53;
	v53 =	vld [tilespmem:$0x1FCA0]  }
0x153: {  	v7 =	vadd.f32 v7, v20;
	v20 =	vmul.bf16 v42, v40;
	v40 =	vld.idx.msk [tilespmem:v48+s12+$0x0], $0xffff  }
0x154: {  	v48 =	vld [tilespmem:$0x1FD10]  }
0x155: {  	v16 =	vmul.bf16 v55, v14;
	v13 =	vmul.bf16 v52, v61;
	[tilespmem:s24+$0x10] =	vst v7;
	v7 =	vld.idx.msk [tilespmem:v19+s12+$0x0], $0xffff  }
0x156: {  	v25 =	vmul.bf16 v50, v59;
	v8 =	vmul.bf16 v8, v10;
	v3 =	vld.idx.msk [tilespmem:v26+s11+$0x0], $0xffff  }
0x157: {  	v30 =	vmul.bf16 v57, v63;
	v21 =	vunpack.i.u.bf16.f32 v9;
	v24 =	vmul.bf16 v45, v31;
	v14 =	vld.idx.msk [tilespmem:v26+s12+$0x0], $0xffff  }
0x158: {  	v12 =	vunpack.i.u.bf16.f32 v13;
	v54 =	vunpack.i.u.bf16.f32 v8;
	v8 =	vunpack.i.l.bf16.f32 v8;
	v52 =	vld.idx.msk [tilespmem:v35+s11+$0x0], $0xffff  }
0x159: {  	v13 =	vunpack.i.l.bf16.f32 v13;
	v59 =	vunpack.i.u.bf16.f32 v24;
	v8 =	vadd.f32 $0.0e+00, v8;
	v19 =	vld.idx.msk [tilespmem:v35+s12+$0x0], $0xffff  }
0x15a: {  	v24 =	vunpack.i.l.bf16.f32 v24;
	v18 =	vunpack.i.l.bf16.f32 v18;
	v42 =	vadd.f32 $0.0e+00, v54;
	v26 =	vld [tilespmem:$0x1FBB0]  }
0x15b: {  	v18 =	vadd.f32 $0.0e+00, v18;
	v8 =	vadd.f32 v24, v8;
	v2 =	vmul.bf16 v17, v2;
	v17 =	vld [tilespmem:$0x1FC30]  }
0x15c: {  	v51 =	vunpack.i.u.bf16.f32 v20;
	v20 =	vunpack.i.l.bf16.f32 v20;
	v24 =	vadd.f32 v59, v42;
	v35 =	vld.idx.msk [tilespmem:v44+s12+$0x0], $0xffff  }
0x15d: {  	v63 =	vunpack.i.u.bf16.f32 v32;
	v18 =	vadd.f32 v20, v18;
	v20 =	vadd.f32 v51, v41;
	v51 =	vld [tilespmem:$0x1FC80]  }
0x15e: {  	v9 =	vunpack.i.l.bf16.f32 v9;
	v37 =	vmul.bf16 v62, v43;
	v24 =	vadd.f32 v63, v24;
	v63 =	vld [tilespmem:$0x1FCC0]  }
0x15f: {  	v32 =	vunpack.i.l.bf16.f32 v32;
	v10 =	vunpack.i.u.bf16.f32 v6;
	v6 =	vunpack.i.l.bf16.f32 v6;
	v55 =	vld.idx.msk [tilespmem:v23+s11+$0x0], $0xffff  }
0x160: {  	v31 =	vunpack.i.u.bf16.f32 v1;
	v1 =	vunpack.i.l.bf16.f32 v1;
	v50 =	vunpack.i.u.bf16.f32 v28;
	v23 =	vld.idx.msk [tilespmem:v23+s12+$0x0], $0xffff  }
0x161: {  	v41 =	vunpack.i.u.bf16.f32 v37;
	v18 =	vadd.f32 v33, v18;
	v20 =	vadd.f32 v34, v20;
	v42 =	vld.idx.msk [tilespmem:v29+s11+$0x0], $0xffff  }
0x162: {  	v28 =	vunpack.i.l.bf16.f32 v28;
	v8 =	vadd.f32 v32, v8;
	v24 =	vadd.f32 v41, v24;
	v29 =	vld.idx.msk [tilespmem:v29+s12+$0x0], $0xffff  }
0x163: {  	v33 =	vld.idx.msk [tilespmem:v46+s11+$0x0], $0xffff;
	v18 =	vadd.f32 v28, v18;
	v20 =	vadd.f32 v50, v20;
	v28 =	vunpack.i.l.bf16.f32 v37  }
0x164: {  	v7 =	vmul.bf16 v7, v15;
	v50 =	vld [tilespmem:$0x1FC70];
	v8 =	vadd.f32 v28, v8;
	v28 =	vunpack.i.u.bf16.f32 v30  }
0x165: {  	v41 =	vld.idx.msk [tilespmem:v53+s11+$0x0], $0xffff;
	v13 =	vadd.f32 v13, v18;
	v12 =	vadd.f32 v12, v20;
	v18 =	vunpack.i.l.bf16.f32 v30  }
0x166: {  	v30 =	vld [tilespmem:$0x1FBE0];
	v8 =	vadd.f32 v18, v8;
	v18 =	vadd.f32 v28, v24;
	v24 =	vunpack.i.u.bf16.f32 v25  }
0x167: {  	v62 =	vld.idx.msk [tilespmem:v26+s11+$0x0], $0xffff;
	v9 =	vadd.f32 v9, v13;
	v12 =	vadd.f32 v21, v12;
	v13 =	vunpack.i.l.bf16.f32 v25  }
0x168: {  	v26 =	vld.idx.msk [tilespmem:v26+s12+$0x0], $0xffff;
	v8 =	vadd.f32 v13, v8;
	v13 =	vadd.f32 v24, v18;
	v18 =	vunpack.i.u.bf16.f32 v16  }
0x169: {  	v25 =	vld [tilespmem:$0x1FBF0];
	v1 =	vadd.f32 v1, v9;
	v9 =	vadd.f32 v31, v12;
	v12 =	vunpack.i.l.bf16.f32 v16  }
0x16a: {  	v15 =	vld.idx.msk [tilespmem:v17+s11+$0x0], $0xffff;
	v8 =	vadd.f32 v12, v8;
	v12 =	vadd.f32 v18, v13;
	v13 =	vunpack.i.u.bf16.f32 v4  }
0x16b: {  	v4 =	vunpack.i.l.bf16.f32 v4;
	v1 =	vadd.f32 v6, v1;
	v6 =	vadd.f32 v10, v9;
	v10 =	vld [tilespmem:$0x1FC10]  }
0x16c: {  	v4 =	vadd.f32 v4, v8;
	v8 =	vadd.f32 v13, v12;
	v12 =	vld [tilespmem:$0x1FC20]  }
0x16d: {  	v3 =	vmul.bf16 v14, v3;
	v14 =	vmul.bf16 v26, v62;
	v62 =	vld [tilespmem:$0x1FCB0]  }
0x16e: {  	v20 =	vld.idx.msk [tilespmem:v30+s11+$0x0], $0xffff  }
0x16f: {  	v28 =	vld.idx.msk [tilespmem:v30+s12+$0x0], $0xffff  }
0x170: {  	v30 =	vld.idx.msk [tilespmem:v44+s11+$0x0], $0xffff  }
0x171: {  	v44 =	vld.idx.msk [tilespmem:v53+s12+$0x0], $0xffff  }
0x172: {  	v21 =	vld.idx.msk [tilespmem:v25+s11+$0x0], $0xffff  }
0x173: {  	v1 =	vadd.f32 v1, v6;
	v4 =	vadd.f32 v4, v8;
	v24 =	vld.idx.msk [tilespmem:v25+s12+$0x0], $0xffff  }
0x174: {  	v25 =	vld [tilespmem:$0x1FC00]  }
0x175: {  	v1 =	vadd.f32 v4, v1;
	v4 =	vld.idx.msk [tilespmem:v17+s12+$0x0], $0xffff  }
0x176: {  	v20 =	vmul.bf16 v28, v20;
	v28 =	vld.idx.msk [tilespmem:v50+s11+$0x0], $0xffff  }
0x177: {  	v9 =	vld.idx.msk [tilespmem:v10+s11+$0x0], $0xffff  }
0x178: {  	v10 =	vld.idx.msk [tilespmem:v10+s12+$0x0], $0xffff  }
0x179: {  	v0 =	vmul.bf16 v0, v11;
	v11 =	vld.idx.msk [tilespmem:v12+s11+$0x0], $0xffff  }
0x17a: {  	v6 =	vld.idx.msk [tilespmem:v12+s12+$0x0], $0xffff  }
0x17b: {  	v27 =	vmul.bf16 v27, v36;
	v8 =	vunpack.i.u.bf16.f32 v2;
	v21 =	vmul.bf16 v24, v21;
	v24 =	vld.idx.msk [tilespmem:v46+s12+$0x0], $0xffff  }
0x17c: {  	v5 =	vmul.bf16 v5, v22;
	v8 =	vadd.f32 $0.0e+00, v8;
	v12 =	vmul.bf16 v19, v52;
	v52 =	vld [tilespmem:$0x1FC90]  }
0x17d: {  	v13 =	vmul.bf16 v23, v55;
	v46 =	vld.idx.msk [tilespmem:v48+s12+$0x0], $0xffff;
	v4 =	vmul.bf16 v4, v15;
	v15 =	vunpack.i.u.bf16.f32 v27  }
0x17e: {  	v23 =	vunpack.i.u.bf16.f32 v7;
	v7 =	vunpack.i.l.bf16.f32 v7;
	v8 =	vadd.f32 v15, v8;
	v15 =	vld.idx.msk [tilespmem:v63+s12+$0x0], $0xffff  }
0x17f: {  	v22 =	vunpack.i.u.bf16.f32 v0;
	v29 =	vmul.bf16 v29, v42;
	v7 =	vadd.f32 $0.0e+00, v7;
	v16 =	vld.idx.msk [tilespmem:v25+s11+$0x0], $0xffff  }
0x180: {  	v23 =	vadd.f32 $0.0e+00, v23;
	v2 =	vunpack.i.l.bf16.f32 v2;
	v45 =	vunpack.i.u.bf16.f32 v14;
	v18 =	vld.idx.msk [tilespmem:v25+s12+$0x0], $0xffff  }
0x181: {  	v2 =	vadd.f32 $0.0e+00, v2;
	v42 =	vunpack.i.u.bf16.f32 v21;
	v21 =	vunpack.i.l.bf16.f32 v21;
	v25 =	vld [tilespmem:$0x1FC40]  }
0x182: {  	v14 =	vunpack.i.l.bf16.f32 v14;
	v7 =	vadd.f32 v21, v7;
	v21 =	vadd.f32 v42, v23;
	v23 =	vld.idx.msk [tilespmem:v49+s11+$0x0], $0xffff  }
0x183: {  	v14 =	vadd.f32 $0.0e+00, v14;
	v17 =	vunpack.i.u.bf16.f32 v5;
	v42 =	vld [tilespmem:$0x1FE90];
	v9 =	vmul.bf16 v10, v9  }
0x184: {  	v10 =	vadd.f32 $0.0e+00, v17;
	v17 =	vadd.f32 $0.0e+00, v22;
	v22 =	vunpack.i.l.bf16.f32 v27;
	v27 =	vld.idx.msk [tilespmem:v51+s12+$0x0], $0xffff  }
0x185: {  	v31 =	vunpack.i.u.bf16.f32 v12;
	v12 =	vunpack.i.l.bf16.f32 v12;
	v6 =	vmul.bf16 v6, v11;
	v11 =	vld.idx.msk [tilespmem:v50+s12+$0x0], $0xffff  }
0x186: {  	v12 =	vadd.f32 $0.0e+00, v12;
	v31 =	vadd.f32 $0.0e+00, v31;
	v50 =	vld.idx.msk [tilespmem:v62+s11+$0x0], $0xffff  }
0x187: {  	v2 =	vadd.f32 v22, v2;
	v22 =	vld.idx.msk [tilespmem:v63+s11+$0x0], $0xffff;
	v54 =	vunpack.i.u.bf16.f32 v9;
	v9 =	vunpack.i.l.bf16.f32 v9  }
0x188: {  	v9 =	vadd.f32 v9, v12;
	v12 =	vadd.f32 v54, v31;
	v54 =	vld [tilespmem:$0x1FD00]  }
0x189: {  	v32 =	vadd.f32 $0.0e+00, v45;
	v59 =	vunpack.i.u.bf16.f32 v4;
	v16 =	vmul.bf16 v18, v16;
	v18 =	vld.idx.msk [tilespmem:v51+s11+$0x0], $0xffff  }
0x18a: {  	v4 =	vunpack.i.l.bf16.f32 v4;
	v24 =	vmul.bf16 v24, v33;
	v33 =	vmul.bf16 v44, v41;
	v36 =	vld.idx.msk [tilespmem:v52+s11+$0x0], $0xffff  }
0x18b: {  	v4 =	vadd.f32 v4, v14;
	v14 =	vadd.f32 v59, v32;
	v37 =	vld.idx.msk [tilespmem:v52+s12+$0x0], $0xffff  }
0x18c: {  	v26 =	vunpack.i.u.bf16.f32 v13;
	v13 =	vunpack.i.l.bf16.f32 v13;
	v44 =	vunpack.i.u.bf16.f32 v33;
	v51 =	vld [tilespmem:$0x1FCF0]  }
0x18d: {  	v13 =	vadd.f32 $0.0e+00, v13;
	v14 =	vadd.f32 v44, v14;
	v44 =	vld [tilespmem:$0x1FDB0]  }
0x18e: {  	s24 =	sadd.s32 $0x50, s24;
	v26 =	vadd.f32 $0.0e+00, v26;
	v55 =	vunpack.i.u.bf16.f32 v6;
	v6 =	vunpack.i.l.bf16.f32 v6;
	v19 =	vld.idx.msk [tilespmem:v25+s11+$0x0], $0xffff  }
0x18f: {  	[tilespmem:s24+$0x20] =	vst v1;
	v6 =	vadd.f32 v6, v13;
	v1 =	vld.idx.msk [tilespmem:v25+s12+$0x0], $0xffff;
	v25 =	vunpack.i.u.bf16.f32 v3;
	v3 =	vunpack.i.l.bf16.f32 v3  }
0x190: {  	v11 =	vmul.bf16 v11, v28;
	v28 =	vmul.bf16 v40, v38;
	v40 =	vld [tilespmem:$0x1FCD0];
	v3 =	vadd.f32 $0.0e+00, v3  }
0x191: {  	v25 =	vadd.f32 $0.0e+00, v25;
	v18 =	vmul.bf16 v27, v18;
	v27 =	vmul.bf16 v37, v36;
	v37 =	vld [tilespmem:$0x1FE60]  }
0x192: {  	v13 =	vadd.f32 v55, v26;
	v43 =	vunpack.i.u.bf16.f32 v16;
	v16 =	vunpack.i.l.bf16.f32 v16;
	v55 =	vld.idx.msk [tilespmem:v54+s11+$0x0], $0xffff  }
0x193: {  	v3 =	vadd.f32 v16, v3;
	v16 =	vadd.f32 v43, v25;
	v43 =	vld.idx.msk [tilespmem:v54+s12+$0x0], $0xffff  }
0x194: {  	v54 =	vld [tilespmem:$0x1FD50]  }
0x195: {  	v1 =	vmul.bf16 v1, v19;
	v19 =	vmul.bf16 v35, v30;
	v30 =	vld.idx.msk [tilespmem:v62+s12+$0x0], $0xffff  }
0x196: {  	v35 =	vld.idx.msk [tilespmem:v49+s12+$0x0], $0xffff  }
0x197: {  	v5 =	vunpack.i.l.bf16.f32 v5;
	v49 =	vld [tilespmem:$0x1FCE0]  }
0x198: {  	v0 =	vunpack.i.l.bf16.f32 v0;
	v5 =	vadd.f32 $0.0e+00, v5;
	v52 =	vld.idx.msk [tilespmem:v51+s11+$0x0], $0xffff  }
0x199: {  	v0 =	vadd.f32 $0.0e+00, v0;
	v34 =	vunpack.i.u.bf16.f32 v29;
	v29 =	vunpack.i.l.bf16.f32 v29;
	v38 =	vld.idx.msk [tilespmem:v51+s12+$0x0], $0xffff  }
0x19a: {  	v5 =	vadd.f32 v29, v5;
	v39 =	vunpack.i.u.bf16.f32 v20;
	v20 =	vunpack.i.l.bf16.f32 v20;
	v29 =	vld.idx.msk [tilespmem:v40+s11+$0x0], $0xffff  }
0x19b: {  	v0 =	vadd.f32 v20, v0;
	v20 =	vld.idx.msk [tilespmem:v40+s12+$0x0], $0xffff  }
0x19c: {  	v10 =	vadd.f32 v34, v10;
	v62 =	vunpack.i.u.bf16.f32 v27;
	v51 =	vld [tilespmem:$0x1FD40]  }
0x19d: {  	v12 =	vadd.f32 v62, v12;
	v62 =	vld [tilespmem:$0x1FD60];
	v25 =	vunpack.i.u.bf16.f32 v19;
	v19 =	vunpack.i.l.bf16.f32 v19  }
0x19e: {  	v32 =	vunpack.i.u.bf16.f32 v24;
	v24 =	vunpack.i.l.bf16.f32 v24;
	v5 =	vadd.f32 v19, v5;
	v19 =	vld.idx.msk [tilespmem:v47+s12+$0x0], $0xffff  }
0x19f: {  	v34 =	vunpack.i.u.bf16.f32 v1;
	v1 =	vunpack.i.l.bf16.f32 v1;
	v30 =	vmul.bf16 v30, v50;
	v50 =	vld [tilespmem:$0x1FD30]  }
0x1a0: {  	v1 =	vadd.f32 v1, v2;
	v2 =	vmul.bf16 v15, v22;
	v15 =	vmul.bf16 v20, v29;
	v20 =	vld.idx.msk [tilespmem:v47+s11+$0x0], $0xffff  }
0x1a1: {  	v0 =	vadd.f32 v24, v0;
	v63 =	vunpack.i.u.bf16.f32 v28;
	v24 =	vmul.bf16 v43, v55;
	v55 =	vld.idx.msk [tilespmem:v54+s11+$0x0], $0xffff  }
0x1a2: {  	v13 =	vadd.f32 v63, v13;
	v10 =	vadd.f32 v25, v10;
	v25 =	vmul.bf16 v38, v52;
	v38 =	vld.idx.msk [tilespmem:v54+s12+$0x0], $0xffff  }
0x1a3: {  	v17 =	vadd.f32 v39, v17;
	v39 =	vunpack.i.u.bf16.f32 v24;
	v47 =	vld [tilespmem:$0x1FDC0]  }
0x1a4: {  	v13 =	vadd.f32 v39, v13;
	v39 =	vld [tilespmem:$0x1FE80]  }
0x1a5: {  	v31 =	vld.idx.msk [tilespmem:v49+s11+$0x0], $0xffff  }
0x1a6: {  	v26 =	vld.idx.msk [tilespmem:v49+s12+$0x0], $0xffff  }
0x1a7: {  	v28 =	vunpack.i.l.bf16.f32 v28;
	v49 =	vld.idx.msk [tilespmem:v48+s11+$0x0], $0xffff  }
0x1a8: {  	v6 =	vadd.f32 v28, v6;
	v28 =	vld.idx.msk [tilespmem:v51+s11+$0x0], $0xffff  }
0x1a9: {  	v17 =	vadd.f32 v32, v17;
	v53 =	vunpack.i.u.bf16.f32 v11;
	v11 =	vunpack.i.l.bf16.f32 v11;
	v52 =	vld.idx.msk [tilespmem:v51+s12+$0x0], $0xffff  }
0x1aa: {  	v7 =	vadd.f32 v11, v7;
	v11 =	vadd.f32 v53, v21;
	v63 =	vld.idx.msk [tilespmem:v62+s11+$0x0], $0xffff  }
0x1ab: {  	v59 =	vunpack.i.u.bf16.f32 v18;
	v18 =	vunpack.i.l.bf16.f32 v18;
	v27 =	vunpack.i.l.bf16.f32 v27;
	v43 =	vld.idx.msk [tilespmem:v62+s12+$0x0], $0xffff  }
0x1ac: {  	v3 =	vadd.f32 v18, v3;
	v53 =	vunpack.i.u.bf16.f32 v15;
	v15 =	vunpack.i.l.bf16.f32 v15;
	v62 =	vld [tilespmem:$0x1FDD0]  }
0x1ad: {  	v0 =	vadd.f32 v15, v0;
	v15 =	vadd.f32 v53, v17;
	v17 =	vmul.bf16 v38, v55;
	v55 =	vld [tilespmem:$0x1FDA0]  }
0x1ae: {  	v16 =	vadd.f32 v59, v16;
	v9 =	vadd.f32 v27, v9;
	v22 =	vmul.bf16 v35, v23;
	v38 =	vld [tilespmem:$0x1FE70]  }
0x1af: {  	v27 =	vunpack.i.u.bf16.f32 v2;
	v2 =	vunpack.i.l.bf16.f32 v2;
	v23 =	vmul.bf16 v26, v31;
	v31 =	vld [tilespmem:$0x1FD20]  }
0x1b0: {  	v2 =	vadd.f32 v2, v5;
	v21 =	vunpack.i.l.bf16.f32 v30;
	v26 =	vunpack.i.u.bf16.f32 v30;
	v30 =	vld.idx.msk [tilespmem:v50+s11+$0x0], $0xffff  }
0x1b1: {  	v5 =	vadd.f32 v27, v10;
	v35 =	vunpack.i.u.bf16.f32 v22;
	v19 =	vmul.bf16 v19, v20;
	v32 =	vld.idx.msk [tilespmem:v50+s12+$0x0], $0xffff  }
0x1b2: {  	v22 =	vunpack.i.l.bf16.f32 v22;
	v1 =	vadd.f32 v21, v1;
	v18 =	vmul.bf16 v46, v49;
	v49 =	vld [tilespmem:$0x1FD70]  }
0x1b3: {  	v40 =	vunpack.i.u.bf16.f32 v25;
	v10 =	vunpack.i.u.bf16.f32 v19;
	v19 =	vunpack.i.l.bf16.f32 v19;
	v36 =	vld.idx.msk [tilespmem:v47+s12+$0x0], $0xffff  }
0x1b4: {  	v7 =	vadd.f32 v22, v7;
	v28 =	vmul.bf16 v52, v28;
	v1 =	vadd.f32 v19, v1;
	v19 =	vld [tilespmem:$0x1FDE0]  }
0x1b5: {  	v11 =	vadd.f32 v35, v11;
	v12 =	vadd.f32 v40, v12;
	v48 =	vunpack.i.u.bf16.f32 v18;
	v40 =	vld.idx.msk [tilespmem:v39+s12+$0x0], $0xffff  }
0x1b6: {  	v46 =	vunpack.i.u.bf16.f32 v28;
	v28 =	vunpack.i.l.bf16.f32 v28;
	v14 =	vadd.f32 v48, v14;
	v48 =	vld.idx.msk [tilespmem:v47+s11+$0x0], $0xffff  }
0x1b7: {  	v8 =	vadd.f32 v34, v8;
	v7 =	vadd.f32 v28, v7;
	v28 =	vld.idx.msk [tilespmem:v56+s11+$0x0], $0xffff  }
0x1b8: {  	v59 =	vunpack.i.u.bf16.f32 v23;
	v23 =	vunpack.i.l.bf16.f32 v23;
	v11 =	vadd.f32 v46, v11;
	v46 =	vld [tilespmem:$0x1FE10]  }
0x1b9: {  	v3 =	vadd.f32 v23, v3;
	v23 =	vmul.bf16 v43, v63;
	v43 =	vld [tilespmem:$0x1FEA0]  }
0x1ba: {  	v8 =	vadd.f32 v26, v8;
	v26 =	vmul.bf16 v32, v30;
	v30 =	vld [tilespmem:$0x1FD80]  }
0x1bb: {  	v24 =	vunpack.i.l.bf16.f32 v24;
	v16 =	vadd.f32 v59, v16;
	v59 =	vld.idx.msk [tilespmem:v55+s11+$0x0], $0xffff  }
0x1bc: {  	v6 =	vadd.f32 v24, v6;
	v24 =	vld.idx.msk [tilespmem:v55+s12+$0x0], $0xffff  }
0x1bd: {  	v29 =	vld.idx.msk [tilespmem:v31+s11+$0x0], $0xffff  }
0x1be: {  	v31 =	vld.idx.msk [tilespmem:v31+s12+$0x0], $0xffff  }
0x1bf: {  	v50 =	vld.idx.msk [tilespmem:v49+s11+$0x0], $0xffff  }
0x1c0: {  	v21 =	vld.idx.msk [tilespmem:v49+s12+$0x0], $0xffff  }
0x1c1: {  	v8 =	vadd.f32 v10, v8;
	v10 =	vld.idx.msk [tilespmem:v19+s11+$0x0], $0xffff  }
0x1c2: {  	v19 =	vld.idx.msk [tilespmem:v19+s12+$0x0], $0xffff  }
0x1c3: {  	v20 =	vmul.bf16 v31, v29;
	v29 =	vld.idx.msk [tilespmem:v30+s11+$0x0], $0xffff  }
0x1c4: {  	v31 =	vld [tilespmem:$0x1FD90]  }
0x1c5: {  	v33 =	vunpack.i.l.bf16.f32 v33;
	v27 =	vld.idx.msk [tilespmem:v30+s12+$0x0], $0xffff  }
0x1c6: {  	v63 =	vld.idx.msk [tilespmem:v62+s11+$0x0], $0xffff;
	v49 =	vunpack.i.u.bf16.f32 v17;
	v17 =	vunpack.i.l.bf16.f32 v17;
	v21 =	vmul.bf16 v21, v50  }
0x1c7: {  	v25 =	vunpack.i.l.bf16.f32 v25;
	v32 =	vld [tilespmem:$0x1FE50];
	v3 =	vadd.f32 v17, v3;
	v24 =	vmul.bf16 v24, v59  }
0x1c8: {  	v17 =	vld.idx.msk [tilespmem:v56+s12+$0x0], $0xffff;
	v51 =	vunpack.i.u.bf16.f32 v21;
	v21 =	vunpack.i.l.bf16.f32 v21;
	v10 =	vmul.bf16 v19, v10  }
0x1c9: {  	v19 =	vunpack.i.l.bf16.f32 v24;
	v6 =	vadd.f32 v21, v6;
	v21 =	vunpack.i.u.bf16.f32 v24;
	v24 =	vld.idx.msk [tilespmem:v46+s11+$0x0], $0xffff  }
0x1ca: {  	v9 =	vadd.f32 v25, v9;
	v25 =	vmul.bf16 v27, v29;
	v27 =	vunpack.i.u.bf16.f32 v26;
	v29 =	vld.idx.msk [tilespmem:v44+s12+$0x0], $0xffff  }
0x1cb: {  	v4 =	vadd.f32 v33, v4;
	v15 =	vadd.f32 v27, v15;
	v27 =	vmul.bf16 v36, v48;
	v48 =	vld [tilespmem:$0x1FE20]  }
0x1cc: {  	v18 =	vunpack.i.l.bf16.f32 v18;
	v30 =	vld.idx.msk [tilespmem:v31+s11+$0x0], $0xffff  }
0x1cd: {  	v4 =	vadd.f32 v18, v4;
	v50 =	vunpack.i.u.bf16.f32 v23;
	v23 =	vunpack.i.l.bf16.f32 v23;
	v22 =	vld.idx.msk [tilespmem:v31+s12+$0x0], $0xffff  }
0x1ce: {  	v9 =	vadd.f32 v23, v9;
	v18 =	vunpack.i.l.bf16.f32 v20;
	v31 =	vunpack.i.u.bf16.f32 v20;
	v20 =	vld.idx.msk [tilespmem:v44+s11+$0x0], $0xffff  }
0x1cf: {  	v12 =	vadd.f32 v50, v12;
	v13 =	vadd.f32 v51, v13;
	v44 =	vld [tilespmem:$0x1FE00]  }
0x1d0: {  	v51 =	vunpack.i.u.bf16.f32 v10;
	v10 =	vunpack.i.l.bf16.f32 v10;
	v5 =	vadd.f32 v31, v5;
	v31 =	vld [tilespmem:$0x1FDF0]  }
0x1d1: {  	v9 =	vadd.f32 v10, v9;
	v10 =	vadd.f32 v51, v12;
	v51 =	vld [tilespmem:$0x1FEE0]  }
0x1d2: {  	v22 =	vmul.bf16 v22, v30;
	v30 =	vld.idx.msk [tilespmem:v62+s12+$0x0], $0xffff  }
0x1d3: {  	v62 =	vld [tilespmem:$0x1FE30]  }
0x1d4: {  	v16 =	vadd.f32 v49, v16;
	v49 =	vld.idx.msk [tilespmem:v48+s11+$0x0], $0xffff  }
0x1d5: {  	v17 =	vmul.bf16 v17, v28;
	v2 =	vadd.f32 v18, v2;
	v28 =	vld.idx.msk [tilespmem:v48+s12+$0x0], $0xffff  }
0x1d6: {  	v26 =	vunpack.i.l.bf16.f32 v26;
	v52 =	vunpack.i.u.bf16.f32 v25;
	v25 =	vunpack.i.l.bf16.f32 v25;
	v48 =	vld [tilespmem:$0x1FEC0]  }
0x1d7: {  	v0 =	vadd.f32 v26, v0;
	v4 =	vadd.f32 v25, v4;
	v25 =	vld.idx.msk [tilespmem:v44+s12+$0x0], $0xffff  }
0x1d8: {  	v14 =	vadd.f32 v52, v14;
	v18 =	vmul.bf16 v29, v20;
	v29 =	vunpack.i.u.bf16.f32 v22;
	v20 =	vld.idx.msk [tilespmem:v31+s11+$0x0], $0xffff  }
0x1d9: {  	v8 =	vadd.f32 v29, v8;
	v29 =	vunpack.i.u.bf16.f32 v17;
	v17 =	vunpack.i.l.bf16.f32 v17;
	v26 =	vld.idx.msk [tilespmem:v31+s12+$0x0], $0xffff  }
0x1da: {  	v4 =	vadd.f32 v17, v4;
	v17 =	vld.idx.msk [tilespmem:v38+s11+$0x0], $0xffff  }
0x1db: {  	v14 =	vadd.f32 v29, v14;
	v29 =	vld.idx.msk [tilespmem:v38+s12+$0x0], $0xffff  }
0x1dc: {  	v23 =	vmul.bf16 v30, v63;
	v30 =	vld.idx.msk [tilespmem:v44+s11+$0x0], $0xffff  }
0x1dd: {  	v47 =	vunpack.i.u.bf16.f32 v27;
	v27 =	vunpack.i.l.bf16.f32 v27;
	v63 =	vld [tilespmem:$0x1FE40]  }
0x1de: {  	v7 =	vadd.f32 v27, v7;
	v22 =	vunpack.i.l.bf16.f32 v22;
	v27 =	vmul.bf16 v28, v49;
	v28 =	vld.idx.msk [tilespmem:v37+s11+$0x0], $0xffff  }
0x1df: {  	v1 =	vadd.f32 v22, v1;
	v50 =	vunpack.i.u.bf16.f32 v23;
	v23 =	vunpack.i.l.bf16.f32 v23;
	v22 =	vld.idx.msk [tilespmem:v62+s11+$0x0], $0xffff  }
0x1e0: {  	v3 =	vadd.f32 v23, v3;
	v23 =	vld.idx.msk [tilespmem:v32+s12+$0x0], $0xffff  }
0x1e1: {  	v16 =	vadd.f32 v50, v16;
	v50 =	vld [tilespmem:$0x1FED0]  }
0x1e2: {  	v20 =	vmul.bf16 v26, v20;
	v26 =	vld.idx.msk [tilespmem:v46+s12+$0x0], $0xffff  }
0x1e3: {  	v46 =	vld [tilespmem:$0x1FEB0]  }
0x1e4: {  	v25 =	vmul.bf16 v25, v30;
	v30 =	vld.idx.msk [tilespmem:v62+s12+$0x0], $0xffff;
	v52 =	vunpack.i.u.bf16.f32 v20  }
0x1e5: {  	v12 =	vadd.f32 v52, v13;
	v13 =	vld.idx.msk [tilespmem:v37+s12+$0x0], $0xffff  }
0x1e6: {  	v2 =	vadd.f32 v19, v2;
	v11 =	vadd.f32 v47, v11;
	v52 =	vld [tilespmem:$0x1FEF0]  }
0x1e7: {  	v5 =	vadd.f32 v21, v5;
	v31 =	vunpack.i.u.bf16.f32 v18;
	v18 =	vunpack.i.l.bf16.f32 v18;
	v19 =	vld.idx.msk [tilespmem:v63+s11+$0x0], $0xffff  }
0x1e8: {  	v0 =	vadd.f32 v18, v0;
	v15 =	vadd.f32 v31, v15;
	v20 =	vunpack.i.l.bf16.f32 v20;
	v18 =	vld.idx.msk [tilespmem:v63+s12+$0x0], $0xffff  }
0x1e9: {  	v6 =	vadd.f32 v20, v6;
	v21 =	vmul.bf16 v26, v24;
	v24 =	vunpack.i.u.bf16.f32 v25;
	v26 =	vld.idx.msk [tilespmem:v32+s11+$0x0], $0xffff  }
0x1ea: {  	v25 =	vunpack.i.l.bf16.f32 v25;
	v20 =	vmul.bf16 v30, v22;
	v24 =	vadd.f32 v24, v8;
	v8 =	vld.idx.msk [tilespmem:v42+s11+$0x0], $0xffff  }
0x1eb: {  	v25 =	vadd.f32 v25, v1;
	v22 =	vunpack.i.u.bf16.f32 v21;
	v1 =	vmul.bf16 v13, v28;
	v13 =	vld.idx.msk [tilespmem:v42+s12+$0x0], $0xffff  }
0x1ec: {  	v30 =	vunpack.i.u.bf16.f32 v27;
	v27 =	vunpack.i.l.bf16.f32 v27;
	v5 =	vadd.f32 v22, v5;
	v22 =	vld.idx.msk [tilespmem:v43+s11+$0x0], $0xffff  }
0x1ed: {  	v21 =	vunpack.i.l.bf16.f32 v21;
	v0 =	vadd.f32 v27, v0;
	v27 =	vadd.f32 v30, v15;
	v15 =	vld.idx.msk [tilespmem:v46+s11+$0x0], $0xffff  }
0x1ee: {  	v31 =	vunpack.i.u.bf16.f32 v20;
	v20 =	vunpack.i.l.bf16.f32 v20;
	v21 =	vadd.f32 v21, v2;
	v47 =	vld.idx.msk [tilespmem:v46+s12+$0x0], $0xffff  }
0x1ef: {  	v18 =	vmul.bf16 v18, v19;
	v19 =	vld.idx.msk [tilespmem:v39+s11+$0x0], $0xffff;
	v20 =	vadd.f32 v20, v7;
	v23 =	vmul.bf16 v23, v26  }
0x1f0: {  	v28 =	vunpack.i.u.bf16.f32 v1;
	v44 =	vunpack.i.l.bf16.f32 v1;
	v1 =	vmul.bf16 v29, v17;
	v17 =	vld.idx.msk [tilespmem:v43+s12+$0x0], $0xffff  }
0x1f1: {  	v41 =	vunpack.i.u.bf16.f32 v18;
	v18 =	vunpack.i.l.bf16.f32 v18;
	v62 =	vld.idx.msk [tilespmem:v52+s12+$0x0], $0xffff;
	v26 =	vunpack.i.u.bf16.f32 v23  }
0x1f2: {  	v29 =	vunpack.i.u.bf16.f32 v1;
	v30 =	vunpack.i.l.bf16.f32 v1;
	v1 =	vadd.f32 v31, v11;
	v31 =	vld.idx.msk [tilespmem:v48+s11+$0x0], $0xffff  }
0x1f3: {  	v23 =	vunpack.i.l.bf16.f32 v23;
	v2 =	vadd.f32 v18, v3;
	v7 =	vadd.f32 v41, v16;
	v16 =	vld.idx.msk [tilespmem:v48+s12+$0x0], $0xffff  }
0x1f4: {  	v36 =	vadd.f32 v23, v9;
	v10 =	vadd.f32 v26, v10;
	v23 =	vld.idx.msk [tilespmem:v50+s11+$0x0], $0xffff  }
0x1f5: {  	v49 =	vmul.bf16 v13, v8;
	v8 =	vadd.f32 v44, v6;
	v9 =	vadd.f32 v28, v12;
	v6 =	vld.idx.msk [tilespmem:v50+s12+$0x0], $0xffff  }
0x1f6: {  	v11 =	vadd.f32 v30, v4;
	v13 =	vadd.f32 v29, v14;
	v12 =	vld.idx.msk [tilespmem:v51+s11+$0x0], $0xffff;
	v19 =	vmul.bf16 v40, v19  }
0x1f7: {  	v14 =	vld.idx.msk [tilespmem:v51+s12+$0x0], $0xffff;
	v3 =	vmul.bf16 v17, v22;
	v22 =	vunpack.i.l.bf16.f32 v49;
	v17 =	vmul.bf16 v47, v15  }
0x1f8: {  	v26 =	vld.idx.msk [tilespmem:v52+s11+$0x0], $0xffff;
	v18 =	vunpack.i.u.bf16.f32 v19;
	v4 =	vunpack.i.l.bf16.f32 v19;
	v19 =	vunpack.i.u.bf16.f32 v49  }
0x1f9: {  	s25 =	sadd.s32 $0x5, s25;
	v61 =	vld [tilespmem:$0x1FF90];
	v15 =	vadd.f32 v4, v25;
	v25 =	vunpack.i.u.bf16.f32 v3;
	v29 =	vunpack.i.l.bf16.f32 v3  }
0x1fa: {  	p1 =	slt.u32 s25, $0x14;
	v58 =	vld [tilespmem:$0x1FF70];
	v3 =	vunpack.i.u.bf16.f32 v17;
	v63 =	vunpack.i.l.bf16.f32 v17;
	v17 =	vadd.f32 v18, v24  }
.Ltmp4:
0x1fb: {  	v57 =	vld [tilespmem:$0x1FF80];
	v4 =	vmul.bf16 v16, v31;
	v18 =	vadd.f32 v22, v21;
	v22 =	vadd.f32 v19, v5;
	(pc) =	sbr.rel @p1 .LBB2_3-.Ltmp4, $4  }
0x1fc: {  	v60 =	vld [tilespmem:$0x1FF50];
	v6 =	vmul.bf16 v6, v23;
	v21 =	vadd.f32 v29, v0;
	v0 =	vmul.bf16 v14, v12  }
0x1fd: {  	v45 =	vld [tilespmem:$0x1FF10];
	v24 =	vadd.f32 v25, v27;
	v25 =	vadd.f32 v63, v20;
	v38 =	vmul.bf16 v62, v26  }
0x1fe: {  	v54 =	vld [tilespmem:$0x1FFA0];
	v28 =	vunpack.i.u.bf16.f32 v4;
	v4 =	vunpack.i.l.bf16.f32 v4;
	v30 =	vunpack.i.u.bf16.f32 v6  }
0x1ff: {  	s26 =	sadd.s32 $0x50, s26;
	v53 =	vld [tilespmem:$0x1FFB0];
	v32 =	vunpack.i.l.bf16.f32 v6;
	v31 =	vunpack.i.u.bf16.f32 v0;
	v34 =	vunpack.i.l.bf16.f32 v0  }
0x200: {  	v0 =	vadd.f32 v3, v1  }
0x201: {  	v44 =	vadd.f32 v4, v2;
	v46 =	vadd.f32 v28, v7  }
0x202: {  	v48 =	vadd.f32 v32, v36;
	v5 =	vadd.f32 v30, v10  }
0x203: {  	v49 =	vadd.f32 v34, v8;
	v50 =	vadd.f32 v31, v9  }
0x204: {  	v6 =	vunpack.i.l.bf16.f32 v38;
	v51 =	vadd.f32 v15, v17;
	v52 =	vadd.f32 v18, v22  }
0x205: {  	v47 =	vunpack.i.u.bf16.f32 v38;
	v55 =	vadd.f32 v21, v24;
	v6 =	vadd.f32 v6, v11  }
0x206: {  	v3 =	vadd.f32 v47, v13;
	v0 =	vadd.f32 v25, v0  }
0x207: {  	v1 =	vadd.f32 v44, v46;
	v56 =	vadd.f32 v48, v5  }
0x208: {  	v59 =	vadd.f32 v49, v50;
	v62 =	vadd.f32 v52, v51  }
0x209: {  	v3 =	vadd.f32 v6, v3;
	v0 =	vadd.f32 v0, v55  }
0x20a: {  	p1 =	seq.s32 s23, $0xC;
	v1 =	vadd.f32 v56, v1;
	[tilespmem:s24+$0xFFFFFFF0] =	vst v62  }
0x20b: {  	s25 =	smul.u32 @!p1 $0x320, s23;
	v63 =	vadd.f32 v3, v59;
	[tilespmem:s24+$0x0] =	vst v0  }
.Ltmp5:
0x20c: {  	[tilespmem:s24+$0x10] =	vst v1;
	(pc) =	sbr.rel @p0 .LBB2_8-.Ltmp5, $4  }
0x20d: {  	s26 =	simm.s32 @!p1 $0x190;
	s28 =	simm.s32 @!p1 $0x4E20;
	[tilespmem:s24+$0xFFFFFFE0] =	vst v63;
	s24 =	sadd.s32 @!p1 $0x320, s25  }
0x20e: {  	[tilespmem:s28], [sflag:$0x1] =	stream.indirect.gather @!p1 [hbm4b:s3+s26], $0x10, s24, s26, $0xb8;
	[tilespmem:$0xD930] =	vst v63  }
0x20f: {  	s24 =	sadd.s32 @!p1 $0x2A30, s25;
	s25 =	simm.s32 @!p1 $0x6720  }
0x210: {  	v40 =	vlaneseq.u32;
	[tilespmem:s25], [sflag:$0x2] =	stream.indirect.gather @!p1 [hbm4b:s3+s26], $0x10, s24, s26, $0xb8;
	[tilespmem:$0xD930] =	vst v63  }
0x211: {  	_ =	swait.ge [sflag:s15], $0x1900  }
0x212: {  	[sflag:s15] =	ssyncset.done $0x0  }
0x213: {  	[sflag:s15] =	ssyncadd.s32 $0xFFFFE700  }
0x214: {  	s24 =	simm.s32 $0x40;
	v44 =	vld [tilespmem:$0x1FFE0];
	_ =	swait.ge [sflag:s16], $0x1900  }
0x215: {  	v0 =	vmov s24;
	v46 =	vld [tilespmem:$0x1FFF0]  }
0x216: {  	v0 =	vshll.u32 v0, $0x4;
	v48 =	vld [tilespmem:$0x1FFC0]  }
0x217: {  	v0 =	vor.u32 v45, v0;
	v49 =	vld [tilespmem:$0x1FFD0]  }
0x218: {  	v7 =	vor.u32 v54, v0;
	v47 =	vld [tilespmem:$0x1FF00]  }
0x219: {  	v51 =	vld [tilespmem:$0x1FF60]  }
0x21a: {  	v9 =	vor.u32 v53, v0;
	v52 =	vld [tilespmem:$0x1FF30]  }
0x21b: {  	[sflag:s16] =	ssyncset.done $0x0;
	v54 =	vld [tilespmem:$0x1FF40]  }
0x21c: {  	v11 =	vor.u32 v58, v0;
	v55 =	vld [tilespmem:$0x1FF20];
	[sflag:s16] =	ssyncadd.s32 $0xFFFFE700  }
0x21d: {  	v12 =	vld.idx.msk [tilespmem:v7+s17+$0x0], $0xffff  }
0x21e: {  	v13 =	vor.u32 v61, v0;
	v7 =	vld.idx.msk [tilespmem:v7+s18+$0x0], $0xffff  }
0x21f: {  	v14 =	vld.idx.msk [tilespmem:v9+s17+$0x0], $0xffff  }
0x220: {  	v17 =	vor.u32 v57, v0;
	v9 =	vld.idx.msk [tilespmem:v9+s18+$0x0], $0xffff  }
0x221: {  	v16 =	vld.idx.msk [tilespmem:v11+s17+$0x0], $0xffff  }
0x222: {  	v18 =	vor.u32 v60, v0;
	v11 =	vld.idx.msk [tilespmem:v11+s18+$0x0], $0xffff  }
0x223: {  	v21 =	vld.idx.msk [tilespmem:v13+s17+$0x0], $0xffff  }
0x224: {  	v1 =	vor.u32 v44, v0;
	v13 =	vld.idx.msk [tilespmem:v13+s18+$0x0], $0xffff  }
0x225: {  	v23 =	vld.idx.msk [tilespmem:v17+s17+$0x0], $0xffff  }
0x226: {  	v2 =	vor.u32 v46, v0;
	v24 =	vld.idx.msk [tilespmem:v17+s18+$0x0], $0xffff  }
0x227: {  	v25 =	vld.idx.msk [tilespmem:v18+s17+$0x0], $0xffff  }
0x228: {  	v3 =	vor.u32 v48, v0;
	v26 =	vld.idx.msk [tilespmem:v18+s18+$0x0], $0xffff  }
0x229: {  	v4 =	vld.idx.msk [tilespmem:v1+s17+$0x0], $0xffff  }
0x22a: {  	v5 =	vor.u32 v49, v0;
	v1 =	vld.idx.msk [tilespmem:v1+s18+$0x0], $0xffff  }
0x22b: {  	v6 =	vld.idx.msk [tilespmem:v2+s17+$0x0], $0xffff  }
0x22c: {  	v19 =	vor.u32 v51, v0;
	v2 =	vld.idx.msk [tilespmem:v2+s18+$0x0], $0xffff  }
0x22d: {  	v8 =	vld.idx.msk [tilespmem:v3+s17+$0x0], $0xffff  }
0x22e: {  	v17 =	vor.u32 v54, v0;
	v3 =	vld.idx.msk [tilespmem:v3+s18+$0x0], $0xffff  }
0x22f: {  	v10 =	vld.idx.msk [tilespmem:v5+s17+$0x0], $0xffff  }
0x230: {  	v18 =	vor.u32 v40, v0;
	v5 =	vld.idx.msk [tilespmem:v5+s18+$0x0], $0xffff  }
0x231: {  	v27 =	vld.idx.msk [tilespmem:v19+s17+$0x0], $0xffff  }
0x232: {  	s31 =	simm.s32 $0x30;
	v41 =	vlaneseq.u32;
	v20 =	vor.u32 v52, v0;
	v28 =	vld.idx.msk [tilespmem:v19+s18+$0x0], $0xffff  }
0x233: {  	s29 =	simm.s32 $0x10;
	v35 =	vmov s31;
	v15 =	vor.u32 v47, v0;
	v0 =	vor.u32 v55, v0;
	v31 =	vld.idx.msk [tilespmem:v17+s17+$0x0], $0xffff  }
0x234: {  	s30 =	simm.s32 $0x0;
	v19 =	vmov s29;
	v33 =	vld.idx.msk [tilespmem:v17+s18+$0x0], $0xffff;
	v7 =	vmul.bf16 v7, v12;
	v11 =	vmul.bf16 v11, v16  }
0x235: {  	v17 =	vmov s30;
	v34 =	vld.idx.msk [tilespmem:v18+s17+$0x0], $0xffff;
	v9 =	vmul.bf16 v9, v14;
	v13 =	vmul.bf16 v13, v21  }
0x236: {  	v37 =	vld.idx.msk [tilespmem:v18+s18+$0x0], $0xffff;
	v18 =	vshll.u32 v35, $0x4;
	v25 =	vmul.bf16 v26, v25;
	v23 =	vmul.bf16 v24, v23  }
0x237: {  	s25 =	simm.s32 $0x20;
	v29 =	vld.idx.msk [tilespmem:v20+s17+$0x0], $0xffff;
	v19 =	vshll.u32 v19, $0x4;
	v17 =	vshll.u32 v17, $0x4;
	v18 =	vor.u32 v45, v18  }
0x238: {  	v30 =	vld.idx.msk [tilespmem:v20+s18+$0x0], $0xffff;
	v20 =	vor.u32 v45, v19;
	v19 =	vmov s25;
	v17 =	vor.u32 v45, v17  }
0x239: {  	v63 =	vld.idx.msk [tilespmem:v0+s17+$0x0], $0xffff;
	v50 =	vor.u32 v40, v18;
	v43 =	vor.u32 v55, v18;
	v1 =	vmul.bf16 v1, v4  }
0x23a: {  	v0 =	vld.idx.msk [tilespmem:v0+s18+$0x0], $0xffff;
	v21 =	vor.u32 v52, v18;
	v26 =	vor.u32 v54, v18;
	v32 =	vor.u32 v40, v20  }
0x23b: {  	v22 =	vld.idx.msk [tilespmem:v15+s17+$0x0], $0xffff;
	v19 =	vshll.u32 v19, $0x4;
	v36 =	vor.u32 v55, v20;
	v41 =	vor.u32 v41, v17  }
0x23c: {  	v15 =	vld.idx.msk [tilespmem:v15+s18+$0x0], $0xffff;
	v4 =	vor.u32 v55, v17;
	v12 =	vor.u32 v54, v20;
	v19 =	vor.u32 v45, v19  }
0x23d: {  	v38 =	vor.u32 v40, v19;
	v3 =	vmul.bf16 v3, v8;
	v2 =	vmul.bf16 v2, v6  }
0x23e: {  	v39 =	vor.u32 v55, v19;
	v5 =	vmul.bf16 v5, v10;
	v34 =	vmul.bf16 v37, v34  }
0x23f: {  	v8 =	vor.u32 v52, v20;
	v29 =	vmul.bf16 v30, v29;
	v0 =	vmul.bf16 v0, v63;
	v30 =	vld.idx.msk [tilespmem:v50+s17+$0x0], $0xffff  }
0x240: {  	v16 =	vor.u32 v54, v19;
	v27 =	vmul.bf16 v28, v27;
	v28 =	vmul.bf16 v33, v31;
	v31 =	vld.idx.msk [tilespmem:v50+s18+$0x0], $0xffff  }
0x241: {  	v15 =	vmul.bf16 v15, v22;
	v22 =	vor.u32 v52, v17;
	v53 =	vunpack.i.l.bf16.f32 v34;
	v6 =	vld.idx.msk [tilespmem:v36+s17+$0x0], $0xffff  }
0x242: {  	v56 =	vunpack.i.l.bf16.f32 v29;
	v34 =	vunpack.i.u.bf16.f32 v34;
	v59 =	vunpack.i.u.bf16.f32 v0;
	v10 =	vld.idx.msk [tilespmem:v36+s18+$0x0], $0xffff  }
0x243: {  	v0 =	vunpack.i.l.bf16.f32 v0;
	v29 =	vunpack.i.u.bf16.f32 v29;
	v62 =	vunpack.i.u.bf16.f32 v28;
	v35 =	vld.idx.msk [tilespmem:v41+s17+$0x0], $0xffff  }
0x244: {  	v28 =	vunpack.i.l.bf16.f32 v28;
	v63 =	vunpack.i.l.bf16.f32 v27;
	v27 =	vunpack.i.u.bf16.f32 v27;
	v41 =	vld.idx.msk [tilespmem:v41+s18+$0x0], $0xffff  }
0x245: {  	v50 =	vunpack.i.u.bf16.f32 v15;
	v15 =	vunpack.i.l.bf16.f32 v15;
	v55 =	vadd.f32 $0.0e+00, v53;
	v14 =	vld.idx.msk [tilespmem:v38+s17+$0x0], $0xffff  }
0x246: {  	v36 =	vor.u32 v52, v19;
	v34 =	vadd.f32 $0.0e+00, v34;
	v0 =	vadd.f32 $0.0e+00, v0;
	v38 =	vld.idx.msk [tilespmem:v38+s18+$0x0], $0xffff  }
0x247: {  	v40 =	vadd.f32 $0.0e+00, v59;
	v52 =	vor.u32 v54, v17;
	v53 =	vor.u32 v60, v20;
	v37 =	vld.idx.msk [tilespmem:v39+s17+$0x0], $0xffff  }
0x248: {  	v59 =	vor.u32 v51, v18;
	v24 =	vld.idx.msk [tilespmem:v39+s18+$0x0], $0xffff;
	v33 =	vadd.f32 v56, v55;
	v29 =	vadd.f32 v29, v34  }
0x249: {  	v39 =	vld.idx.msk [tilespmem:v43+s17+$0x0], $0xffff;
	v0 =	vadd.f32 v28, v0;
	v28 =	vunpack.i.l.bf16.f32 v25;
	v34 =	vadd.f32 v62, v40  }
0x24a: {  	v43 =	vld.idx.msk [tilespmem:v43+s18+$0x0], $0xffff;
	v25 =	vunpack.i.u.bf16.f32 v25;
	v55 =	vor.u32 v60, v19;
	v56 =	vor.u32 v51, v19  }
0x24b: {  	v40 =	vld.idx.msk [tilespmem:v4+s17+$0x0], $0xffff;
	v62 =	vor.u32 v60, v17;
	v28 =	vadd.f32 v28, v33;
	v25 =	vadd.f32 v25, v29  }
0x24c: {  	v4 =	vld.idx.msk [tilespmem:v4+s18+$0x0], $0xffff;
	v0 =	vadd.f32 v63, v0;
	v27 =	vadd.f32 v27, v34;
	v30 =	vmul.bf16 v31, v30  }
0x24d: {  	v29 =	vld.idx.msk [tilespmem:v8+s17+$0x0], $0xffff;
	v31 =	vor.u32 v47, v20;
	v34 =	vor.u32 v57, v18;
	v35 =	vmul.bf16 v41, v35  }
0x24e: {  	v8 =	vld.idx.msk [tilespmem:v8+s18+$0x0], $0xffff;
	v15 =	vadd.f32 v15, v28;
	v25 =	vadd.f32 v50, v25;
	v28 =	vunpack.i.l.bf16.f32 v23  }
0x24f: {  	v33 =	vld.idx.msk [tilespmem:v12+s17+$0x0], $0xffff;
	v23 =	vunpack.i.u.bf16.f32 v23;
	v50 =	vor.u32 v47, v19;
	v0 =	vadd.f32 v28, v0  }
0x250: {  	v12 =	vld.idx.msk [tilespmem:v12+s18+$0x0], $0xffff;
	v28 =	vunpack.i.u.bf16.f32 v11;
	v11 =	vunpack.i.l.bf16.f32 v11;
	v14 =	vmul.bf16 v38, v14  }
0x251: {  	v42 =	vld.idx.msk [tilespmem:v32+s17+$0x0], $0xffff;
	v23 =	vadd.f32 v23, v27;
	v24 =	vmul.bf16 v24, v37;
	v39 =	vmul.bf16 v43, v39  }
0x252: {  	v32 =	vld.idx.msk [tilespmem:v32+s18+$0x0], $0xffff;
	v43 =	vor.u32 v57, v20;
	v4 =	vmul.bf16 v4, v40;
	v11 =	vadd.f32 v11, v15  }
0x253: {  	v27 =	vld.idx.msk [tilespmem:v36+s17+$0x0], $0xffff;
	v15 =	vadd.f32 v28, v25;
	v25 =	vunpack.i.l.bf16.f32 v13;
	v13 =	vunpack.i.u.bf16.f32 v13  }
0x254: {  	v63 =	vld.idx.msk [tilespmem:v55+s17+$0x0], $0xffff;
	v0 =	vadd.f32 v25, v0;
	v13 =	vadd.f32 v13, v23;
	v23 =	vunpack.i.u.bf16.f32 v7  }
0x255: {  	v28 =	vld.idx.msk [tilespmem:v36+s18+$0x0], $0xffff;
	v7 =	vunpack.i.l.bf16.f32 v7;
	v8 =	vmul.bf16 v8, v29;
	v12 =	vmul.bf16 v12, v33  }
0x256: {  	v36 =	vld.idx.msk [tilespmem:v53+s18+$0x0], $0xffff;
	v7 =	vadd.f32 v7, v11;
	v11 =	vadd.f32 v23, v15;
	v15 =	vunpack.i.l.bf16.f32 v9  }
0x257: {  	v25 =	vld.idx.msk [tilespmem:v16+s17+$0x0], $0xffff;
	v33 =	vor.u32 v47, v18;
	v9 =	vunpack.i.u.bf16.f32 v9;
	v0 =	vadd.f32 v15, v0  }
0x258: {  	v16 =	vld.idx.msk [tilespmem:v16+s18+$0x0], $0xffff;
	v15 =	vunpack.i.l.bf16.f32 v3;
	v3 =	vunpack.i.u.bf16.f32 v3;
	v9 =	vadd.f32 v9, v13  }
0x259: {  	v13 =	vld.idx.msk [tilespmem:v26+s17+$0x0], $0xffff;
	v7 =	vadd.f32 v15, v7;
	v15 =	vunpack.i.u.bf16.f32 v5;
	v3 =	vadd.f32 v3, v11  }
0x25a: {  	v5 =	vunpack.i.l.bf16.f32 v5;
	v11 =	vld.idx.msk [tilespmem:v26+s18+$0x0], $0xffff;
	v26 =	vunpack.i.l.bf16.f32 v1;
	v1 =	vunpack.i.u.bf16.f32 v1  }
0x25b: {  	v29 =	vld.idx.msk [tilespmem:v56+s17+$0x0], $0xffff;
	v0 =	vadd.f32 v5, v0;
	v5 =	vadd.f32 v15, v9;
	v15 =	vor.u32 v51, v20  }
0x25c: {  	v27 =	vmul.bf16 v28, v27;
	v28 =	vld.idx.msk [tilespmem:v56+s18+$0x0], $0xffff;
	v56 =	vunpack.i.u.bf16.f32 v39;
	v39 =	vunpack.i.l.bf16.f32 v39  }
0x25d: {  	v23 =	vld.idx.msk [tilespmem:v21+s17+$0x0], $0xffff;
	v7 =	vadd.f32 v26, v7;
	v1 =	vadd.f32 v1, v3;
	v3 =	vunpack.i.l.bf16.f32 v2  }
0x25e: {  	v21 =	vld.idx.msk [tilespmem:v21+s18+$0x0], $0xffff;
	v26 =	vmul.bf16 v32, v42;
	v2 =	vunpack.i.u.bf16.f32 v2;
	v16 =	vmul.bf16 v16, v25  }
0x25f: {  	v42 =	vld.idx.msk [tilespmem:v55+s18+$0x0], $0xffff;
	v25 =	vor.u32 v47, v17;
	v32 =	vor.u32 v57, v17;
	v55 =	vunpack.i.u.bf16.f32 v35  }
0x260: {  	v9 =	vld.idx.msk [tilespmem:v22+s17+$0x0], $0xffff;
	v35 =	vunpack.i.l.bf16.f32 v35;
	v39 =	vadd.f32 $0.0e+00, v39;
	v0 =	vadd.f32 v3, v0  }
0x261: {  	v22 =	vld.idx.msk [tilespmem:v22+s18+$0x0], $0xffff;
	v2 =	vadd.f32 v2, v5;
	v5 =	vmul.bf16 v10, v6;
	v10 =	vor.u32 v60, v18  }
0x262: {  	v6 =	vld.idx.msk [tilespmem:v53+s17+$0x0], $0xffff;
	v53 =	vunpack.i.u.bf16.f32 v14;
	v14 =	vunpack.i.l.bf16.f32 v14;
	v35 =	vadd.f32 $0.0e+00, v35  }
0x263: {  	v21 =	vmul.bf16 v21, v23;
	v1 =	vadd.f32 v7, v1;
	v14 =	vadd.f32 $0.0e+00, v14  }
0x264: {  	v0 =	vadd.f32 v0, v2;
	v2 =	vor.u32 v51, v17;
	v11 =	vmul.bf16 v11, v13  }
0x265: {  	v54 =	vld.idx.msk [tilespmem:v52+s17+$0x0], $0xffff;
	v13 =	vunpack.i.l.bf16.f32 v26;
	v51 =	vunpack.i.l.bf16.f32 v8;
	v26 =	vunpack.i.u.bf16.f32 v26  }
0x266: {  	v3 =	vld.idx.msk [tilespmem:v52+s18+$0x0], $0xffff;
	v52 =	vunpack.i.u.bf16.f32 v5;
	v5 =	vunpack.i.l.bf16.f32 v5;
	v8 =	vunpack.i.u.bf16.f32 v8  }
0x267: {  	v38 =	vld.idx.msk [tilespmem:v59+s18+$0x0], $0xffff;
	v13 =	vadd.f32 $0.0e+00, v13;
	v9 =	vmul.bf16 v22, v9;
	v26 =	vadd.f32 $0.0e+00, v26  }
0x268: {  	v37 =	vld.idx.msk [tilespmem:v62+s18+$0x0], $0xffff;
	v28 =	vmul.bf16 v28, v29;
	v29 =	vunpack.i.u.bf16.f32 v24;
	v24 =	vunpack.i.l.bf16.f32 v24  }
0x269: {  	v22 =	vld.idx.msk [tilespmem:v59+s17+$0x0], $0xffff;
	v5 =	vadd.f32 $0.0e+00, v5;
	v59 =	vunpack.i.u.bf16.f32 v4;
	v4 =	vunpack.i.l.bf16.f32 v4  }
0x26a: {  	v40 =	vld.idx.msk [tilespmem:v50+s18+$0x0], $0xffff;
	v0 =	vadd.f32 v0, v1;
	v41 =	vmul.bf16 v42, v63;
	v42 =	vadd.f32 $0.0e+00, v53  }
0x26b: {  	v7 =	vld.idx.msk [tilespmem:v15+s17+$0x0], $0xffff;
	v1 =	vor.u32 v57, v19;
	v24 =	vadd.f32 $0.0e+00, v24;
	v29 =	vadd.f32 $0.0e+00, v29  }
0x26c: {  	v15 =	vld.idx.msk [tilespmem:v15+s18+$0x0], $0xffff;
	v4 =	vadd.f32 $0.0e+00, v4;
	v3 =	vmul.bf16 v3, v54;
	v6 =	vmul.bf16 v36, v6  }
0x26d: {  	v23 =	vld.idx.msk [tilespmem:v10+s17+$0x0], $0xffff;
	v13 =	vadd.f32 v51, v13;
	v8 =	vadd.f32 v8, v26;
	v26 =	vunpack.i.u.bf16.f32 v30  }
0x26e: {  	v10 =	vld.idx.msk [tilespmem:v10+s18+$0x0], $0xffff;
	v30 =	vunpack.i.l.bf16.f32 v30;
	v54 =	vunpack.i.l.bf16.f32 v12;
	v36 =	vadd.f32 $0.0e+00, v52  }
0x26f: {  	v12 =	vunpack.i.u.bf16.f32 v12;
	v47 =	vunpack.i.l.bf16.f32 v9;
	v51 =	vld.idx.msk [tilespmem:v32+s17+$0x0], $0xffff;
	v5 =	vadd.f32 v54, v5  }
0x270: {  	v9 =	vunpack.i.u.bf16.f32 v9;
	v32 =	vld.idx.msk [tilespmem:v32+s18+$0x0], $0xffff;
	v30 =	vadd.f32 $0.0e+00, v30;
	v26 =	vadd.f32 $0.0e+00, v26  }
0x271: {  	v35 =	vadd.f32 v47, v35;
	v47 =	vld.idx.msk [tilespmem:v25+s17+$0x0], $0xffff;
	v52 =	vunpack.i.u.bf16.f32 v41;
	v12 =	vadd.f32 v12, v36  }
0x272: {  	v25 =	vld.idx.msk [tilespmem:v25+s18+$0x0], $0xffff;
	v36 =	vadd.f32 $0.0e+00, v59;
	v59 =	vunpack.i.u.bf16.f32 v3;
	v3 =	vunpack.i.l.bf16.f32 v3  }
0x273: {  	v7 =	vmul.bf16 v15, v7;
	v15 =	vld.idx.msk [tilespmem:v62+s17+$0x0], $0xffff;
	v22 =	vmul.bf16 v38, v22;
	v62 =	vunpack.i.l.bf16.f32 v16  }
0x274: {  	v3 =	vadd.f32 v3, v4;
	v4 =	vunpack.i.l.bf16.f32 v6;
	v24 =	vadd.f32 v62, v24;
	v62 =	vld.idx.msk [tilespmem:v34+s17+$0x0], $0xffff  }
0x275: {  	v16 =	vunpack.i.u.bf16.f32 v16;
	v38 =	vadd.f32 $0.0e+00, v56;
	v4 =	vadd.f32 v4, v13;
	v13 =	vld.idx.msk [tilespmem:v34+s18+$0x0], $0xffff  }
0x276: {  	v6 =	vunpack.i.u.bf16.f32 v6;
	v56 =	vor.u32 v61, v19;
	v10 =	vmul.bf16 v10, v23;
	v23 =	vld.idx.msk [tilespmem:v2+s17+$0x0], $0xffff  }
0x277: {  	v16 =	vadd.f32 v16, v29;
	v29 =	vunpack.i.l.bf16.f32 v21;
	v36 =	vadd.f32 v59, v36;
	v2 =	vld.idx.msk [tilespmem:v2+s18+$0x0], $0xffff  }
0x278: {  	v21 =	vunpack.i.u.bf16.f32 v21;
	v6 =	vadd.f32 v6, v8;
	v29 =	vadd.f32 v29, v30;
	v30 =	vld.idx.msk [tilespmem:v50+s17+$0x0], $0xffff  }
0x279: {  	v8 =	vor.u32 v61, v20;
	v21 =	vadd.f32 v21, v26;
	v26 =	vunpack.i.l.bf16.f32 v11;
	v50 =	vld.idx.msk [tilespmem:v33+s17+$0x0], $0xffff  }
0x27a: {  	v11 =	vunpack.i.u.bf16.f32 v11;
	v33 =	vld.idx.msk [tilespmem:v33+s18+$0x0], $0xffff;
	v32 =	vmul.bf16 v32, v51;
	v26 =	vadd.f32 v26, v39  }
0x27b: {  	v53 =	vld [tilespmem:$0x1FFB0];
	v11 =	vadd.f32 v11, v38;
	v25 =	vmul.bf16 v25, v47;
	v15 =	vmul.bf16 v37, v15  }
0x27c: {  	v54 =	vld [tilespmem:$0x1FFA0];
	v37 =	vadd.f32 $0.0e+00, v55;
	v55 =	vunpack.i.l.bf16.f32 v41;
	v13 =	vmul.bf16 v13, v62  }
0x27d: {  	v39 =	vld.idx.msk [tilespmem:v1+s17+$0x0], $0xffff;
	v62 =	vunpack.i.u.bf16.f32 v28;
	v28 =	vunpack.i.l.bf16.f32 v28;
	v2 =	vmul.bf16 v2, v23  }
0x27e: {  	v1 =	vld.idx.msk [tilespmem:v1+s18+$0x0], $0xffff;
	v23 =	vunpack.i.l.bf16.f32 v27;
	v27 =	vunpack.i.u.bf16.f32 v27;
	v9 =	vadd.f32 v9, v37  }
0x27f: {  	v30 =	vmul.bf16 v40, v30;
	v33 =	vmul.bf16 v33, v50;
	v50 =	vunpack.i.u.bf16.f32 v7  }
0x280: {  	v7 =	vunpack.i.l.bf16.f32 v7;
	v24 =	vadd.f32 v28, v24;
	v28 =	vunpack.i.l.bf16.f32 v10  }
0x281: {  	v16 =	vadd.f32 v62, v16;
	v10 =	vunpack.i.u.bf16.f32 v10;
	v62 =	vor.u32 v53, v20  }
0x282: {  	v63 =	vld.idx.msk [tilespmem:v43+s17+$0x0], $0xffff;
	v40 =	vor.u32 v54, v19;
	v14 =	vadd.f32 v23, v14;
	v27 =	vadd.f32 v27, v42  }
0x283: {  	v43 =	vld.idx.msk [tilespmem:v43+s18+$0x0], $0xffff;
	v1 =	vmul.bf16 v1, v39;
	v5 =	vadd.f32 v7, v5;
	v7 =	vor.u32 v58, v19  }
0x284: {  	v23 =	vld.idx.msk [tilespmem:v31+s17+$0x0], $0xffff;
	v12 =	vadd.f32 v50, v12;
	v28 =	vadd.f32 v28, v29;
	v29 =	vor.u32 v58, v18  }
0x285: {  	v31 =	vld.idx.msk [tilespmem:v31+s18+$0x0], $0xffff;
	v10 =	vadd.f32 v10, v21;
	v21 =	vunpack.i.l.bf16.f32 v22;
	v22 =	vunpack.i.u.bf16.f32 v22  }
0x286: {  	v50 =	vor.u32 v61, v18;
	v39 =	vld.idx.msk [tilespmem:v56+s18+$0x0], $0xffff;
	v21 =	vadd.f32 v21, v26;
	v26 =	vunpack.i.l.bf16.f32 v15  }
0x287: {  	v41 =	vunpack.i.u.bf16.f32 v13;
	v11 =	vadd.f32 v22, v11;
	v22 =	vadd.f32 v26, v35;
	v26 =	vld.idx.msk [tilespmem:v56+s17+$0x0], $0xffff  }
0x288: {  	v13 =	vunpack.i.l.bf16.f32 v13;
	v15 =	vunpack.i.u.bf16.f32 v15;
	v14 =	vadd.f32 v55, v14;
	v42 =	vld.idx.msk [tilespmem:v62+s17+$0x0], $0xffff  }
0x289: {  	v27 =	vadd.f32 v52, v27;
	v9 =	vadd.f32 v15, v9;
	v15 =	vunpack.i.l.bf16.f32 v2;
	v38 =	vld.idx.msk [tilespmem:v62+s18+$0x0], $0xffff  }
0x28a: {  	v2 =	vunpack.i.u.bf16.f32 v2;
	v52 =	vor.u32 v61, v17;
	v3 =	vadd.f32 v15, v3;
	v47 =	vld.idx.msk [tilespmem:v7+s17+$0x0], $0xffff  }
0x28b: {  	v23 =	vmul.bf16 v31, v23;
	v31 =	vmul.bf16 v43, v63;
	v63 =	vor.u32 v58, v20;
	v7 =	vld.idx.msk [tilespmem:v7+s18+$0x0], $0xffff  }
0x28c: {  	v2 =	vadd.f32 v2, v36;
	v13 =	vadd.f32 v13, v21;
	v21 =	vunpack.i.l.bf16.f32 v25;
	v51 =	vld.idx.msk [tilespmem:v29+s17+$0x0], $0xffff  }
0x28d: {  	v11 =	vadd.f32 v41, v11;
	v25 =	vunpack.i.u.bf16.f32 v25;
	v41 =	vor.u32 v48, v17;
	v29 =	vld.idx.msk [tilespmem:v29+s18+$0x0], $0xffff  }
0x28e: {  	v21 =	vadd.f32 v21, v22;
	v9 =	vadd.f32 v25, v9;
	v25 =	vunpack.i.l.bf16.f32 v32;
	v56 =	vld.idx.msk [tilespmem:v50+s17+$0x0], $0xffff  }
0x28f: {  	v22 =	vor.u32 v53, v19;
	v32 =	vunpack.i.u.bf16.f32 v32;
	v35 =	vld.idx.msk [tilespmem:v50+s18+$0x0], $0xffff;
	v3 =	vadd.f32 v25, v3  }
0x290: {  	v2 =	vadd.f32 v32, v2;
	v43 =	vor.u32 v54, v17;
	v15 =	vunpack.i.l.bf16.f32 v23;
	v59 =	vld.idx.msk [tilespmem:v63+s17+$0x0], $0xffff  }
0x291: {  	v23 =	vunpack.i.u.bf16.f32 v23;
	v55 =	vunpack.i.l.bf16.f32 v31;
	v26 =	vmul.bf16 v39, v26;
	v34 =	vld.idx.msk [tilespmem:v63+s18+$0x0], $0xffff  }
0x292: {  	v31 =	vunpack.i.u.bf16.f32 v31;
	v4 =	vadd.f32 v15, v4;
	v15 =	vor.u32 v58, v17;
	v63 =	vld.idx.msk [tilespmem:v8+s17+$0x0], $0xffff  }
0x293: {  	v6 =	vadd.f32 v23, v6;
	v23 =	vor.u32 v54, v20;
	v5 =	vadd.f32 v55, v5;
	v8 =	vld.idx.msk [tilespmem:v8+s18+$0x0], $0xffff  }
0x294: {  	v12 =	vadd.f32 v31, v12;
	v37 =	vmul.bf16 v38, v42;
	v29 =	vmul.bf16 v29, v51  }
0x295: {  	v25 =	vld.idx.msk [tilespmem:v40+s17+$0x0], $0xffff;
	v7 =	vmul.bf16 v7, v47;
	v35 =	vmul.bf16 v35, v56;
	v47 =	vor.u32 v53, v18  }
0x296: {  	v50 =	vld.idx.msk [tilespmem:v22+s17+$0x0], $0xffff;
	v51 =	vor.u32 v53, v17;
	v56 =	vor.u32 v49, v20;
	v55 =	vunpack.i.l.bf16.f32 v29  }
0x297: {  	v29 =	vunpack.i.u.bf16.f32 v29;
	v31 =	vld.idx.msk [tilespmem:v15+s17+$0x0], $0xffff;
	v34 =	vmul.bf16 v34, v59;
	v59 =	vunpack.i.l.bf16.f32 v30  }
0x298: {  	v15 =	vld.idx.msk [tilespmem:v15+s18+$0x0], $0xffff;
	v8 =	vmul.bf16 v8, v63;
	v30 =	vunpack.i.u.bf16.f32 v30;
	v14 =	vadd.f32 v59, v14  }
0x299: {  	v63 =	vld.idx.msk [tilespmem:v52+s18+$0x0], $0xffff;
	v27 =	vadd.f32 v30, v27;
	v30 =	vunpack.i.l.bf16.f32 v1;
	v1 =	vunpack.i.u.bf16.f32 v1  }
0x29a: {  	v24 =	vadd.f32 v30, v24;
	v30 =	vld.idx.msk [tilespmem:v52+s17+$0x0], $0xffff;
	v1 =	vadd.f32 v1, v16;
	v16 =	vunpack.i.u.bf16.f32 v33  }
0x29b: {  	v59 =	vunpack.i.u.bf16.f32 v35;
	v35 =	vunpack.i.l.bf16.f32 v35;
	v10 =	vadd.f32 v16, v10;
	v16 =	vld.idx.msk [tilespmem:v23+s17+$0x0], $0xffff  }
0x29c: {  	v33 =	vunpack.i.l.bf16.f32 v33;
	v52 =	vunpack.i.l.bf16.f32 v26;
	v26 =	vunpack.i.u.bf16.f32 v26;
	v23 =	vld.idx.msk [tilespmem:v23+s18+$0x0], $0xffff  }
0x29d: {  	v22 =	vld.idx.msk [tilespmem:v22+s18+$0x0], $0xffff;
	v13 =	vadd.f32 v35, v13;
	v11 =	vadd.f32 v59, v11;
	v15 =	vmul.bf16 v15, v31  }
0x29e: {  	v32 =	vld.idx.msk [tilespmem:v43+s18+$0x0], $0xffff;
	v28 =	vadd.f32 v33, v28;
	v31 =	vor.u32 v54, v18;
	v24 =	vadd.f32 v52, v24  }
0x29f: {  	v33 =	vld.idx.msk [tilespmem:v40+s18+$0x0], $0xffff;
	v1 =	vadd.f32 v26, v1;
	v62 =	vunpack.i.l.bf16.f32 v15;
	v15 =	vunpack.i.u.bf16.f32 v15  }
0x2a0: {  	v26 =	vld.idx.msk [tilespmem:v43+s17+$0x0], $0xffff;
	v43 =	vor.u32 v48, v18;
	v10 =	vadd.f32 v29, v10;
	v9 =	vadd.f32 v15, v9  }
0x2a1: {  	v36 =	vld.idx.msk [tilespmem:v47+s18+$0x0], $0xffff;
	v30 =	vmul.bf16 v63, v30;
	v16 =	vmul.bf16 v23, v16;
	v23 =	vunpack.i.l.bf16.f32 v34  }
0x2a2: {  	v29 =	vld.idx.msk [tilespmem:v51+s17+$0x0], $0xffff;
	v63 =	vor.u32 v48, v19;
	v34 =	vunpack.i.u.bf16.f32 v34;
	v4 =	vadd.f32 v23, v4  }
0x2a3: {  	v23 =	vunpack.i.u.bf16.f32 v8;
	v8 =	vunpack.i.l.bf16.f32 v8;
	v6 =	vadd.f32 v34, v6;
	v34 =	vld.idx.msk [tilespmem:v51+s18+$0x0], $0xffff  }
0x2a4: {  	v25 =	vmul.bf16 v33, v25;
	v15 =	vunpack.i.u.bf16.f32 v30;
	v5 =	vadd.f32 v8, v5;
	v8 =	vld.idx.msk [tilespmem:v31+s17+$0x0], $0xffff  }
0x2a5: {  	v30 =	vunpack.i.l.bf16.f32 v30;
	v12 =	vadd.f32 v23, v12;
	v23 =	vunpack.i.u.bf16.f32 v7;
	v31 =	vld.idx.msk [tilespmem:v31+s18+$0x0], $0xffff  }
0x2a6: {  	v7 =	vunpack.i.l.bf16.f32 v7;
	v3 =	vadd.f32 v30, v3;
	v2 =	vadd.f32 v15, v2;
	v15 =	vld.idx.msk [tilespmem:v56+s17+$0x0], $0xffff  }
0x2a7: {  	v22 =	vmul.bf16 v22, v50;
	v7 =	vadd.f32 v7, v14;
	v14 =	vld.idx.msk [tilespmem:v47+s17+$0x0], $0xffff;
	v23 =	vadd.f32 v23, v27  }
0x2a8: {  	v30 =	vor.u32 v49, v19;
	v50 =	vunpack.i.l.bf16.f32 v25;
	v25 =	vunpack.i.u.bf16.f32 v25;
	v47 =	vld.idx.msk [tilespmem:v63+s17+$0x0], $0xffff  }
0x2a9: {  	v42 =	vunpack.i.l.bf16.f32 v16;
	v33 =	vld.idx.msk [tilespmem:v63+s18+$0x0], $0xffff;
	v23 =	vadd.f32 v25, v23;
	v25 =	vunpack.i.u.bf16.f32 v22  }
0x2aa: {  	v16 =	vunpack.i.u.bf16.f32 v16;
	v27 =	vor.u32 v48, v20;
	v1 =	vadd.f32 v25, v1;
	v25 =	vld.idx.msk [tilespmem:v43+s17+$0x0], $0xffff  }
0x2ab: {  	v6 =	vadd.f32 v16, v6;
	v16 =	vunpack.i.l.bf16.f32 v37;
	v29 =	vmul.bf16 v34, v29;
	v34 =	vld.idx.msk [tilespmem:v43+s18+$0x0], $0xffff  }
0x2ac: {  	v5 =	vadd.f32 v16, v5;
	v16 =	vor.u32 v49, v18;
	v8 =	vmul.bf16 v31, v8;
	v31 =	vld.idx.msk [tilespmem:v56+s18+$0x0], $0xffff  }
0x2ad: {  	v28 =	vadd.f32 v55, v28;
	v21 =	vadd.f32 v62, v21;
	v26 =	vmul.bf16 v32, v26;
	v51 =	vld.idx.msk [tilespmem:v30+s17+$0x0], $0xffff  }
0x2ae: {  	v4 =	vadd.f32 v42, v4;
	v48 =	vunpack.i.u.bf16.f32 v37;
	v22 =	vunpack.i.l.bf16.f32 v22;
	v30 =	vld.idx.msk [tilespmem:v30+s18+$0x0], $0xffff  }
0x2af: {  	v12 =	vadd.f32 v48, v12;
	v22 =	vadd.f32 v22, v24;
	v40 =	vld.idx.msk [tilespmem:v27+s17+$0x0], $0xffff;
	v14 =	vmul.bf16 v36, v14  }
0x2b0: {  	v24 =	vor.u32 v44, v20;
	v27 =	vld.idx.msk [tilespmem:v27+s18+$0x0], $0xffff;
	v52 =	vunpack.i.u.bf16.f32 v8;
	v8 =	vunpack.i.l.bf16.f32 v8  }
0x2b1: {  	v55 =	vld.idx.msk [tilespmem:v16+s17+$0x0], $0xffff;
	v8 =	vadd.f32 v8, v28;
	v28 =	vunpack.i.l.bf16.f32 v14;
	v14 =	vunpack.i.u.bf16.f32 v14  }
0x2b2: {  	v16 =	vld.idx.msk [tilespmem:v16+s18+$0x0], $0xffff;
	v13 =	vadd.f32 v28, v13;
	v15 =	vmul.bf16 v31, v15;
	v31 =	vor.u32 v49, v17  }
0x2b3: {  	v28 =	vunpack.i.l.bf16.f32 v26;
	v11 =	vadd.f32 v14, v11;
	v14 =	vunpack.i.u.bf16.f32 v26;
	v26 =	vld.idx.msk [tilespmem:v41+s17+$0x0], $0xffff  }
0x2b4: {  	v7 =	vadd.f32 v50, v7;
	v20 =	vor.u32 v46, v20;
	v21 =	vadd.f32 v28, v21;
	v28 =	vld.idx.msk [tilespmem:v41+s18+$0x0], $0xffff  }
0x2b5: {  	v59 =	vld.idx.msk [tilespmem:v24+s17+$0x0], $0xffff;
	v9 =	vadd.f32 v14, v9;
	v14 =	vunpack.i.l.bf16.f32 v29;
	v29 =	vunpack.i.u.bf16.f32 v29  }
0x2b6: {  	v24 =	vld.idx.msk [tilespmem:v24+s18+$0x0], $0xffff;
	v27 =	vmul.bf16 v27, v40;
	v29 =	vadd.f32 v29, v2;
	v2 =	vor.u32 v44, v19  }
0x2b7: {  	v33 =	vmul.bf16 v33, v47;
	v25 =	vmul.bf16 v34, v25;
	v3 =	vadd.f32 v14, v3;
	v14 =	vld.idx.msk [tilespmem:v31+s17+$0x0], $0xffff  }
0x2b8: {  	v19 =	vor.u32 v46, v19;
	v56 =	vunpack.i.u.bf16.f32 v27;
	v27 =	vunpack.i.l.bf16.f32 v27;
	v31 =	vld.idx.msk [tilespmem:v31+s18+$0x0], $0xffff  }
0x2b9: {  	v4 =	vadd.f32 v27, v4;
	v27 =	vunpack.i.u.bf16.f32 v15;
	v26 =	vmul.bf16 v28, v26;
	v28 =	vld.idx.msk [tilespmem:v20+s17+$0x0], $0xffff  }
0x2ba: {  	v15 =	vunpack.i.l.bf16.f32 v15;
	v12 =	vadd.f32 v27, v12;
	v20 =	vld.idx.msk [tilespmem:v20+s18+$0x0], $0xffff;
	v27 =	vunpack.i.u.bf16.f32 v33  }
0x2bb: {  	v16 =	vmul.bf16 v16, v55;
	v5 =	vadd.f32 v15, v5;
	v23 =	vadd.f32 v27, v23;
	v27 =	vld.idx.msk [tilespmem:v2+s17+$0x0], $0xffff  }
0x2bc: {  	v15 =	vor.u32 v44, v18;
	v18 =	vor.u32 v46, v18;
	v62 =	vld.idx.msk [tilespmem:v2+s18+$0x0], $0xffff;
	v2 =	vunpack.i.l.bf16.f32 v25  }
0x2bd: {  	v10 =	vadd.f32 v52, v10;
	v2 =	vadd.f32 v2, v8;
	v8 =	vunpack.i.l.bf16.f32 v16  }
0x2be: {  	v30 =	vmul.bf16 v30, v51;
	v24 =	vmul.bf16 v24, v59;
	v37 =	vadd.f32 v8, v13  }
0x2bf: {  	v63 =	vld.idx.msk [tilespmem:v19+s17+$0x0], $0xffff;
	v13 =	vunpack.i.u.bf16.f32 v26;
	v8 =	vunpack.i.l.bf16.f32 v26;
	v14 =	vmul.bf16 v31, v14  }
0x2c0: {  	v19 =	vld.idx.msk [tilespmem:v19+s18+$0x0], $0xffff;
	v31 =	vunpack.i.l.bf16.f32 v33;
	v20 =	vmul.bf16 v20, v28;
	v28 =	vor.u32 v46, v17  }
0x2c1: {  	v26 =	vld.idx.msk [tilespmem:v18+s17+$0x0], $0xffff;
	v31 =	vadd.f32 v31, v7;
	v7 =	vunpack.i.u.bf16.f32 v30;
	v30 =	vunpack.i.l.bf16.f32 v30  }
0x2c2: {  	v8 =	vadd.f32 v8, v21;
	v21 =	vld.idx.msk [tilespmem:v18+s18+$0x0], $0xffff;
	v30 =	vadd.f32 v30, v22;
	v22 =	vor.u32 v44, v17  }
0x2c3: {  	v1 =	vadd.f32 v7, v1;
	v7 =	vunpack.i.u.bf16.f32 v25;
	v25 =	vld.idx.msk [tilespmem:v15+s17+$0x0], $0xffff  }
0x2c4: {  	v36 =	vadd.f32 v7, v10;
	v10 =	vunpack.i.u.bf16.f32 v16;
	v16 =	vld.idx.msk [tilespmem:v15+s18+$0x0], $0xffff;
	v15 =	vunpack.i.l.bf16.f32 v24  }
0x2c5: {  	v6 =	vadd.f32 v56, v6;
	v15 =	vadd.f32 v15, v4;
	v4 =	vunpack.i.l.bf16.f32 v20  }
0x2c6: {  	v10 =	vadd.f32 v10, v11;
	v11 =	vunpack.i.l.bf16.f32 v14;
	v18 =	vadd.f32 v4, v5;
	v5 =	vld.idx.msk [tilespmem:v28+s17+$0x0], $0xffff  }
0x2c7: {  	v9 =	vadd.f32 v13, v9;
	v27 =	vmul.bf16 v62, v27;
	v11 =	vadd.f32 v11, v3;
	v3 =	vld.idx.msk [tilespmem:v22+s17+$0x0], $0xffff  }
0x2c8: {  	v13 =	vunpack.i.u.bf16.f32 v14;
	v17 =	vunpack.i.u.bf16.f32 v24;
	v14 =	vmul.bf16 v19, v63;
	v19 =	vld.idx.msk [tilespmem:v22+s18+$0x0], $0xffff  }
0x2c9: {  	v13 =	vadd.f32 v13, v29;
	v17 =	vadd.f32 v17, v6;
	v6 =	vmul.bf16 v21, v26;
	v26 =	vld.idx.msk [tilespmem:v28+s18+$0x0], $0xffff  }
0x2ca: {  	v4 =	vunpack.i.u.bf16.f32 v20;
	v20 =	vunpack.i.l.bf16.f32 v27;
	v16 =	vmul.bf16 v16, v25  }
0x2cb: {  	v21 =	vadd.f32 v20, v31;
	v22 =	vadd.f32 v4, v12;
	v4 =	vunpack.i.u.bf16.f32 v27  }
0x2cc: {  	v32 =	vunpack.i.l.bf16.f32 v6;
	v24 =	vadd.f32 v4, v23;
	v28 =	vunpack.i.u.bf16.f32 v16  }
0x2cd: {  	v12 =	vmul.bf16 v19, v3;
	v3 =	vunpack.i.u.bf16.f32 v14;
	v14 =	vunpack.i.l.bf16.f32 v14  }
0x2ce: {  	v4 =	vunpack.i.l.bf16.f32 v16;
	v38 =	vmul.bf16 v26, v5;
	v25 =	vadd.f32 v14, v30  }
0x2cf: {  	s26 =	simm.s32 $0x50;
	s24 =	smov.u32 s22;
	s25 =	simm.s32 $0x0;
	[tilespmem:s22+$0x0] =	vst v0;
	v30 =	vunpack.i.u.bf16.f32 v6;
	v31 =	vunpack.i.u.bf16.f32 v12;
	v34 =	vunpack.i.l.bf16.f32 v12  }
.LBB2_6:
0x2d0: {  	v0 =	vmov s26  }
0x2d1: {  	v16 =	vmov v9;
	v9 =	vld [tilespmem:$0x1FF30];
	v0 =	vshll.u32 v0, $0x4  }
0x2d2: {  	v1 =	vadd.f32 v3, v1;
	v44 =	vor.u32 v45, v0;
	v0 =	vld [tilespmem:$0x1FF10]  }
0x2d3: {  	s30 =	sadd.s32 $0x40, s26  }
0x2d4: {  	s31 =	sadd.s32 $0x30, s26;
	v3 =	vmov s30;
	[tilespmem:$0x1F7D0] =	vst v1;
	v1 =	vadd.f32 v4, v2  }
0x2d5: {  	[tilespmem:$0x1F7C0] =	vst v37;
	s28 =	sadd.s32 $0x10, s26;
	v40 =	vld [tilespmem:$0x1FFE0];
	v4 =	vmov s31;
	v3 =	vshll.u32 v3, $0x4  }
0x2d6: {  	v4 =	vshll.u32 v4, $0x4;
	[tilespmem:$0x1F7F0] =	vst v1;
	v1 =	vmov s28;
	v51 =	vor.u32 v9, v44  }
0x2d7: {  	v1 =	vshll.u32 v1, $0x4;
	v62 =	vor.u32 v57, v44;
	[tilespmem:$0x1F880] =	vst v51;
	v46 =	vor.u32 v0, v4;
	v0 =	vld [tilespmem:$0x1FF20]  }
0x2d8: {  	v39 =	vor.u32 v45, v1;
	v1 =	vlaneseq.u32;
	[tilespmem:$0x1F970] =	vst v62;
	v62 =	vor.u32 v61, v44  }
0x2d9: {  	v37 =	vor.u32 v45, v3;
	v3 =	vor.u32 v1, v44;
	[tilespmem:$0x1F9E0] =	vst v62;
	v4 =	vmov v10;
	v10 =	vld [tilespmem:$0x1FF40]  }
0x2da: {  	v6 =	vor.u32 v40, v37;
	v14 =	vor.u32 v60, v39;
	[tilespmem:$0x1F800] =	vst v3  }
0x2db: {  	v55 =	vor.u32 v57, v39;
	[tilespmem:$0x1F8A0] =	vst v14  }
0x2dc: {  	[tilespmem:$0x1F920] =	vst v55;
	v3 =	vor.u32 v0, v44  }
0x2dd: {  	s29 =	sadd.s32 $0x20, s26;
	[tilespmem:$0x1F810] =	vst v3;
	v3 =	vor.u32 v9, v39  }
0x2de: {  	v2 =	vmov s29;
	[tilespmem:$0x1F820] =	vst v3;
	v3 =	vor.u32 v10, v39  }
0x2df: {  	v2 =	vshll.u32 v2, $0x4;
	v59 =	vor.u32 v61, v39;
	[tilespmem:$0x1F830] =	vst v3;
	v3 =	vld.idx.msk [tilespmem:v6+s17+$0x0], $0xffff  }
0x2e0: {  	v45 =	vor.u32 v45, v2;
	v51 =	vmov v58;
	[tilespmem:$0x1F980] =	vst v59;
	v63 =	vor.u32 v57, v46  }
0x2e1: {  	[tilespmem:$0x1F950] =	vst v63;
	v63 =	vor.u32 v51, v45  }
0x2e2: {  	v20 =	vmov v36;
	v36 =	vld [tilespmem:$0x1FFF0];
	[tilespmem:$0x1F990] =	vst v63;
	v63 =	vor.u32 v61, v46  }
0x2e3: {  	[tilespmem:$0x1F9C0] =	vst v63  }
0x2e4: {  	[tilespmem:$0x1F7E0] =	vst v3;
	v3 =	vor.u32 v9, v45  }
0x2e5: {  	v63 =	vld [tilespmem:$0x1FF80];
	v41 =	vor.u32 v10, v46;
	[tilespmem:$0x1F840] =	vst v3;
	v3 =	vor.u32 v10, v45  }
0x2e6: {  	v62 =	vor.u32 v53, v39;
	[tilespmem:$0x1F870] =	vst v41;
	v41 =	vld [tilespmem:$0x1FF00]  }
0x2e7: {  	v7 =	vld [tilespmem:$0x1FFD0];
	v2 =	vor.u32 v36, v37;
	[tilespmem:$0x1FA00] =	vst v62  }
0x2e8: {  	v50 =	vor.u32 v9, v46;
	[tilespmem:$0x1F850] =	vst v3;
	v3 =	vmov v8;
	v8 =	vld [tilespmem:$0x1FF60]  }
0x2e9: {  	v43 =	vld [tilespmem:$0x1FFC0];
	[tilespmem:$0x1F860] =	vst v50;
	v19 =	vor.u32 v10, v44  }
0x2ea: {  	[tilespmem:$0x1F890] =	vst v19;
	v62 =	vor.u32 v63, v37;
	v63 =	vor.u32 v53, v45  }
0x2eb: {  	[tilespmem:$0x1FA20] =	vst v63;
	v52 =	vor.u32 v41, v45  }
0x2ec: {  	v29 =	vld.idx.msk [tilespmem:v2+s17+$0x0], $0xffff;
	v56 =	vor.u32 v41, v46;
	[tilespmem:$0x1F930] =	vst v52  }
0x2ed: {  	v49 =	vor.u32 v7, v37;
	v26 =	vld.idx.msk [tilespmem:v2+s18+$0x0], $0xffff;
	[tilespmem:$0x1F940] =	vst v56;
	v2 =	vor.u32 v8, v39  }
0x2ee: {  	v48 =	vor.u32 v43, v37;
	v14 =	vor.u32 v8, v44;
	[tilespmem:$0x1F8B0] =	vst v2  }
0x2ef: {  	v2 =	vor.u32 v60, v45;
	[tilespmem:$0x1F900] =	vst v14  }
0x2f0: {  	v33 =	vor.u32 v1, v39;
	v14 =	vor.u32 v41, v39;
	[tilespmem:$0x1F8C0] =	vst v2  }
0x2f1: {  	v15 =	vadd.f32 v15, v17;
	v47 =	vor.u32 v54, v37;
	v2 =	vor.u32 v8, v45;
	[tilespmem:$0x1F910] =	vst v14  }
0x2f2: {  	v17 =	vadd.f32 v18, v22;
	v55 =	vld.idx.msk [tilespmem:v49+s18+$0x0], $0xffff;
	[tilespmem:$0x1F8D0] =	vst v2;
	v2 =	vor.u32 v60, v46  }
0x2f3: {  	v50 =	vor.u32 v53, v37;
	v19 =	vld.idx.msk [tilespmem:v48+s17+$0x0], $0xffff;
	[tilespmem:$0x1F8E0] =	vst v2;
	v2 =	vor.u32 v8, v46  }
0x2f4: {  	v42 =	vmov v60;
	[tilespmem:$0x1F8F0] =	vst v2;
	v2 =	vld.idx.msk [tilespmem:v48+s18+$0x0], $0xffff;
	v48 =	vor.u32 v60, v44;
	v60 =	vor.u32 v41, v44  }
0x2f5: {  	v15 =	vadd.f32 v17, v15;
	v17 =	vld.idx.msk [tilespmem:v33+s18+$0x0], $0xffff;
	[tilespmem:$0x1F960] =	vst v60;
	v60 =	vor.u32 v61, v45  }
0x2f6: {  	v52 =	vor.u32 v58, v37;
	v56 =	vld.idx.msk [tilespmem:v47+s17+$0x0], $0xffff;
	[tilespmem:$0x1F9A0] =	vst v60;
	v60 =	vor.u32 v51, v46  }
0x2f7: {  	v58 =	vld.idx.msk [tilespmem:v47+s18+$0x0], $0xffff;
	v47 =	vor.u32 v51, v39;
	v51 =	vor.u32 v51, v44;
	[tilespmem:$0x1F9B0] =	vst v60  }
0x2f8: {  	v59 =	vld.idx.msk [tilespmem:v50+s17+$0x0], $0xffff;
	[tilespmem:$0x1F9D0] =	vst v51;
	v51 =	vor.u32 v54, v39  }
0x2f9: {  	v14 =	vld.idx.msk [tilespmem:v49+s17+$0x0], $0xffff;
	[tilespmem:$0x1F9F0] =	vst v51;
	v51 =	vor.u32 v54, v45  }
0x2fa: {  	v49 =	vor.u32 v57, v45;
	v57 =	vor.u32 v61, v37;
	[tilespmem:$0x1FA10] =	vst v51;
	v51 =	vor.u32 v54, v46  }
0x2fb: {  	v50 =	vld.idx.msk [tilespmem:v50+s18+$0x0], $0xffff;
	v54 =	vor.u32 v54, v44;
	[tilespmem:$0x1FA30] =	vst v51  }
0x2fc: {  	v6 =	vld.idx.msk [tilespmem:v6+s18+$0x0], $0xffff;
	[tilespmem:$0x1FA50] =	vst v54;
	v51 =	vor.u32 v53, v46  }
0x2fd: {  	v61 =	vld.idx.msk [tilespmem:v52+s17+$0x0], $0xffff;
	v60 =	vor.u32 v41, v37;
	v53 =	vor.u32 v53, v44;
	[tilespmem:$0x1FA40] =	vst v51  }
0x2fe: {  	v52 =	vld.idx.msk [tilespmem:v52+s18+$0x0], $0xffff;
	[tilespmem:$0x1FA60] =	vst v53;
	v51 =	vor.u32 v43, v39  }
0x2ff: {  	v63 =	vld.idx.msk [tilespmem:v57+s17+$0x0], $0xffff;
	v41 =	vor.u32 v1, v37;
	v53 =	vor.u32 v7, v39;
	[tilespmem:$0x1FA70] =	vst v51  }
0x300: {  	v21 =	vadd.f32 v21, v24;
	v57 =	vld.idx.msk [tilespmem:v57+s18+$0x0], $0xffff;
	[tilespmem:$0x1FA80] =	vst v53;
	v51 =	vor.u32 v43, v45  }
0x301: {  	v12 =	vor.u32 v1, v45;
	v27 =	vor.u32 v1, v46;
	v1 =	vld [tilespmem:$0x1F7C0];
	[tilespmem:$0x1FA90] =	vst v51;
	v51 =	vor.u32 v7, v45  }
0x302: {  	v53 =	vld.idx.msk [tilespmem:v60+s17+$0x0], $0xffff;
	[tilespmem:$0x1FAA0] =	vst v51;
	v51 =	vor.u32 v8, v37;
	v8 =	vor.u32 v43, v44  }
0x303: {  	v54 =	vor.u32 v42, v37;
	v60 =	vld.idx.msk [tilespmem:v60+s18+$0x0], $0xffff;
	[tilespmem:$0x1FAD0] =	vst v8;
	v8 =	vor.u32 v43, v46  }
0x304: {  	v18 =	vld.idx.msk [tilespmem:v41+s17+$0x0], $0xffff;
	[tilespmem:$0x1FAB0] =	vst v8;
	v8 =	vor.u32 v7, v46;
	v7 =	vor.u32 v7, v44  }
0x305: {  	v5 =	vor.u32 v0, v39;
	v24 =	vld.idx.msk [tilespmem:v41+s18+$0x0], $0xffff;
	[tilespmem:$0x1FAE0] =	vst v7;
	v7 =	vor.u32 v40, v39  }
0x306: {  	v23 =	vor.u32 v0, v45;
	v43 =	vld.idx.msk [tilespmem:v62+s17+$0x0], $0xffff;
	[tilespmem:$0x1FAF0] =	vst v7;
	v7 =	vor.u32 v36, v39  }
0x307: {  	v35 =	vor.u32 v0, v46;
	v62 =	vld.idx.msk [tilespmem:v62+s18+$0x0], $0xffff;
	[tilespmem:$0x1FB00] =	vst v7;
	v7 =	vor.u32 v40, v45  }
0x308: {  	v42 =	vor.u32 v9, v37;
	v39 =	vld.idx.msk [tilespmem:v54+s17+$0x0], $0xffff;
	[tilespmem:$0x1FB10] =	vst v7;
	v7 =	vor.u32 v36, v45  }
0x309: {  	v45 =	vor.u32 v10, v37;
	v10 =	vadd.f32 v30, v4;
	v30 =	vor.u32 v0, v37;
	v0 =	vld [tilespmem:$0x1F7D0]  }
0x30a: {  	v4 =	vmul.bf16 v26, v29;
	v26 =	vld [tilespmem:$0x1F810]  }
0x30b: {  	v29 =	vld [tilespmem:$0x1F830];
	[tilespmem:$0x1FB20] =	vst v7;
	v7 =	vor.u32 v40, v46  }
0x30c: {  	[tilespmem:$0x1FB30] =	vst v7;
	v7 =	vor.u32 v36, v46;
	v46 =	vld.idx.msk [tilespmem:v54+s18+$0x0], $0xffff  }
0x30d: {  	[tilespmem:$0x1FB40] =	vst v7;
	v7 =	vor.u32 v40, v44;
	v40 =	vld.idx.msk [tilespmem:v42+s17+$0x0], $0xffff  }
0x30e: {  	v42 =	vld.idx.msk [tilespmem:v42+s18+$0x0], $0xffff  }
0x30f: {  	[tilespmem:$0x1FB50] =	vst v7;
	v7 =	vor.u32 v36, v44;
	v44 =	vld.idx.msk [tilespmem:v51+s17+$0x0], $0xffff  }
0x310: {  	v51 =	vld.idx.msk [tilespmem:v51+s18+$0x0], $0xffff  }
0x311: {  	v9 =	vadd.f32 v31, v16;
	[tilespmem:$0x1FAC0] =	vst v8;
	v8 =	vadd.f32 v34, v3;
	v31 =	vld.idx.msk [tilespmem:v45+s17+$0x0], $0xffff  }
0x312: {  	v45 =	vld.idx.msk [tilespmem:v45+s18+$0x0], $0xffff  }
0x313: {  	v3 =	vadd.f32 v8, v9;
	v22 =	vadd.f32 v25, v0;
	v0 =	vld [tilespmem:$0x1F7E0]  }
0x314: {  	v54 =	vunpack.i.u.bf16.f32 v38;
	v38 =	vunpack.i.l.bf16.f32 v38;
	[tilespmem:$0x1FB60] =	vst v7;
	v7 =	vadd.f32 v32, v1;
	v8 =	vld.idx.msk [tilespmem:v30+s18+$0x0], $0xffff  }
0x315: {  	v11 =	vadd.f32 v38, v11;
	v13 =	vadd.f32 v54, v13;
	v1 =	vmul.bf16 v2, v19;
	v2 =	vld.idx.msk [tilespmem:v33+s17+$0x0], $0xffff  }
0x316: {  	v7 =	vadd.f32 v7, v10;
	v10 =	vld.idx.msk [tilespmem:v30+s17+$0x0], $0xffff  }
0x317: {  	v11 =	vadd.f32 v11, v13;
	v21 =	vadd.f32 v22, v21;
	v22 =	vld.idx.msk [tilespmem:v5+s17+$0x0], $0xffff  }
0x318: {  	v5 =	vld.idx.msk [tilespmem:v5+s18+$0x0], $0xffff  }
0x319: {  	v46 =	vmul.bf16 v46, v39;
	v3 =	vadd.f32 v11, v3;
	v11 =	vld.idx.msk [tilespmem:v12+s17+$0x0], $0xffff  }
0x31a: {  	v32 =	vmul.bf16 v51, v44;
	v44 =	vld [tilespmem:$0x1F8B0]  }
0x31b: {  	v25 =	vmul.bf16 v50, v59;
	v50 =	vunpack.i.u.bf16.f32 v46;
	v33 =	vunpack.i.l.bf16.f32 v46;
	v46 =	vld [tilespmem:$0x1F8C0]  }
0x31c: {  	[tilespmem:s24+$0xFFFFFFC0] =	vst v3;
	v6 =	vmul.bf16 v6, v0;
	v0 =	vld [tilespmem:$0x1F7F0]  }
0x31d: {  	v37 =	vmul.bf16 v62, v43;
	v62 =	vld.idx.msk [tilespmem:v26+s17+$0x0], $0xffff  }
0x31e: {  	v26 =	vld.idx.msk [tilespmem:v26+s18+$0x0], $0xffff  }
0x31f: {  	v28 =	vadd.f32 v28, v20;
	v2 =	vmul.bf16 v17, v2;
	v17 =	vld [tilespmem:$0x1F890]  }
0x320: {  	v38 =	vld.idx.msk [tilespmem:v48+s17+$0x0], $0xffff  }
0x321: {  	v20 =	vadd.f32 v0, v28;
	v0 =	vld.idx.msk [tilespmem:v12+s18+$0x0], $0xffff;
	[tilespmem:s24+$0xFFFFFFE0] =	vst v21  }
0x322: {  	v16 =	vmul.bf16 v55, v14;
	[tilespmem:s24+$0xFFFFFFD0] =	vst v15;
	v8 =	vmul.bf16 v8, v10;
	v15 =	vld.idx.msk [tilespmem:v23+s17+$0x0], $0xffff  }
0x323: {  	v18 =	vmul.bf16 v24, v18;
	v7 =	vadd.f32 v7, v20;
	v20 =	vmul.bf16 v42, v40;
	v40 =	vld.idx.msk [tilespmem:v48+s18+$0x0], $0xffff  }
0x324: {  	v24 =	vmul.bf16 v45, v31;
	v55 =	vunpack.i.u.bf16.f32 v8;
	v8 =	vunpack.i.l.bf16.f32 v8;
	v48 =	vld [tilespmem:$0x1F970]  }
0x325: {  	v8 =	vadd.f32 $0.0e+00, v8;
	v42 =	vadd.f32 $0.0e+00, v55;
	[tilespmem:s24+$0xFFFFFFF0] =	vst v7;
	v7 =	vld.idx.msk [tilespmem:v23+s18+$0x0], $0xffff  }
0x326: {  	v59 =	vunpack.i.u.bf16.f32 v24;
	v24 =	vunpack.i.l.bf16.f32 v24;
	v23 =	vld [tilespmem:$0x1F800]  }
0x327: {  	v8 =	vadd.f32 v24, v8;
	v24 =	vadd.f32 v59, v42;
	v42 =	vld.idx.msk [tilespmem:v29+s17+$0x0], $0xffff  }
0x328: {  	v29 =	vld.idx.msk [tilespmem:v29+s18+$0x0], $0xffff  }
0x329: {  	v3 =	vld.idx.msk [tilespmem:v27+s17+$0x0], $0xffff  }
0x32a: {  	v54 =	vunpack.i.u.bf16.f32 v18;
	v18 =	vunpack.i.l.bf16.f32 v18;
	v14 =	vld.idx.msk [tilespmem:v27+s18+$0x0], $0xffff  }
0x32b: {  	v9 =	vmul.bf16 v58, v56;
	v18 =	vadd.f32 $0.0e+00, v18;
	v28 =	vmul.bf16 v60, v53;
	v53 =	vld.idx.msk [tilespmem:v35+s17+$0x0], $0xffff  }
0x32c: {  	v41 =	vadd.f32 $0.0e+00, v54;
	v13 =	vmul.bf16 v52, v61;
	v30 =	vmul.bf16 v57, v63;
	v19 =	vld.idx.msk [tilespmem:v35+s18+$0x0], $0xffff  }
0x32d: {  	v31 =	vunpack.i.u.bf16.f32 v1;
	v1 =	vunpack.i.l.bf16.f32 v1;
	v63 =	vunpack.i.u.bf16.f32 v32;
	v27 =	vld [tilespmem:$0x1F820]  }
0x32e: {  	v32 =	vunpack.i.l.bf16.f32 v32;
	v52 =	vunpack.i.u.bf16.f32 v20;
	v20 =	vunpack.i.l.bf16.f32 v20;
	v35 =	vld.idx.msk [tilespmem:v44+s18+$0x0], $0xffff  }
0x32f: {  	v21 =	vunpack.i.u.bf16.f32 v9;
	v18 =	vadd.f32 v20, v18;
	v20 =	vadd.f32 v52, v41;
	v52 =	vld [tilespmem:$0x1F8F0]  }
0x330: {  	v12 =	vunpack.i.u.bf16.f32 v13;
	v51 =	vunpack.i.u.bf16.f32 v28;
	v24 =	vadd.f32 v63, v24;
	v63 =	vld [tilespmem:$0x1F920]  }
0x331: {  	v8 =	vadd.f32 v32, v8;
	v41 =	vunpack.i.u.bf16.f32 v37;
	v18 =	vadd.f32 v33, v18;
	v33 =	vld.idx.msk [tilespmem:v46+s17+$0x0], $0xffff  }
0x332: {  	v28 =	vunpack.i.l.bf16.f32 v28;
	v20 =	vadd.f32 v50, v20;
	v50 =	vld [tilespmem:$0x1F8D0];
	v24 =	vadd.f32 v41, v24  }
0x333: {  	v18 =	vadd.f32 v28, v18;
	v28 =	vunpack.i.l.bf16.f32 v37;
	v7 =	vmul.bf16 v7, v15;
	v15 =	vld.idx.msk [tilespmem:v17+s17+$0x0], $0xffff  }
0x334: {  	v13 =	vunpack.i.l.bf16.f32 v13;
	v20 =	vadd.f32 v51, v20;
	v51 =	vld [tilespmem:$0x1F8E0];
	v8 =	vadd.f32 v28, v8  }
0x335: {  	v28 =	vunpack.i.u.bf16.f32 v30;
	v3 =	vmul.bf16 v14, v3;
	v14 =	vmul.bf16 v26, v62;
	v62 =	vld [tilespmem:$0x1F910]  }
0x336: {  	v13 =	vadd.f32 v13, v18;
	v12 =	vadd.f32 v12, v20;
	v18 =	vunpack.i.l.bf16.f32 v30;
	v30 =	vld [tilespmem:$0x1F840]  }
0x337: {  	v9 =	vunpack.i.l.bf16.f32 v9;
	v56 =	vld.idx.msk [tilespmem:v23+s17+$0x0], $0xffff;
	v8 =	vadd.f32 v18, v8;
	v18 =	vadd.f32 v28, v24  }
0x338: {  	v24 =	vunpack.i.u.bf16.f32 v25;
	v9 =	vadd.f32 v9, v13;
	v13 =	vunpack.i.l.bf16.f32 v25;
	v25 =	vld [tilespmem:$0x1F850]  }
0x339: {  	v10 =	vunpack.i.u.bf16.f32 v6;
	v6 =	vunpack.i.l.bf16.f32 v6;
	v23 =	vld.idx.msk [tilespmem:v23+s18+$0x0], $0xffff;
	v12 =	vadd.f32 v21, v12  }
0x33a: {  	v36 =	vld.idx.msk [tilespmem:v27+s17+$0x0], $0xffff;
	v8 =	vadd.f32 v13, v8;
	v13 =	vadd.f32 v24, v18;
	v18 =	vunpack.i.u.bf16.f32 v16  }
0x33b: {  	v27 =	vld.idx.msk [tilespmem:v27+s18+$0x0], $0xffff;
	v1 =	vadd.f32 v1, v9;
	v9 =	vadd.f32 v31, v12;
	v12 =	vunpack.i.l.bf16.f32 v16  }
0x33c: {  	v37 =	vld.idx.msk [tilespmem:v52+s18+$0x0], $0xffff;
	v8 =	vadd.f32 v12, v8;
	v12 =	vadd.f32 v18, v13;
	v13 =	vunpack.i.u.bf16.f32 v4  }
0x33d: {  	v4 =	vunpack.i.l.bf16.f32 v4;
	v1 =	vadd.f32 v6, v1;
	v6 =	vadd.f32 v10, v9;
	v10 =	vld [tilespmem:$0x1F870]  }
0x33e: {  	v4 =	vadd.f32 v4, v8;
	v8 =	vadd.f32 v13, v12;
	v12 =	vld [tilespmem:$0x1F880]  }
0x33f: {  	v20 =	vld.idx.msk [tilespmem:v30+s17+$0x0], $0xffff  }
0x340: {  	v21 =	vld.idx.msk [tilespmem:v25+s17+$0x0], $0xffff  }
0x341: {  	v24 =	vld.idx.msk [tilespmem:v25+s18+$0x0], $0xffff  }
0x342: {  	v25 =	vld [tilespmem:$0x1F860]  }
0x343: {  	v28 =	vld.idx.msk [tilespmem:v30+s18+$0x0], $0xffff  }
0x344: {  	v27 =	vmul.bf16 v27, v36;
	v36 =	vld.idx.msk [tilespmem:v52+s17+$0x0], $0xffff  }
0x345: {  	v52 =	vld [tilespmem:$0x1F950];
	v1 =	vadd.f32 v1, v6;
	v4 =	vadd.f32 v4, v8  }
0x346: {  	v30 =	vld.idx.msk [tilespmem:v44+s17+$0x0], $0xffff  }
0x347: {  	v1 =	vadd.f32 v4, v1;
	v4 =	vld.idx.msk [tilespmem:v17+s18+$0x0], $0xffff  }
0x348: {  	v20 =	vmul.bf16 v28, v20;
	v28 =	vld.idx.msk [tilespmem:v50+s17+$0x0], $0xffff  }
0x349: {  	v9 =	vld.idx.msk [tilespmem:v10+s17+$0x0], $0xffff  }
0x34a: {  	v16 =	vld.idx.msk [tilespmem:v25+s17+$0x0], $0xffff  }
0x34b: {  	v18 =	vld.idx.msk [tilespmem:v25+s18+$0x0], $0xffff  }
0x34c: {  	v25 =	vld [tilespmem:$0x1F8A0]  }
0x34d: {  	v0 =	vmul.bf16 v0, v11;
	v10 =	vld.idx.msk [tilespmem:v10+s18+$0x0], $0xffff  }
0x34e: {  	v11 =	vld.idx.msk [tilespmem:v12+s17+$0x0], $0xffff  }
0x34f: {  	v5 =	vmul.bf16 v5, v22;
	v22 =	vunpack.i.u.bf16.f32 v0;
	v0 =	vunpack.i.l.bf16.f32 v0;
	v6 =	vld.idx.msk [tilespmem:v12+s18+$0x0], $0xffff  }
0x350: {  	v0 =	vadd.f32 $0.0e+00, v0;
	v8 =	vunpack.i.u.bf16.f32 v2;
	v21 =	vmul.bf16 v24, v21;
	v24 =	vld.idx.msk [tilespmem:v46+s18+$0x0], $0xffff  }
0x351: {  	v29 =	vmul.bf16 v29, v42;
	v8 =	vadd.f32 $0.0e+00, v8;
	v12 =	vmul.bf16 v19, v53;
	v53 =	vld [tilespmem:$0x1F900]  }
0x352: {  	v13 =	vmul.bf16 v23, v56;
	v46 =	vld.idx.msk [tilespmem:v48+s18+$0x0], $0xffff;
	v4 =	vmul.bf16 v4, v15;
	v15 =	vunpack.i.u.bf16.f32 v27  }
0x353: {  	v23 =	vunpack.i.u.bf16.f32 v7;
	v7 =	vunpack.i.l.bf16.f32 v7;
	v8 =	vadd.f32 v15, v8;
	v15 =	vld.idx.msk [tilespmem:v63+s18+$0x0], $0xffff  }
0x354: {  	s24 =	sadd.s32 $0x50, s24;
	v34 =	vunpack.i.u.bf16.f32 v29;
	v7 =	vadd.f32 $0.0e+00, v7;
	v23 =	vadd.f32 $0.0e+00, v23;
	v19 =	vld.idx.msk [tilespmem:v25+s17+$0x0], $0xffff  }
0x355: {  	v17 =	vunpack.i.u.bf16.f32 v5;
	[tilespmem:s24+$0x0] =	vst v1;
	v42 =	vunpack.i.u.bf16.f32 v21;
	v21 =	vunpack.i.l.bf16.f32 v21;
	v1 =	vld.idx.msk [tilespmem:v25+s18+$0x0], $0xffff  }
0x356: {  	v7 =	vadd.f32 v21, v7;
	v21 =	vadd.f32 v42, v23;
	v23 =	vld.idx.msk [tilespmem:v49+s17+$0x0], $0xffff;
	v9 =	vmul.bf16 v10, v9  }
0x357: {  	v10 =	vadd.f32 $0.0e+00, v17;
	v17 =	vadd.f32 $0.0e+00, v22;
	v22 =	vunpack.i.l.bf16.f32 v27;
	v27 =	vld.idx.msk [tilespmem:v51+s18+$0x0], $0xffff  }
0x358: {  	v29 =	vunpack.i.l.bf16.f32 v29;
	v2 =	vunpack.i.l.bf16.f32 v2;
	v6 =	vmul.bf16 v6, v11;
	v11 =	vld.idx.msk [tilespmem:v50+s18+$0x0], $0xffff  }
0x359: {  	v2 =	vadd.f32 $0.0e+00, v2;
	v5 =	vunpack.i.l.bf16.f32 v5;
	v31 =	vunpack.i.u.bf16.f32 v12;
	v50 =	vld.idx.msk [tilespmem:v62+s17+$0x0], $0xffff  }
0x35a: {  	v12 =	vunpack.i.l.bf16.f32 v12;
	v1 =	vmul.bf16 v1, v19;
	v19 =	vmul.bf16 v35, v30;
	v35 =	vld.idx.msk [tilespmem:v49+s18+$0x0], $0xffff  }
0x35b: {  	v26 =	vunpack.i.u.bf16.f32 v13;
	v5 =	vadd.f32 $0.0e+00, v5;
	v12 =	vadd.f32 $0.0e+00, v12;
	v49 =	vld [tilespmem:$0x1F940]  }
0x35c: {  	v31 =	vadd.f32 $0.0e+00, v31;
	v2 =	vadd.f32 v22, v2;
	v22 =	vld.idx.msk [tilespmem:v63+s17+$0x0], $0xffff;
	v55 =	vunpack.i.u.bf16.f32 v9  }
0x35d: {  	v9 =	vunpack.i.l.bf16.f32 v9;
	v11 =	vmul.bf16 v11, v28;
	v28 =	vmul.bf16 v40, v38;
	v40 =	vld [tilespmem:$0x1F930]  }
0x35e: {  	v13 =	vunpack.i.l.bf16.f32 v13;
	v9 =	vadd.f32 v9, v12;
	v12 =	vadd.f32 v55, v31;
	v55 =	vld [tilespmem:$0x1F960]  }
0x35f: {  	v13 =	vadd.f32 $0.0e+00, v13;
	v26 =	vadd.f32 $0.0e+00, v26;
	v16 =	vmul.bf16 v18, v16;
	v18 =	vld.idx.msk [tilespmem:v51+s17+$0x0], $0xffff  }
0x360: {  	v5 =	vadd.f32 v29, v5;
	v39 =	vunpack.i.u.bf16.f32 v20;
	v20 =	vunpack.i.l.bf16.f32 v20;
	v41 =	vld.idx.msk [tilespmem:v53+s17+$0x0], $0xffff  }
0x361: {  	v0 =	vadd.f32 v20, v0;
	v24 =	vmul.bf16 v24, v33;
	v10 =	vadd.f32 v34, v10;
	v44 =	vld.idx.msk [tilespmem:v53+s18+$0x0], $0xffff  }
0x362: {  	v17 =	vadd.f32 v39, v17;
	v56 =	vunpack.i.u.bf16.f32 v6;
	v6 =	vunpack.i.l.bf16.f32 v6;
	v53 =	vld.idx.msk [tilespmem:v52+s17+$0x0], $0xffff  }
0x363: {  	v6 =	vadd.f32 v6, v13;
	v25 =	vunpack.i.u.bf16.f32 v3;
	v3 =	vunpack.i.l.bf16.f32 v3;
	v31 =	vld.idx.msk [tilespmem:v49+s17+$0x0], $0xffff  }
0x364: {  	v13 =	vadd.f32 v56, v26;
	v51 =	vunpack.i.u.bf16.f32 v24;
	v3 =	vadd.f32 $0.0e+00, v3;
	v26 =	vld.idx.msk [tilespmem:v49+s18+$0x0], $0xffff  }
0x365: {  	v54 =	vunpack.i.u.bf16.f32 v16;
	v16 =	vunpack.i.l.bf16.f32 v16;
	v25 =	vadd.f32 $0.0e+00, v25;
	v29 =	vld.idx.msk [tilespmem:v40+s17+$0x0], $0xffff  }
0x366: {  	v17 =	vadd.f32 v51, v17;
	v3 =	vadd.f32 v16, v3;
	v20 =	vld.idx.msk [tilespmem:v40+s18+$0x0], $0xffff  }
0x367: {  	v51 =	vld [tilespmem:$0x1F990];
	v16 =	vadd.f32 v54, v25;
	v34 =	vunpack.i.u.bf16.f32 v1;
	v1 =	vunpack.i.l.bf16.f32 v1  }
0x368: {  	v30 =	vld.idx.msk [tilespmem:v62+s18+$0x0], $0xffff;
	v25 =	vunpack.i.u.bf16.f32 v19;
	v1 =	vadd.f32 v1, v2;
	v2 =	vmul.bf16 v15, v22  }
0x369: {  	v19 =	vunpack.i.l.bf16.f32 v19;
	v22 =	vmul.bf16 v35, v23;
	v23 =	vmul.bf16 v26, v31;
	v31 =	vld [tilespmem:$0x1F980]  }
0x36a: {  	v45 =	vunpack.i.u.bf16.f32 v14;
	v14 =	vunpack.i.l.bf16.f32 v14;
	v5 =	vadd.f32 v19, v5;
	v19 =	vld.idx.msk [tilespmem:v47+s18+$0x0], $0xffff  }
0x36b: {  	v14 =	vadd.f32 $0.0e+00, v14;
	v15 =	vmul.bf16 v20, v29;
	v20 =	vld.idx.msk [tilespmem:v47+s17+$0x0], $0xffff  }
0x36c: {  	v59 =	vunpack.i.u.bf16.f32 v4;
	v4 =	vunpack.i.l.bf16.f32 v4;
	v47 =	vld [tilespmem:$0x1F9B0]  }
0x36d: {  	v32 =	vadd.f32 $0.0e+00, v45;
	v4 =	vadd.f32 v4, v14;
	v38 =	vld.idx.msk [tilespmem:v52+s18+$0x0], $0xffff  }
0x36e: {  	v52 =	vld [tilespmem:$0x1F9A0];
	v54 =	vunpack.i.u.bf16.f32 v11;
	v11 =	vunpack.i.l.bf16.f32 v11;
	v30 =	vmul.bf16 v30, v50  }
0x36f: {  	v14 =	vadd.f32 v59, v32;
	v7 =	vadd.f32 v11, v7;
	v32 =	vld.idx.msk [tilespmem:v51+s18+$0x0], $0xffff  }
0x370: {  	v11 =	vadd.f32 v54, v21;
	v21 =	vunpack.i.l.bf16.f32 v30;
	v26 =	vunpack.i.u.bf16.f32 v30;
	v30 =	vld.idx.msk [tilespmem:v51+s17+$0x0], $0xffff  }
0x371: {  	v29 =	vld.idx.msk [tilespmem:v31+s17+$0x0], $0xffff  }
0x372: {  	v31 =	vld.idx.msk [tilespmem:v31+s18+$0x0], $0xffff  }
0x373: {  	v8 =	vadd.f32 v34, v8;
	v49 =	vld.idx.msk [tilespmem:v48+s17+$0x0], $0xffff  }
0x374: {  	v48 =	vld.idx.msk [tilespmem:v47+s17+$0x0], $0xffff  }
0x375: {  	v18 =	vmul.bf16 v27, v18;
	v8 =	vadd.f32 v26, v8;
	v26 =	vmul.bf16 v32, v30;
	v30 =	vld [tilespmem:$0x1F9E0]  }
0x376: {  	v33 =	vmul.bf16 v44, v41;
	v10 =	vadd.f32 v25, v10;
	v25 =	vmul.bf16 v38, v53;
	v38 =	vld.idx.msk [tilespmem:v47+s18+$0x0], $0xffff  }
0x377: {  	v24 =	vunpack.i.l.bf16.f32 v24;
	v19 =	vmul.bf16 v19, v20;
	v20 =	vmul.bf16 v31, v29;
	v31 =	vld [tilespmem:$0x1F9F0]  }
0x378: {  	v0 =	vadd.f32 v24, v0;
	v27 =	vmul.bf16 v37, v36;
	v41 =	vld [tilespmem:$0x1FA80]  }
0x379: {  	v56 =	vld.idx.msk [tilespmem:v55+s17+$0x0], $0xffff;
	v59 =	vunpack.i.u.bf16.f32 v18;
	v18 =	vunpack.i.l.bf16.f32 v18;
	v44 =	vunpack.i.u.bf16.f32 v33  }
0x37a: {  	v43 =	vld.idx.msk [tilespmem:v55+s18+$0x0], $0xffff;
	v62 =	vunpack.i.u.bf16.f32 v27;
	v54 =	vunpack.i.u.bf16.f32 v15;
	v15 =	vunpack.i.l.bf16.f32 v15  }
0x37b: {  	v0 =	vadd.f32 v15, v0;
	v15 =	vadd.f32 v54, v17;
	v17 =	vmul.bf16 v38, v48;
	v48 =	vld [tilespmem:$0x1FA10]  }
0x37c: {  	v55 =	vld [tilespmem:$0x1F9C0];
	v27 =	vunpack.i.l.bf16.f32 v27;
	v3 =	vadd.f32 v18, v3;
	v16 =	vadd.f32 v59, v16  }
0x37d: {  	v9 =	vadd.f32 v27, v9;
	v27 =	vunpack.i.u.bf16.f32 v2;
	v2 =	vunpack.i.l.bf16.f32 v2;
	v29 =	vld.idx.msk [tilespmem:v30+s17+$0x0], $0xffff  }
0x37e: {  	v33 =	vunpack.i.l.bf16.f32 v33;
	v2 =	vadd.f32 v2, v5;
	v5 =	vadd.f32 v27, v10;
	v27 =	vld.idx.msk [tilespmem:v30+s18+$0x0], $0xffff  }
0x37f: {  	v4 =	vadd.f32 v33, v4;
	v35 =	vunpack.i.u.bf16.f32 v22;
	v22 =	vunpack.i.l.bf16.f32 v22;
	v30 =	vld.idx.msk [tilespmem:v31+s17+$0x0], $0xffff  }
0x380: {  	v50 =	vunpack.i.u.bf16.f32 v25;
	v7 =	vadd.f32 v22, v7;
	v22 =	vld.idx.msk [tilespmem:v31+s18+$0x0], $0xffff;
	v31 =	vunpack.i.u.bf16.f32 v20  }
0x381: {  	v25 =	vunpack.i.l.bf16.f32 v25;
	v18 =	vmul.bf16 v46, v49;
	v5 =	vadd.f32 v31, v5;
	v31 =	vld [tilespmem:$0x1FA50]  }
0x382: {  	v63 =	vunpack.i.u.bf16.f32 v28;
	v12 =	vadd.f32 v62, v12;
	v62 =	vld [tilespmem:$0x1F9D0];
	v9 =	vadd.f32 v25, v9  }
0x383: {  	v59 =	vunpack.i.u.bf16.f32 v18;
	v18 =	vunpack.i.l.bf16.f32 v18;
	v25 =	vmul.bf16 v27, v29;
	v29 =	vld.idx.msk [tilespmem:v48+s18+$0x0], $0xffff  }
0x384: {  	v28 =	vunpack.i.l.bf16.f32 v28;
	v4 =	vadd.f32 v18, v4;
	v18 =	vunpack.i.l.bf16.f32 v20;
	v20 =	vld.idx.msk [tilespmem:v48+s17+$0x0], $0xffff  }
0x385: {  	v6 =	vadd.f32 v28, v6;
	v28 =	vld.idx.msk [tilespmem:v52+s17+$0x0], $0xffff  }
0x386: {  	v53 =	vld.idx.msk [tilespmem:v52+s18+$0x0], $0xffff  }
0x387: {  	v12 =	vadd.f32 v50, v12;
	v50 =	vld [tilespmem:$0x1FA20]  }
0x388: {  	v24 =	vmul.bf16 v43, v56;
	v56 =	vld.idx.msk [tilespmem:v55+s17+$0x0], $0xffff;
	v2 =	vadd.f32 v18, v2  }
0x389: {  	v27 =	vunpack.i.u.bf16.f32 v26;
	v26 =	vunpack.i.l.bf16.f32 v26;
	v18 =	vmul.bf16 v29, v20;
	v20 =	vld.idx.msk [tilespmem:v31+s17+$0x0], $0xffff  }
0x38a: {  	v0 =	vadd.f32 v26, v0;
	v26 =	vld.idx.msk [tilespmem:v31+s18+$0x0], $0xffff  }
0x38b: {  	v31 =	vld [tilespmem:$0x1FA60]  }
0x38c: {  	v43 =	vld.idx.msk [tilespmem:v55+s18+$0x0], $0xffff  }
0x38d: {  	v13 =	vadd.f32 v63, v13;
	v63 =	vld.idx.msk [tilespmem:v62+s17+$0x0], $0xffff  }
0x38e: {  	v1 =	vadd.f32 v21, v1;
	v21 =	vld.idx.msk [tilespmem:v62+s18+$0x0], $0xffff  }
0x38f: {  	v28 =	vmul.bf16 v53, v28;
	v62 =	vld [tilespmem:$0x1FA30];
	v10 =	vunpack.i.u.bf16.f32 v19  }
0x390: {  	v46 =	vld [tilespmem:$0x1FA00];
	v19 =	vunpack.i.l.bf16.f32 v19;
	v49 =	vunpack.i.u.bf16.f32 v23;
	v23 =	vunpack.i.l.bf16.f32 v23  }
0x391: {  	v51 =	vld.idx.msk [tilespmem:v50+s17+$0x0], $0xffff;
	v1 =	vadd.f32 v19, v1;
	v3 =	vadd.f32 v23, v3  }
0x392: {  	v19 =	vld [tilespmem:$0x1FA40];
	v16 =	vadd.f32 v49, v16;
	v49 =	vunpack.i.u.bf16.f32 v28;
	v28 =	vunpack.i.l.bf16.f32 v28  }
0x393: {  	v7 =	vadd.f32 v28, v7;
	v52 =	vunpack.i.u.bf16.f32 v17;
	v17 =	vunpack.i.l.bf16.f32 v17;
	v28 =	vld.idx.msk [tilespmem:v31+s17+$0x0], $0xffff  }
0x394: {  	v3 =	vadd.f32 v17, v3;
	v17 =	vld.idx.msk [tilespmem:v31+s18+$0x0], $0xffff  }
0x395: {  	v31 =	vld [tilespmem:$0x1FA70]  }
0x396: {  	v23 =	vmul.bf16 v43, v56;
	v43 =	vld [tilespmem:$0x1FA90]  }
0x397: {  	v14 =	vadd.f32 v44, v14;
	v21 =	vmul.bf16 v21, v63;
	v63 =	vld.idx.msk [tilespmem:v62+s17+$0x0], $0xffff  }
0x398: {  	v39 =	vunpack.i.u.bf16.f32 v24;
	v24 =	vunpack.i.l.bf16.f32 v24;
	v22 =	vmul.bf16 v22, v30;
	v30 =	vld.idx.msk [tilespmem:v62+s18+$0x0], $0xffff  }
0x399: {  	v6 =	vadd.f32 v24, v6;
	v47 =	vld.idx.msk [tilespmem:v46+s17+$0x0], $0xffff  }
0x39a: {  	v11 =	vadd.f32 v35, v11;
	v14 =	vadd.f32 v59, v14;
	v24 =	vld.idx.msk [tilespmem:v46+s18+$0x0], $0xffff  }
0x39b: {  	v8 =	vadd.f32 v10, v8;
	v55 =	vunpack.i.u.bf16.f32 v23;
	v23 =	vunpack.i.l.bf16.f32 v23;
	v10 =	vld.idx.msk [tilespmem:v19+s17+$0x0], $0xffff  }
0x39c: {  	v9 =	vadd.f32 v23, v9;
	v19 =	vld.idx.msk [tilespmem:v19+s18+$0x0], $0xffff;
	v15 =	vadd.f32 v27, v15  }
0x39d: {  	v59 =	vunpack.i.u.bf16.f32 v25;
	v25 =	vunpack.i.l.bf16.f32 v25;
	v23 =	vmul.bf16 v30, v63;
	v30 =	vld.idx.msk [tilespmem:v31+s17+$0x0], $0xffff  }
0x39e: {  	v56 =	vunpack.i.u.bf16.f32 v21;
	v4 =	vadd.f32 v25, v4;
	v25 =	vld.idx.msk [tilespmem:v31+s18+$0x0], $0xffff;
	v31 =	vunpack.i.u.bf16.f32 v18  }
0x39f: {  	v21 =	vunpack.i.l.bf16.f32 v21;
	v24 =	vmul.bf16 v24, v47;
	v15 =	vadd.f32 v31, v15;
	v31 =	vld [tilespmem:$0x1FAC0]  }
0x3a0: {  	v11 =	vadd.f32 v49, v11;
	v6 =	vadd.f32 v21, v6;
	v49 =	vld [tilespmem:$0x1FAA0]  }
0x3a1: {  	v21 =	vunpack.i.u.bf16.f32 v24;
	v10 =	vmul.bf16 v19, v10;
	v19 =	vunpack.i.l.bf16.f32 v24;
	v24 =	vld.idx.msk [tilespmem:v41+s17+$0x0], $0xffff  }
0x3a2: {  	v20 =	vmul.bf16 v26, v20;
	v26 =	vld.idx.msk [tilespmem:v41+s18+$0x0], $0xffff  }
0x3a3: {  	v36 =	vld.idx.msk [tilespmem:v50+s18+$0x0], $0xffff;
	v17 =	vmul.bf16 v17, v28  }
0x3a4: {  	v50 =	vld [tilespmem:$0x1FAB0];
	v14 =	vadd.f32 v59, v14;
	v29 =	vunpack.i.u.bf16.f32 v22  }
0x3a5: {  	v44 =	vld.idx.msk [tilespmem:v43+s17+$0x0], $0xffff;
	v8 =	vadd.f32 v29, v8;
	v29 =	vunpack.i.u.bf16.f32 v17  }
0x3a6: {  	v5 =	vadd.f32 v21, v5;
	v14 =	vadd.f32 v29, v14;
	v29 =	vld [tilespmem:$0x1FAE0]  }
0x3a7: {  	v46 =	vunpack.i.u.bf16.f32 v23;
	v23 =	vunpack.i.l.bf16.f32 v23;
	v21 =	vmul.bf16 v26, v24;
	v26 =	vld.idx.msk [tilespmem:v31+s17+$0x0], $0xffff  }
0x3a8: {  	v3 =	vadd.f32 v23, v3;
	v23 =	vld.idx.msk [tilespmem:v31+s18+$0x0], $0xffff  }
0x3a9: {  	v13 =	vadd.f32 v39, v13;
	v22 =	vunpack.i.l.bf16.f32 v22;
	v31 =	vld [tilespmem:$0x1FAD0]  }
0x3aa: {  	v1 =	vadd.f32 v22, v1;
	v22 =	vld.idx.msk [tilespmem:v49+s17+$0x0], $0xffff  }
0x3ab: {  	v13 =	vadd.f32 v56, v13;
	v27 =	vmul.bf16 v36, v51;
	v25 =	vmul.bf16 v25, v30;
	v30 =	vld.idx.msk [tilespmem:v49+s18+$0x0], $0xffff  }
0x3ac: {  	v12 =	vadd.f32 v55, v12;
	v47 =	vunpack.i.u.bf16.f32 v10;
	v10 =	vunpack.i.l.bf16.f32 v10;
	v28 =	vld.idx.msk [tilespmem:v43+s18+$0x0], $0xffff  }
0x3ad: {  	v2 =	vadd.f32 v19, v2;
	v9 =	vadd.f32 v10, v9;
	v42 =	vunpack.i.u.bf16.f32 v27  }
0x3ae: {  	v19 =	vld.idx.msk [tilespmem:v50+s17+$0x0], $0xffff;
	v27 =	vunpack.i.l.bf16.f32 v27;
	v48 =	vunpack.i.u.bf16.f32 v20;
	v18 =	vunpack.i.l.bf16.f32 v18  }
0x3af: {  	v20 =	vunpack.i.l.bf16.f32 v20;
	v17 =	vunpack.i.l.bf16.f32 v17;
	v0 =	vadd.f32 v18, v0;
	v18 =	vld.idx.msk [tilespmem:v50+s18+$0x0], $0xffff  }
0x3b0: {  	v6 =	vadd.f32 v20, v6;
	v4 =	vadd.f32 v17, v4;
	v17 =	vld.idx.msk [tilespmem:v29+s17+$0x0], $0xffff;
	v20 =	vmul.bf16 v30, v22  }
0x3b1: {  	v10 =	vadd.f32 v47, v12;
	v7 =	vadd.f32 v27, v7;
	v27 =	vmul.bf16 v28, v44;
	v28 =	vld.idx.msk [tilespmem:v31+s17+$0x0], $0xffff  }
0x3b2: {  	v12 =	vadd.f32 v48, v13;
	v13 =	vld.idx.msk [tilespmem:v31+s18+$0x0], $0xffff;
	v31 =	vunpack.i.u.bf16.f32 v20;
	v20 =	vunpack.i.l.bf16.f32 v20  }
0x3b3: {  	v20 =	vadd.f32 v20, v7;
	v7 =	vld [tilespmem:$0x1FB30]  }
0x3b4: {  	v16 =	vadd.f32 v52, v16;
	v29 =	vld.idx.msk [tilespmem:v29+s18+$0x0], $0xffff  }
0x3b5: {  	v11 =	vadd.f32 v42, v11  }
0x3b6: {  	v16 =	vadd.f32 v46, v16;
	v24 =	vunpack.i.u.bf16.f32 v25;
	v25 =	vunpack.i.l.bf16.f32 v25  }
0x3b7: {  	v18 =	vmul.bf16 v18, v19;
	v25 =	vadd.f32 v25, v1;
	v1 =	vmul.bf16 v13, v28  }
0x3b8: {  	v30 =	vunpack.i.u.bf16.f32 v27;
	v27 =	vunpack.i.l.bf16.f32 v27;
	v23 =	vmul.bf16 v23, v26;
	v26 =	vld [tilespmem:$0x1FB00]  }
0x3b9: {  	v28 =	vunpack.i.u.bf16.f32 v1;
	v55 =	vunpack.i.l.bf16.f32 v1;
	v1 =	vmul.bf16 v29, v17  }
0x3ba: {  	v52 =	vunpack.i.u.bf16.f32 v18;
	v0 =	vadd.f32 v27, v0;
	v27 =	vadd.f32 v30, v15  }
0x3bb: {  	v29 =	vunpack.i.u.bf16.f32 v1;
	v30 =	vunpack.i.l.bf16.f32 v1;
	v1 =	vadd.f32 v31, v11;
	v31 =	vld.idx.msk [tilespmem:v7+s17+$0x0], $0xffff  }
0x3bc: {  	v36 =	vadd.f32 v52, v16;
	v16 =	vld.idx.msk [tilespmem:v7+s18+$0x0], $0xffff  }
0x3bd: {  	v7 =	vld [tilespmem:$0x1FB40]  }
0x3be: {  	v22 =	vunpack.i.u.bf16.f32 v21;
	v21 =	vunpack.i.l.bf16.f32 v21  }
0x3bf: {  	v21 =	vadd.f32 v21, v2;
	v2 =	vld [tilespmem:$0x1FB10]  }
0x3c0: {  	v24 =	vadd.f32 v24, v8;
	v8 =	vld.idx.msk [tilespmem:v26+s17+$0x0], $0xffff  }
0x3c1: {  	v13 =	vld.idx.msk [tilespmem:v26+s18+$0x0], $0xffff;
	_ =	sdelay $0x2  }
0x3c2: {  	v51 =	vld [tilespmem:$0x1FAF0];
	v26 =	vunpack.i.u.bf16.f32 v23;
	v23 =	vunpack.i.l.bf16.f32 v23  }
0x3c3: {  	v37 =	vadd.f32 v23, v9;
	v23 =	vld.idx.msk [tilespmem:v7+s17+$0x0], $0xffff  }
0x3c4: {  	v59 =	vmul.bf16 v13, v8;
	v8 =	vadd.f32 v55, v6;
	v6 =	vld.idx.msk [tilespmem:v7+s18+$0x0], $0xffff  }
0x3c5: {  	v7 =	vld [tilespmem:$0x1FB50]  }
0x3c6: {  	v5 =	vadd.f32 v22, v5;
	v22 =	vld.idx.msk [tilespmem:v2+s17+$0x0], $0xffff  }
0x3c7: {  	v17 =	vld.idx.msk [tilespmem:v2+s18+$0x0], $0xffff  }
0x3c8: {  	v2 =	vld [tilespmem:$0x1FB20];
	_ =	sdelay $0x2  }
0x3c9: {  	v32 =	vld.idx.msk [tilespmem:v51+s18+$0x0], $0xffff  }
0x3ca: {  	v19 =	vld.idx.msk [tilespmem:v51+s17+$0x0], $0xffff  }
0x3cb: {  	v9 =	vadd.f32 v28, v12;
	v12 =	vld.idx.msk [tilespmem:v7+s17+$0x0], $0xffff  }
0x3cc: {  	v13 =	vadd.f32 v29, v14;
	v14 =	vld.idx.msk [tilespmem:v7+s18+$0x0], $0xffff  }
0x3cd: {  	v7 =	vld [tilespmem:$0x1FB60]  }
0x3ce: {  	v15 =	vld.idx.msk [tilespmem:v2+s17+$0x0], $0xffff  }
0x3cf: {  	v56 =	vld.idx.msk [tilespmem:v2+s18+$0x0], $0xffff  }
0x3d0: {  	v19 =	vmul.bf16 v32, v19  }
0x3d1: {  	v18 =	vunpack.i.l.bf16.f32 v18  }
0x3d2: {  	v10 =	vadd.f32 v26, v10;
	v11 =	vadd.f32 v30, v4;
	v4 =	vunpack.i.l.bf16.f32 v19  }
0x3d3: {  	v58 =	vld [tilespmem:$0x1FF70];
	v2 =	vadd.f32 v18, v3;
	v18 =	vunpack.i.u.bf16.f32 v19;
	v3 =	vmul.bf16 v17, v22  }
0x3d4: {  	v61 =	vld [tilespmem:$0x1FF90];
	v19 =	vunpack.i.u.bf16.f32 v59;
	v22 =	vunpack.i.l.bf16.f32 v59;
	v17 =	vmul.bf16 v56, v15  }
0x3d5: {  	s25 =	sadd.s32 $0x5, s25;
	v29 =	vunpack.i.l.bf16.f32 v3;
	v15 =	vadd.f32 v4, v25;
	v4 =	vmul.bf16 v16, v31;
	v26 =	vld.idx.msk [tilespmem:v7+s17+$0x0], $0xffff  }
0x3d6: {  	p0 =	slt.u32 s25, $0x14;
	v25 =	vunpack.i.u.bf16.f32 v3;
	v3 =	vunpack.i.u.bf16.f32 v17;
	v63 =	vunpack.i.l.bf16.f32 v17;
	v62 =	vld.idx.msk [tilespmem:v7+s18+$0x0], $0xffff  }
.Ltmp6:
0x3d7: {  	v57 =	vld [tilespmem:$0x1FF80];
	v17 =	vadd.f32 v18, v24;
	v18 =	vadd.f32 v22, v21;
	v28 =	vunpack.i.u.bf16.f32 v4;
	(pc) =	sbr.rel @p0 .LBB2_6-.Ltmp6, $4  }
0x3d8: {  	v60 =	vld [tilespmem:$0x1FF50];
	v4 =	vunpack.i.l.bf16.f32 v4;
	v6 =	vmul.bf16 v6, v23;
	v22 =	vadd.f32 v19, v5  }
0x3d9: {  	v45 =	vld [tilespmem:$0x1FF10];
	v21 =	vadd.f32 v29, v0;
	v24 =	vadd.f32 v25, v27;
	v0 =	vmul.bf16 v14, v12  }
0x3da: {  	v53 =	vld [tilespmem:$0x1FFB0];
	v25 =	vadd.f32 v63, v20;
	v30 =	vunpack.i.u.bf16.f32 v6;
	v32 =	vunpack.i.l.bf16.f32 v6  }
0x3db: {  	s26 =	sadd.s32 $0x50, s26;
	v54 =	vld [tilespmem:$0x1FFA0];
	v31 =	vunpack.i.u.bf16.f32 v0;
	v34 =	vunpack.i.l.bf16.f32 v0;
	v38 =	vmul.bf16 v62, v26  }
0x3dc: {  	v0 =	vadd.f32 v3, v1  }
0x3dd: {  	v46 =	vadd.f32 v4, v2;
	v47 =	vadd.f32 v28, v36  }
0x3de: {  	v49 =	vadd.f32 v32, v37;
	v5 =	vadd.f32 v30, v10  }
0x3df: {  	v7 =	vadd.f32 v34, v8;
	v50 =	vadd.f32 v31, v9  }
0x3e0: {  	v51 =	vadd.f32 v15, v17;
	v52 =	vadd.f32 v18, v22;
	v6 =	vunpack.i.l.bf16.f32 v38  }
0x3e1: {  	v55 =	vadd.f32 v21, v24;
	v48 =	vunpack.i.u.bf16.f32 v38;
	v6 =	vadd.f32 v6, v11  }
0x3e2: {  	v3 =	vadd.f32 v48, v13;
	v0 =	vadd.f32 v25, v0  }
0x3e3: {  	v1 =	vadd.f32 v46, v47;
	v56 =	vadd.f32 v49, v5  }
0x3e4: {  	v59 =	vadd.f32 v7, v50;
	v62 =	vadd.f32 v52, v51  }
.Ltmp7:
0x3e5: {  	v3 =	vadd.f32 v6, v3;
	v0 =	vadd.f32 v0, v55;
	(pc) =	sbr.rel .LBB2_8-.Ltmp7, $4  }
0x3e6: {  	v1 =	vadd.f32 v56, v1;
	[tilespmem:s24+$0xFFFFFFD0] =	vst v62  }
0x3e7: {  	v63 =	vadd.f32 v3, v59;
	[tilespmem:s24+$0xFFFFFFE0] =	vst v0  }
0x3e8: {  	[tilespmem:s24+$0xFFFFFFF0] =	vst v1  }
0x3e9: {  	v40 =	vlaneseq.u32;
	[tilespmem:s24+$0xFFFFFFC0] =	vst v63  }
.LBB2_10:
0x3ea: {  	_ =	sfence.sel $0x180000  }
0x3eb: {  	[bflag:$0x0] =	sbarrier.arrive $0xFFFF  }
0x3ec: {  	p0 =	sne.s32 s0, $0x0;
	_ =	strace $0x90000047  }
0x3ed: {  	s0 =	sadd.s32 @!p0 $0x100000, s1;
	[bflag:$0x2] =	sbarrier.arrive $0xFFFF  }
0x3ee: {  	[sflag:s0] =	ssyncadd.tile.s32 @!p0 $0x1;
	_ =	shalt  }
.Lfunc_end2:
_tile_overlayer_lowered:
.L_overlay_start_2:
0x3ef: {  	(tag) =	ssettag $0x2  }
0x3f0: {  	s0 =	rddreg [dreg:$0x0];
	s2 =	stileid.u32  }
0x3f1: {  	s1 =	rddreg [dreg:$0x1];
	p0 =	sne.s32 s2, $0x0  }
0x3f2: {  	s3 =	rddreg [dreg:$0x2];
	[bflag:$0x3] =	sbarrier.arrive $0xFFFF;
	s2 =	simm.s32 @!p0 $0x1C05  }
0x3f3: {  	[timem:s3], [sflag:s2] =	dma.local @!p0 [hbm:s0], s1  }
0x3f4: {  	s0 =	simm.s32 @!p0 $0x5  }
0x3f5: {  	_ =	swait.ge @!p0 [sflag:s0], s1  }
0x3f6: {  	s1 =	ssub.s32 @!p0 $0x0, s1;
	[sflag:s0] =	ssyncset.done @!p0 $0x0  }
0x3f7: {  	[sflag:s0] =	ssyncadd.s32 @!p0 s1  }
0x3f8: {  	[bflag:$0x3] =	sbarrier.arrive $0xFFFF  }
0x3f9: {  	_ =	shalt  }

</sc_bundles>
